<compile_context>
chip_gen: v7x
topology: tpu7x:2x2x1
jax: 0.10.2.dev20260603
libtpu: 0.0.44.dev20260713+nightly
codegen_flags: <defaults>
</compile_context>

<pallas_src>
import functools

import jax
import jax.numpy as jnp
from jax import lax
from jax.experimental import pallas as pl
from jax.experimental.pallas import tpu as pltpu
from jax.experimental.pallas import tpu_sc as plsc

LANES = 16


def _gather_body(fx_hbm, seg_hbm, out_hbm, fx_v, seg_v, out_v, *, n, epw):
    wid = lax.axis_index("s") * 2 + lax.axis_index("c")
    base = wid * epw
    pltpu.sync_copy(fx_hbm, fx_v)
    pltpu.sync_copy(seg_hbm.at[pl.ds(base, epw)], seg_v)

    def body(g, carry):
        for b in range(4):
            o = (g * 4 + b) * LANES
            idx = seg_v[pl.ds(o, LANES)]
            out_v[pl.ds(o, LANES)] = plsc.load_gather(fx_v, [idx])
        return carry

    lax.fori_loop(0, epw // (4 * LANES), body, 0)
    pltpu.sync_copy(out_v, out_hbm.at[pl.ds(base, epw)])


def _sc_gather(fx_flat, seg, n, e):
    epw = e // 32
    mesh = plsc.VectorSubcoreMesh(
        core_axis_name="c", subcore_axis_name="s", num_cores=2, num_subcores=16
    )
    kern = functools.partial(
        pl.kernel,
        out_type=jax.ShapeDtypeStruct((e,), jnp.float32),
        mesh=mesh,
        scratch_types=[
            pltpu.VMEM((n,), jnp.float32),
            pltpu.VMEM((epw,), jnp.int32),
            pltpu.VMEM((epw,), jnp.float32),
        ],
        compiler_params=pltpu.CompilerParams(needs_layout_passes=False),
    )(functools.partial(_gather_body, n=n, epw=epw))
    return kern(fx_flat, seg)


def _edge_body(nb_ref, fxr_ref, wct_ref, par_ref, z_ref, zs_ref, *, off_blk):
    tt = lax.dot_general(
        wct_ref[...], nb_ref[...],
        (((1,), (1,)), ((), ())),
        preferred_element_type=jnp.float32,
    )
    par = par_ref[...]
    blk = nb_ref.shape[0]
    off = (pl.program_id(0) + off_blk) * blk
    loff = pl.program_id(0) * blk
    fx = fxr_ref[pl.ds(off, blk)]
    h = jnp.tanh(tt + fx * par[:, 0:1] + par[:, 1:2])
    lp = jnp.sum(h * par[:, 2:3], axis=0) + par[0, 3]
    s = tt[12, :]
    logit = 1.0 / (1.0 + jnp.exp(-lp))
    z = jnp.exp(logit)
    z_ref[pl.ds(loff, blk)] = z
    zs_ref[pl.ds(loff, blk)] = z * s


def _tc_edges(neighbours, fx_row, wct, par, eh, blk, off_blk):
    grid = eh // blk
    e = fx_row.shape[0]
    return pl.pallas_call(
        functools.partial(_edge_body, off_blk=off_blk),
        grid=(grid,),
        in_specs=[
            pl.BlockSpec((blk, 128), lambda i: (i + off_blk, 0)),
            pl.BlockSpec((e,), lambda i: (0,)),
            pl.BlockSpec((16, 128), lambda i: (0, 0)),
            pl.BlockSpec((16, 128), lambda i: (0, 0)),
        ],
        out_specs=[
            pl.BlockSpec((eh,), lambda i: (0,)),
            pl.BlockSpec((eh,), lambda i: (0,)),
        ],
        out_shape=[
            jax.ShapeDtypeStruct((eh,), jnp.float32),
            jax.ShapeDtypeStruct((eh,), jnp.float32),
        ],
    )(neighbours, fx_row, wct, par)


def _scatter_body(
    z_hbm, zs_hbm, seg_hbm, zero_hbm, out_hbm,
    z_v, zs_v, seg_v, den_sh, num_sh, sem,
    *, rpt, nsl,
):
    cid = lax.axis_index("c")
    sid = lax.axis_index("s")

    @pl.when(sid == 0)
    def _():
        pltpu.sync_copy(zero_hbm, den_sh)
        pltpu.sync_copy(zero_hbm, num_sh)

    plsc.subcore_barrier()

    base = (sid * 2 + cid) * rpt
    cps = [
        pltpu.async_copy(z_hbm.at[pl.ds(base * 128, rpt * 128)], z_v, sem),
        pltpu.async_copy(zs_hbm.at[pl.ds(base * 128, rpt * 128)], zs_v, sem),
        pltpu.async_copy(seg_hbm.at[pl.ds(base, rpt)], seg_v, sem),
    ]
    for cp in cps:
        cp.wait()

    unroll = 8

    def body(g, carry):
        cps = []
        for b in range(unroll):
            c = g * unroll + b
            idx = seg_v.at[c]
            src_z = z_v.at[pl.ds(c * 128, 128)]
            src_zs = zs_v.at[pl.ds(c * 128, 128)]
            cps.append(pltpu.async_copy(src_z, den_sh.at[idx], sem, add=True))
            cps.append(pltpu.async_copy(src_zs, num_sh.at[idx], sem, add=True))
        for cp in cps:
            cp.wait()
        return carry

    lax.fori_loop(0, rpt // unroll, body, 0)
    plsc.subcore_barrier()

    nb = sid * nsl
    pltpu.sync_copy(den_sh.at[pl.ds(nb, nsl)], out_hbm.at[cid, 0, pl.ds(nb, nsl)])
    pltpu.sync_copy(num_sh.at[pl.ds(nb, nsl)], out_hbm.at[cid, 1, pl.ds(nb, nsl)])


def _sc_scatter(z1d, zs1d, seg2d, zeros, npad):
    rows = seg2d.shape[0]
    rpt = rows // 32
    nsl = npad // 16
    mesh = plsc.VectorSubcoreMesh(
        core_axis_name="c", subcore_axis_name="s", num_cores=2, num_subcores=16
    )
    kern = functools.partial(
        pl.kernel,
        out_type=jax.ShapeDtypeStruct((2, 2, npad), jnp.float32),
        mesh=mesh,
        scratch_types=[
            pltpu.VMEM((rpt * 128,), jnp.float32),
            pltpu.VMEM((rpt * 128,), jnp.float32),
            pltpu.VMEM((rpt, 128), jnp.int32),
            pltpu.VMEM_SHARED((npad,), jnp.float32),
            pltpu.VMEM_SHARED((npad,), jnp.float32),
            pltpu.SemaphoreType.DMA,
        ],
        compiler_params=pltpu.CompilerParams(needs_layout_passes=False),
    )(functools.partial(_scatter_body, rpt=rpt, nsl=nsl))
    return kern(z1d, zs1d, seg2d, zeros)


def _combine_body(*refs):
    part_refs = refs[:-3]
    fxp_ref, par_ref, out_ref = refs[-3:]
    den = jnp.zeros_like(fxp_ref[...])
    num = jnp.zeros_like(den)
    for pr in part_refs:
        p = pr[...]
        den = den + p[0, 0] + p[1, 0]
        num = num + p[0, 1] + p[1, 1]
    fx = fxp_ref[...]
    wg0 = par_ref[0, 4]
    bgc = par_ref[0, 5]
    ratio = jnp.where(den > 0.5, num / jnp.maximum(den, 0.5), 0.0)
    out_ref[...] = fx * wg0 + ratio + bgc


def _tc_combine(parts, fx_pad, par, npad):
    return pl.pallas_call(
        _combine_body,
        out_shape=jax.ShapeDtypeStruct((npad,), jnp.float32),
    )(*parts, fx_pad, par)


def kernel(f_x, neighbours, segment_ids, W1, b1, W2, b2, Wg, bg):
    n, e = f_x.shape[0], neighbours.shape[0]
    seg = segment_ids.astype(jnp.int32)
    fx_flat = f_x[:, 0]

    wct = jnp.pad(
        jnp.concatenate([W1[:, 1:], Wg[:, 1:]], axis=0), ((0, 3), (0, 0))
    )
    top = jnp.pad(jnp.stack([W1[:, 0], b1, W2[0, :]], axis=1), ((0, 4), (0, 0)))
    sc = jnp.pad(
        jnp.concatenate([b2, Wg[0, :1], bg])[None, :], ((0, 15), (0, 0))
    )
    par = jnp.pad(jnp.concatenate([top, sc], axis=1), ((0, 0), (0, 122)))

    blk = 6400
    nblk = e // blk
    half = nblk // 2
    splits = [nblk - half, half]
    npad = 16 * LANES * pl.cdiv(n, 16 * LANES)
    fx_pad = jnp.concatenate([fx_flat, jnp.zeros((npad - n,), jnp.float32)])
    zeros = jnp.zeros((npad,), jnp.float32)

    fx_e = _sc_gather(fx_flat, seg, n, e)

    parts = []
    off = 0
    for nb_chunk in splits:
        ec = nb_chunk * blk
        ehpad = 32 * 128 * 8 * pl.cdiv(ec, 32 * 128 * 8)
        rows = ehpad // 128
        zh, zsh = _tc_edges(neighbours, fx_e, wct, par, ec, blk, off)
        zpad = jnp.zeros((ehpad - ec,), jnp.float32)
        segh = jnp.concatenate(
            [seg[off * blk:off * blk + ec], zpad.astype(jnp.int32)]
        )
        zp = jnp.concatenate([zh, zpad])
        zsp = jnp.concatenate([zsh, zpad])
        parts.append(_sc_scatter(zp, zsp, segh.reshape(rows, 128), zeros, npad))
        off += nb_chunk

    out = _tc_combine(parts, fx_pad, par, npad)
    return out[:n][:, None]

# --- scband reference (transcript-rebuilt; emitter-appended) ---
"""Pipeline reference for scband-attention-regression-80771154969106 (READ-ONLY COPY).

The authoritative reference and input builder live on the scoring server;
editing this copy changes nothing except your own understanding.
"""

import jax, jax.numpy as jnp
import numpy as np

N_NODES = 10000
E = 320000
D_X = 1
D_N = 128
H = 12


def setup_inputs(seed: int = 0) -> dict:
    key = jax.random.key(seed)
    ks = jax.random.split(key, 9)
    f_x = jax.random.normal(ks[0], (N_NODES, D_X), dtype=jnp.float32)
    neighbours = jax.random.normal(ks[1], (E, D_N), dtype=jnp.float32)
    segment_ids = jnp.sort(jax.random.randint(ks[2], (E,), 0, N_NODES))
    W1 = jax.random.normal(ks[3], (H, D_X + D_N), dtype=jnp.float32) * 0.05
    b1 = jnp.full((H,), 0.01, dtype=jnp.float32)
    W2 = jax.random.normal(ks[4], (1, H), dtype=jnp.float32) * 0.05
    b2 = jnp.full((1,), 0.01, dtype=jnp.float32)
    Wg = jax.random.normal(ks[5], (1, D_X + D_N), dtype=jnp.float32) * 0.05
    bg = jnp.full((1,), 0.01, dtype=jnp.float32)
    return {"f_x": f_x, "neighbours": neighbours, "segment_ids": segment_ids,
            "W1": W1, "b1": b1, "W2": W2, "b2": b2, "Wg": Wg, "bg": bg}


def reference(f_x, neighbours, segment_ids, W1, b1, W2, b2, Wg, bg):
    # Gather each node's scalar feature to all of its edges (expand in original)
    fx_e = jnp.take(f_x, segment_ids, axis=0)            # [E, D_X]
    all_data = jnp.concatenate([fx_e, neighbours], axis=1)  # [E, D_X + D_N]
    # f: Linear -> Tanh -> Linear -> Sigmoid
    h = jnp.tanh(all_data @ W1.T + b1)
    logits = jax.nn.sigmoid(h @ W2.T + b2)[:, 0]          # [E]
    # per-node softmax over incident edges (softmax along dim=0 within each group)
    m = jax.ops.segment_max(logits, segment_ids, num_segments=N_NODES)
    m = jnp.where(jnp.isfinite(m), m, 0.0)
    e = jnp.exp(logits - jnp.take(m, segment_ids))
    denom = jax.ops.segment_sum(e, segment_ids, num_segments=N_NODES)
    attn = e / jnp.take(denom, segment_ids)               # [E]
    # attention-weighted sum of neighbour features per node
    emb = jax.ops.segment_sum(attn[:, None] * neighbours, segment_ids, num_segments=N_NODES)  # [N, D_N]
    embedded = jnp.concatenate([f_x, emb], axis=1)        # [N, D_X + D_N]
    return embedded @ Wg.T + bg                           # [N, 1]

if __name__ == "__main__":
    import jax
    _d = setup_inputs()
    print(jax.jit(kernel)(*tuple(_d.values())))

</pallas_src>

<mosaic_0001>
#map = affine_map<(d0, d1) -> (0)>
#map1 = affine_map<(d0, d1) -> (0, 0)>
#map2 = affine_map<(d0, d1) -> (0, 0, 0)>
module attributes {stable_mosaic.version = 14 : i64} {
  func.func @_scatter_body(%arg0: i32, %arg1: i32, %arg2: memref<163840xf32, #tpu.memory_space<hbm>>, %arg3: memref<163840xf32, #tpu.memory_space<hbm>>, %arg4: memref<1280x128xi32, #tpu.memory_space<hbm>>, %arg5: memref<10240xf32, #tpu.memory_space<hbm>>, %arg6: memref<2x2x10240xf32, #tpu.memory_space<hbm>>, %arg7: memref<5120xf32, #tpu.memory_space<vmem>>, %arg8: memref<5120xf32, #tpu.memory_space<vmem>>, %arg9: memref<40x128xi32, #tpu.memory_space<vmem>>, %arg10: memref<10240xf32, #tpu.memory_space<vmem_shared>>, %arg11: memref<10240xf32, #tpu.memory_space<vmem_shared>>, %arg12: memref<!tpu.dma_semaphore, #tpu.memory_space<semaphore_mem>>) attributes {dimension_semantics = [#tpu.dimension_semantics<core_parallel>, #tpu.dimension_semantics<subcore_parallel>], iteration_bounds = array<i64: 2, 16>, scalar_prefetch = 0 : i64, scratch_operands = 6 : i64, tpu.core_type = #tpu.core_type<sc_vector_subcore>, window_params = [{transform_indices = #map}, {transform_indices = #map}, {transform_indices = #map1}, {transform_indices = #map}, {transform_indices = #map2}]} {
    %eq3A = arith.constant 0 : i32
    %eq3A_0 = arith.cmpi eq, %arg1, %eq3A : i32
    %convert_element_type3A = arith.extui %eq3A_0 : i1 to i32
    %cond3A = arith.constant 0 : i32
    %cond3A_1 = arith.cmpi ne, %convert_element_type3A, %cond3A : i32
    scf.if %cond3A_1 {
      "tpu.region"() ({
        %run_scoped3A_32 = tpu.sem_alloc : memref<!tpu.dma_semaphore, #tpu.memory_space<semaphore_mem>>
        tpu.enqueue_dma source(%arg5 : memref<10240xf32, #tpu.memory_space<hbm>>) target(%arg10 : memref<10240xf32, #tpu.memory_space<vmem_shared>>) target_semaphore(%run_scoped3A_32 : memref<!tpu.dma_semaphore, #tpu.memory_space<semaphore_mem>>)
        tpu.wait_dma2 semaphore(%run_scoped3A_32 : memref<!tpu.dma_semaphore, #tpu.memory_space<semaphore_mem>>) src(%arg5 : memref<10240xf32, #tpu.memory_space<hbm>>) dst(%arg10 : memref<10240xf32, #tpu.memory_space<vmem_shared>>)
        tpu.yield
      }) : () -> ()
      "tpu.region"() ({
        %run_scoped3A_32 = tpu.sem_alloc : memref<!tpu.dma_semaphore, #tpu.memory_space<semaphore_mem>>
        tpu.enqueue_dma source(%arg5 : memref<10240xf32, #tpu.memory_space<hbm>>) target(%arg11 : memref<10240xf32, #tpu.memory_space<vmem_shared>>) target_semaphore(%run_scoped3A_32 : memref<!tpu.dma_semaphore, #tpu.memory_space<semaphore_mem>>)
        tpu.wait_dma2 semaphore(%run_scoped3A_32 : memref<!tpu.dma_semaphore, #tpu.memory_space<semaphore_mem>>) src(%arg5 : memref<10240xf32, #tpu.memory_space<hbm>>) dst(%arg11 : memref<10240xf32, #tpu.memory_space<vmem_shared>>)
        tpu.yield
      }) : () -> ()
    } else {
    }
    %barrier3A = arith.constant 0 : index
    tpu.barrier barrier_id(%barrier3A)
    %mul3A = arith.constant 2 : i32
    %mul3A_2 = arith.muli %arg1, %mul3A : i32
    %add3A = arith.addi %mul3A_2, %arg0 : i32
    %mul3A_3 = arith.constant 40 : i32
    %mul3A_4 = arith.muli %add3A, %mul3A_3 : i32
    %mul3A_5 = arith.constant 128 : i32
    %mul3A_6 = arith.muli %mul3A_4, %mul3A_5 : i32
    %dma_start3A = tpu.memref_slice %arg2[%mul3A_6] : memref<163840xf32, #tpu.memory_space<hbm>> -> memref<5120xf32, #tpu.memory_space<hbm>>
    %dma_start3A_7 = tpu.memref_slice %arg2[%mul3A_6] : memref<163840xf32, #tpu.memory_space<hbm>> -> memref<5120xf32, #tpu.memory_space<hbm>>
    tpu.enqueue_dma source(%dma_start3A_7 : memref<5120xf32, #tpu.memory_space<hbm>>) target(%arg7 : memref<5120xf32, #tpu.memory_space<vmem>>) target_semaphore(%arg12 : memref<!tpu.dma_semaphore, #tpu.memory_space<semaphore_mem>>)
    %mul3A_8 = arith.constant 128 : i32
    %mul3A_9 = arith.muli %mul3A_4, %mul3A_8 : i32
    %dma_start3A_10 = tpu.memref_slice %arg3[%mul3A_9] : memref<163840xf32, #tpu.memory_space<hbm>> -> memref<5120xf32, #tpu.memory_space<hbm>>
    %dma_start3A_11 = tpu.memref_slice %arg3[%mul3A_9] : memref<163840xf32, #tpu.memory_space<hbm>> -> memref<5120xf32, #tpu.memory_space<hbm>>
    tpu.enqueue_dma source(%dma_start3A_11 : memref<5120xf32, #tpu.memory_space<hbm>>) target(%arg8 : memref<5120xf32, #tpu.memory_space<vmem>>) target_semaphore(%arg12 : memref<!tpu.dma_semaphore, #tpu.memory_space<semaphore_mem>>)
    %dma_start3A_12 = arith.constant 0 : i32
    %dma_start3A_13 = tpu.memref_slice %arg4[%mul3A_4, %dma_start3A_12] : memref<1280x128xi32, #tpu.memory_space<hbm>> -> memref<40x128xi32, #tpu.memory_space<hbm>>
    %dma_start3A_14 = arith.constant 0 : i32
    %dma_start3A_15 = tpu.memref_slice %arg4[%mul3A_4, %dma_start3A_14] : memref<1280x128xi32, #tpu.memory_space<hbm>> -> memref<40x128xi32, #tpu.memory_space<hbm>>
    tpu.enqueue_dma source(%dma_start3A_15 : memref<40x128xi32, #tpu.memory_space<hbm>>) target(%arg9 : memref<40x128xi32, #tpu.memory_space<vmem>>) target_semaphore(%arg12 : memref<!tpu.dma_semaphore, #tpu.memory_space<semaphore_mem>>)
    %dma_wait3A = tpu.memref_slice %arg2[%mul3A_6] : memref<163840xf32, #tpu.memory_space<hbm>> -> memref<5120xf32, #tpu.memory_space<hbm>>
    %dma_wait3A_16 = tpu.memref_slice %arg2[%mul3A_6] : memref<163840xf32, #tpu.memory_space<hbm>> -> memref<5120xf32, #tpu.memory_space<hbm>>
    tpu.wait_dma2 semaphore(%arg12 : memref<!tpu.dma_semaphore, #tpu.memory_space<semaphore_mem>>) src(%dma_wait3A_16 : memref<5120xf32, #tpu.memory_space<hbm>>) dst(%arg7 : memref<5120xf32, #tpu.memory_space<vmem>>)
    %dma_wait3A_17 = tpu.memref_slice %arg3[%mul3A_9] : memref<163840xf32, #tpu.memory_space<hbm>> -> memref<5120xf32, #tpu.memory_space<hbm>>
    %dma_wait3A_18 = tpu.memref_slice %arg3[%mul3A_9] : memref<163840xf32, #tpu.memory_space<hbm>> -> memref<5120xf32, #tpu.memory_space<hbm>>
    tpu.wait_dma2 semaphore(%arg12 : memref<!tpu.dma_semaphore, #tpu.memory_space<semaphore_mem>>) src(%dma_wait3A_18 : memref<5120xf32, #tpu.memory_space<hbm>>) dst(%arg8 : memref<5120xf32, #tpu.memory_space<vmem>>)
    %dma_wait3A_19 = arith.constant 0 : i32
    %dma_wait3A_20 = tpu.memref_slice %arg4[%mul3A_4, %dma_wait3A_19] : memref<1280x128xi32, #tpu.memory_space<hbm>> -> memref<40x128xi32, #tpu.memory_space<hbm>>
    %dma_wait3A_21 = arith.constant 0 : i32
    %dma_wait3A_22 = tpu.memref_slice %arg4[%mul3A_4, %dma_wait3A_21] : memref<1280x128xi32, #tpu.memory_space<hbm>> -> memref<40x128xi32, #tpu.memory_space<hbm>>
    tpu.wait_dma2 semaphore(%arg12 : memref<!tpu.dma_semaphore, #tpu.memory_space<semaphore_mem>>) src(%dma_wait3A_22 : memref<40x128xi32, #tpu.memory_space<hbm>>) dst(%arg9 : memref<40x128xi32, #tpu.memory_space<vmem>>)
    %scan3A = arith.constant 0 : i32
    %scan3A_23 = arith.constant 0 : i32
    %scan3A_24 = arith.constant 5 : i32
    %scan3A_25 = arith.addi %scan3A_23, %scan3A_24 : i32
    %scan3A_26 = arith.constant 1 : i32
    scf.for %scan3A_32 = %scan3A_23 to %scan3A_25 step %scan3A_26  : i32 {
      %mul3A_33 = arith.constant 8 : i32
      %mul3A_34 = arith.muli %scan3A_32, %mul3A_33 : i32
      %add3A_35 = arith.constant 0 : i32
      %add3A_36 = arith.addi %mul3A_34, %add3A_35 : i32
      %mul3A_37 = arith.constant 128 : i32
      %mul3A_38 = arith.muli %add3A_36, %mul3A_37 : i32
      %mul3A_39 = arith.constant 128 : i32
      %mul3A_40 = arith.muli %add3A_36, %mul3A_39 : i32
      %dma_start3A_41 = tpu.memref_slice %arg7[%mul3A_38] : memref<5120xf32, #tpu.memory_space<vmem>> -> memref<128xf32, #tpu.memory_space<vmem>>
      %dma_start3A_42 = arith.constant 0 : i32
      %dma_start3A_43 = tpu.memref_slice %arg9[%add3A_36, %dma_start3A_42] : memref<40x128xi32, #tpu.memory_space<vmem>> -> memref<1x128xi32, #tpu.memory_space<vmem>>
      %dma_start3A_44 = tpu.memref_squeeze %dma_start3A_43 : memref<1x128xi32, #tpu.memory_space<vmem>> -> memref<128xi32, #tpu.memory_space<vmem>>
      %dma_start3A_45 = arith.constant 0 : i32
      %dma_start3A_46 = tpu.memref_slice %arg10[%dma_start3A_45] : memref<10240xf32, #tpu.memory_space<vmem_shared>> -> memref<10240xf32, #tpu.memory_space<vmem_shared>>
      tpu.enqueue_indirect_dma source(%dma_start3A_41 : memref<128xf32, #tpu.memory_space<vmem>>) target(%dma_start3A_46 : memref<10240xf32, #tpu.memory_space<vmem_shared>>) offsets(%dma_start3A_44 : memref<128xi32, #tpu.memory_space<vmem>>) semaphore(%arg12 : memref<!tpu.dma_semaphore, #tpu.memory_space<semaphore_mem>>) {add = true}
      %dma_start3A_47 = tpu.memref_slice %arg8[%mul3A_40] : memref<5120xf32, #tpu.memory_space<vmem>> -> memref<128xf32, #tpu.memory_space<vmem>>
      %dma_start3A_48 = arith.constant 0 : i32
      %dma_start3A_49 = tpu.memref_slice %arg9[%add3A_36, %dma_start3A_48] : memref<40x128xi32, #tpu.memory_space<vmem>> -> memref<1x128xi32, #tpu.memory_space<vmem>>
      %dma_start3A_50 = tpu.memref_squeeze %dma_start3A_49 : memref<1x128xi32, #tpu.memory_space<vmem>> -> memref<128xi32, #tpu.memory_space<vmem>>
      %dma_start3A_51 = arith.constant 0 : i32
      %dma_start3A_52 = tpu.memref_slice %arg11[%dma_start3A_51] : memref<10240xf32, #tpu.memory_space<vmem_shared>> -> memref<10240xf32, #tpu.memory_space<vmem_shared>>
      tpu.enqueue_indirect_dma source(%dma_start3A_47 : memref<128xf32, #tpu.memory_space<vmem>>) target(%dma_start3A_52 : memref<10240xf32, #tpu.memory_space<vmem_shared>>) offsets(%dma_start3A_50 : memref<128xi32, #tpu.memory_space<vmem>>) semaphore(%arg12 : memref<!tpu.dma_semaphore, #tpu.memory_space<semaphore_mem>>) {add = true}
      %mul3A_53 = arith.constant 8 : i32
      %mul3A_54 = arith.muli %scan3A_32, %mul3A_53 : i32
      %add3A_55 = arith.constant 1 : i32
      %add3A_56 = arith.addi %mul3A_54, %add3A_55 : i32
      %mul3A_57 = arith.constant 128 : i32
      %mul3A_58 = arith.muli %add3A_56, %mul3A_57 : i32
      %mul3A_59 = arith.constant 128 : i32
      %mul3A_60 = arith.muli %add3A_56, %mul3A_59 : i32
      %dma_start3A_61 = tpu.memref_slice %arg7[%mul3A_58] : memref<5120xf32, #tpu.memory_space<vmem>> -> memref<128xf32, #tpu.memory_space<vmem>>
      %dma_start3A_62 = arith.constant 0 : i32
      %dma_start3A_63 = tpu.memref_slice %arg9[%add3A_56, %dma_start3A_62] : memref<40x128xi32, #tpu.memory_space<vmem>> -> memref<1x128xi32, #tpu.memory_space<vmem>>
      %dma_start3A_64 = tpu.memref_squeeze %dma_start3A_63 : memref<1x128xi32, #tpu.memory_space<vmem>> -> memref<128xi32, #tpu.memory_space<vmem>>
      %dma_start3A_65 = arith.constant 0 : i32
      %dma_start3A_66 = tpu.memref_slice %arg10[%dma_start3A_65] : memref<10240xf32, #tpu.memory_space<vmem_shared>> -> memref<10240xf32, #tpu.memory_space<vmem_shared>>
      tpu.enqueue_indirect_dma source(%dma_start3A_61 : memref<128xf32, #tpu.memory_space<vmem>>) target(%dma_start3A_66 : memref<10240xf32, #tpu.memory_space<vmem_shared>>) offsets(%dma_start3A_64 : memref<128xi32, #tpu.memory_space<vmem>>) semaphore(%arg12 : memref<!tpu.dma_semaphore, #tpu.memory_space<semaphore_mem>>) {add = true}
      %dma_start3A_67 = tpu.memref_slice %arg8[%mul3A_60] : memref<5120xf32, #tpu.memory_space<vmem>> -> memref<128xf32, #tpu.memory_space<vmem>>
      %dma_start3A_68 = arith.constant 0 : i32
      %dma_start3A_69 = tpu.memref_slice %arg9[%add3A_56, %dma_start3A_68] : memref<40x128xi32, #tpu.memory_space<vmem>> -> memref<1x128xi32, #tpu.memory_space<vmem>>
      %dma_start3A_70 = tpu.memref_squeeze %dma_start3A_69 : memref<1x128xi32, #tpu.memory_space<vmem>> -> memref<128xi32, #tpu.memory_space<vmem>>
      %dma_start3A_71 = arith.constant 0 : i32
      %dma_start3A_72 = tpu.memref_slice %arg11[%dma_start3A_71] : memref<10240xf32, #tpu.memory_space<vmem_shared>> -> memref<10240xf32, #tpu.memory_space<vmem_shared>>
      tpu.enqueue_indirect_dma source(%dma_start3A_67 : memref<128xf32, #tpu.memory_space<vmem>>) target(%dma_start3A_72 : memref<10240xf32, #tpu.memory_space<vmem_shared>>) offsets(%dma_start3A_70 : memref<128xi32, #tpu.memory_space<vmem>>) semaphore(%arg12 : memref<!tpu.dma_semaphore, #tpu.memory_space<semaphore_mem>>) {add = true}
      %mul3A_73 = arith.constant 8 : i32
      %mul3A_74 = arith.muli %scan3A_32, %mul3A_73 : i32
      %add3A_75 = arith.constant 2 : i32
      %add3A_76 = arith.addi %mul3A_74, %add3A_75 : i32
      %mul3A_77 = arith.constant 128 : i32
      %mul3A_78 = arith.muli %add3A_76, %mul3A_77 : i32
      %mul3A_79 = arith.constant 128 : i32
      %mul3A_80 = arith.muli %add3A_76, %mul3A_79 : i32
      %dma_start3A_81 = tpu.memref_slice %arg7[%mul3A_78] : memref<5120xf32, #tpu.memory_space<vmem>> -> memref<128xf32, #tpu.memory_space<vmem>>
      %dma_start3A_82 = arith.constant 0 : i32
      %dma_start3A_83 = tpu.memref_slice %arg9[%add3A_76, %dma_start3A_82] : memref<40x128xi32, #tpu.memory_space<vmem>> -> memref<1x128xi32, #tpu.memory_space<vmem>>
      %dma_start3A_84 = tpu.memref_squeeze %dma_start3A_83 : memref<1x128xi32, #tpu.memory_space<vmem>> -> memref<128xi32, #tpu.memory_space<vmem>>
      %dma_start3A_85 = arith.constant 0 : i32
      %dma_start3A_86 = tpu.memref_slice %arg10[%dma_start3A_85] : memref<10240xf32, #tpu.memory_space<vmem_shared>> -> memref<10240xf32, #tpu.memory_space<vmem_shared>>
      tpu.enqueue_indirect_dma source(%dma_start3A_81 : memref<128xf32, #tpu.memory_space<vmem>>) target(%dma_start3A_86 : memref<10240xf32, #tpu.memory_space<vmem_shared>>) offsets(%dma_start3A_84 : memref<128xi32, #tpu.memory_space<vmem>>) semaphore(%arg12 : memref<!tpu.dma_semaphore, #tpu.memory_space<semaphore_mem>>) {add = true}
      %dma_start3A_87 = tpu.memref_slice %arg8[%mul3A_80] : memref<5120xf32, #tpu.memory_space<vmem>> -> memref<128xf32, #tpu.memory_space<vmem>>
      %dma_start3A_88 = arith.constant 0 : i32
      %dma_start3A_89 = tpu.memref_slice %arg9[%add3A_76, %dma_start3A_88] : memref<40x128xi32, #tpu.memory_space<vmem>> -> memref<1x128xi32, #tpu.memory_space<vmem>>
      %dma_start3A_90 = tpu.memref_squeeze %dma_start3A_89 : memref<1x128xi32, #tpu.memory_space<vmem>> -> memref<128xi32, #tpu.memory_space<vmem>>
      %dma_start3A_91 = arith.constant 0 : i32
      %dma_start3A_92 = tpu.memref_slice %arg11[%dma_start3A_91] : memref<10240xf32, #tpu.memory_space<vmem_shared>> -> memref<10240xf32, #tpu.memory_space<vmem_shared>>
      tpu.enqueue_indirect_dma source(%dma_start3A_87 : memref<128xf32, #tpu.memory_space<vmem>>) target(%dma_start3A_92 : memref<10240xf32, #tpu.memory_space<vmem_shared>>) offsets(%dma_start3A_90 : memref<128xi32, #tpu.memory_space<vmem>>) semaphore(%arg12 : memref<!tpu.dma_semaphore, #tpu.memory_space<semaphore_mem>>) {add = true}
      %mul3A_93 = arith.constant 8 : i32
      %mul3A_94 = arith.muli %scan3A_32, %mul3A_93 : i32
      %add3A_95 = arith.constant 3 : i32
      %add3A_96 = arith.addi %mul3A_94, %add3A_95 : i32
      %mul3A_97 = arith.constant 128 : i32
      %mul3A_98 = arith.muli %add3A_96, %mul3A_97 : i32
      %mul3A_99 = arith.constant 128 : i32
      %mul3A_100 = arith.muli %add3A_96, %mul3A_99 : i32
      %dma_start3A_101 = tpu.memref_slice %arg7[%mul3A_98] : memref<5120xf32, #tpu.memory_space<vmem>> -> memref<128xf32, #tpu.memory_space<vmem>>
      %dma_start3A_102 = arith.constant 0 : i32
      %dma_start3A_103 = tpu.memref_slice %arg9[%add3A_96, %dma_start3A_102] : memref<40x128xi32, #tpu.memory_space<vmem>> -> memref<1x128xi32, #tpu.memory_space<vmem>>
      %dma_start3A_104 = tpu.memref_squeeze %dma_start3A_103 : memref<1x128xi32, #tpu.memory_space<vmem>> -> memref<128xi32, #tpu.memory_space<vmem>>
      %dma_start3A_105 = arith.constant 0 : i32
      %dma_start3A_106 = tpu.memref_slice %arg10[%dma_start3A_105] : memref<10240xf32, #tpu.memory_space<vmem_shared>> -> memref<10240xf32, #tpu.memory_space<vmem_shared>>
      tpu.enqueue_indirect_dma source(%dma_start3A_101 : memref<128xf32, #tpu.memory_space<vmem>>) target(%dma_start3A_106 : memref<10240xf32, #tpu.memory_space<vmem_shared>>) offsets(%dma_start3A_104 : memref<128xi32, #tpu.memory_space<vmem>>) semaphore(%arg12 : memref<!tpu.dma_semaphore, #tpu.memory_space<semaphore_mem>>) {add = true}
      %dma_start3A_107 = tpu.memref_slice %arg8[%mul3A_100] : memref<5120xf32, #tpu.memory_space<vmem>> -> memref<128xf32, #tpu.memory_space<vmem>>
      %dma_start3A_108 = arith.constant 0 : i32
      %dma_start3A_109 = tpu.memref_slice %arg9[%add3A_96, %dma_start3A_108] : memref<40x128xi32, #tpu.memory_space<vmem>> -> memref<1x128xi32, #tpu.memory_space<vmem>>
      %dma_start3A_110 = tpu.memref_squeeze %dma_start3A_109 : memref<1x128xi32, #tpu.memory_space<vmem>> -> memref<128xi32, #tpu.memory_space<vmem>>
      %dma_start3A_111 = arith.constant 0 : i32
      %dma_start3A_112 = tpu.memref_slice %arg11[%dma_start3A_111] : memref<10240xf32, #tpu.memory_space<vmem_shared>> -> memref<10240xf32, #tpu.memory_space<vmem_shared>>
      tpu.enqueue_indirect_dma source(%dma_start3A_107 : memref<128xf32, #tpu.memory_space<vmem>>) target(%dma_start3A_112 : memref<10240xf32, #tpu.memory_space<vmem_shared>>) offsets(%dma_start3A_110 : memref<128xi32, #tpu.memory_space<vmem>>) semaphore(%arg12 : memref<!tpu.dma_semaphore, #tpu.memory_space<semaphore_mem>>) {add = true}
      %mul3A_113 = arith.constant 8 : i32
      %mul3A_114 = arith.muli %scan3A_32, %mul3A_113 : i32
      %add3A_115 = arith.constant 4 : i32
      %add3A_116 = arith.addi %mul3A_114, %add3A_115 : i32
      %mul3A_117 = arith.constant 128 : i32
      %mul3A_118 = arith.muli %add3A_116, %mul3A_117 : i32
      %mul3A_119 = arith.constant 128 : i32
      %mul3A_120 = arith.muli %add3A_116, %mul3A_119 : i32
      %dma_start3A_121 = tpu.memref_slice %arg7[%mul3A_118] : memref<5120xf32, #tpu.memory_space<vmem>> -> memref<128xf32, #tpu.memory_space<vmem>>
      %dma_start3A_122 = arith.constant 0 : i32
      %dma_start3A_123 = tpu.memref_slice %arg9[%add3A_116, %dma_start3A_122] : memref<40x128xi32, #tpu.memory_space<vmem>> -> memref<1x128xi32, #tpu.memory_space<vmem>>
      %dma_start3A_124 = tpu.memref_squeeze %dma_start3A_123 : memref<1x128xi32, #tpu.memory_space<vmem>> -> memref<128xi32, #tpu.memory_space<vmem>>
      %dma_start3A_125 = arith.constant 0 : i32
      %dma_start3A_126 = tpu.memref_slice %arg10[%dma_start3A_125] : memref<10240xf32, #tpu.memory_space<vmem_shared>> -> memref<10240xf32, #tpu.memory_space<vmem_shared>>
      tpu.enqueue_indirect_dma source(%dma_start3A_121 : memref<128xf32, #tpu.memory_space<vmem>>) target(%dma_start3A_126 : memref<10240xf32, #tpu.memory_space<vmem_shared>>) offsets(%dma_start3A_124 : memref<128xi32, #tpu.memory_space<vmem>>) semaphore(%arg12 : memref<!tpu.dma_semaphore, #tpu.memory_space<semaphore_mem>>) {add = true}
      %dma_start3A_127 = tpu.memref_slice %arg8[%mul3A_120] : memref<5120xf32, #tpu.memory_space<vmem>> -> memref<128xf32, #tpu.memory_space<vmem>>
      %dma_start3A_128 = arith.constant 0 : i32
      %dma_start3A_129 = tpu.memref_slice %arg9[%add3A_116, %dma_start3A_128] : memref<40x128xi32, #tpu.memory_space<vmem>> -> memref<1x128xi32, #tpu.memory_space<vmem>>
      %dma_start3A_130 = tpu.memref_squeeze %dma_start3A_129 : memref<1x128xi32, #tpu.memory_space<vmem>> -> memref<128xi32, #tpu.memory_space<vmem>>
      %dma_start3A_131 = arith.constant 0 : i32
      %dma_start3A_132 = tpu.memref_slice %arg11[%dma_start3A_131] : memref<10240xf32, #tpu.memory_space<vmem_shared>> -> memref<10240xf32, #tpu.memory_space<vmem_shared>>
      tpu.enqueue_indirect_dma source(%dma_start3A_127 : memref<128xf32, #tpu.memory_space<vmem>>) target(%dma_start3A_132 : memref<10240xf32, #tpu.memory_space<vmem_shared>>) offsets(%dma_start3A_130 : memref<128xi32, #tpu.memory_space<vmem>>) semaphore(%arg12 : memref<!tpu.dma_semaphore, #tpu.memory_space<semaphore_mem>>) {add = true}
      %mul3A_133 = arith.constant 8 : i32
      %mul3A_134 = arith.muli %scan3A_32, %mul3A_133 : i32
      %add3A_135 = arith.constant 5 : i32
      %add3A_136 = arith.addi %mul3A_134, %add3A_135 : i32
      %mul3A_137 = arith.constant 128 : i32
      %mul3A_138 = arith.muli %add3A_136, %mul3A_137 : i32
      %mul3A_139 = arith.constant 128 : i32
      %mul3A_140 = arith.muli %add3A_136, %mul3A_139 : i32
      %dma_start3A_141 = tpu.memref_slice %arg7[%mul3A_138] : memref<5120xf32, #tpu.memory_space<vmem>> -> memref<128xf32, #tpu.memory_space<vmem>>
      %dma_start3A_142 = arith.constant 0 : i32
      %dma_start3A_143 = tpu.memref_slice %arg9[%add3A_136, %dma_start3A_142] : memref<40x128xi32, #tpu.memory_space<vmem>> -> memref<1x128xi32, #tpu.memory_space<vmem>>
      %dma_start3A_144 = tpu.memref_squeeze %dma_start3A_143 : memref<1x128xi32, #tpu.memory_space<vmem>> -> memref<128xi32, #tpu.memory_space<vmem>>
      %dma_start3A_145 = arith.constant 0 : i32
      %dma_start3A_146 = tpu.memref_slice %arg10[%dma_start3A_145] : memref<10240xf32, #tpu.memory_space<vmem_shared>> -> memref<10240xf32, #tpu.memory_space<vmem_shared>>
      tpu.enqueue_indirect_dma source(%dma_start3A_141 : memref<128xf32, #tpu.memory_space<vmem>>) target(%dma_start3A_146 : memref<10240xf32, #tpu.memory_space<vmem_shared>>) offsets(%dma_start3A_144 : memref<128xi32, #tpu.memory_space<vmem>>) semaphore(%arg12 : memref<!tpu.dma_semaphore, #tpu.memory_space<semaphore_mem>>) {add = true}
      %dma_start3A_147 = tpu.memref_slice %arg8[%mul3A_140] : memref<5120xf32, #tpu.memory_space<vmem>> -> memref<128xf32, #tpu.memory_space<vmem>>
      %dma_start3A_148 = arith.constant 0 : i32
      %dma_start3A_149 = tpu.memref_slice %arg9[%add3A_136, %dma_start3A_148] : memref<40x128xi32, #tpu.memory_space<vmem>> -> memref<1x128xi32, #tpu.memory_space<vmem>>
      %dma_start3A_150 = tpu.memref_squeeze %dma_start3A_149 : memref<1x128xi32, #tpu.memory_space<vmem>> -> memref<128xi32, #tpu.memory_space<vmem>>
      %dma_start3A_151 = arith.constant 0 : i32
      %dma_start3A_152 = tpu.memref_slice %arg11[%dma_start3A_151] : memref<10240xf32, #tpu.memory_space<vmem_shared>> -> memref<10240xf32, #tpu.memory_space<vmem_shared>>
      tpu.enqueue_indirect_dma source(%dma_start3A_147 : memref<128xf32, #tpu.memory_space<vmem>>) target(%dma_start3A_152 : memref<10240xf32, #tpu.memory_space<vmem_shared>>) offsets(%dma_start3A_150 : memref<128xi32, #tpu.memory_space<vmem>>) semaphore(%arg12 : memref<!tpu.dma_semaphore, #tpu.memory_space<semaphore_mem>>) {add = true}
      %mul3A_153 = arith.constant 8 : i32
      %mul3A_154 = arith.muli %scan3A_32, %mul3A_153 : i32
      %add3A_155 = arith.constant 6 : i32
      %add3A_156 = arith.addi %mul3A_154, %add3A_155 : i32
      %mul3A_157 = arith.constant 128 : i32
      %mul3A_158 = arith.muli %add3A_156, %mul3A_157 : i32
      %mul3A_159 = arith.constant 128 : i32
      %mul3A_160 = arith.muli %add3A_156, %mul3A_159 : i32
      %dma_start3A_161 = tpu.memref_slice %arg7[%mul3A_158] : memref<5120xf32, #tpu.memory_space<vmem>> -> memref<128xf32, #tpu.memory_space<vmem>>
      %dma_start3A_162 = arith.constant 0 : i32
      %dma_start3A_163 = tpu.memref_slice %arg9[%add3A_156, %dma_start3A_162] : memref<40x128xi32, #tpu.memory_space<vmem>> -> memref<1x128xi32, #tpu.memory_space<vmem>>
      %dma_start3A_164 = tpu.memref_squeeze %dma_start3A_163 : memref<1x128xi32, #tpu.memory_space<vmem>> -> memref<128xi32, #tpu.memory_space<vmem>>
      %dma_start3A_165 = arith.constant 0 : i32
      %dma_start3A_166 = tpu.memref_slice %arg10[%dma_start3A_165] : memref<10240xf32, #tpu.memory_space<vmem_shared>> -> memref<10240xf32, #tpu.memory_space<vmem_shared>>
      tpu.enqueue_indirect_dma source(%dma_start3A_161 : memref<128xf32, #tpu.memory_space<vmem>>) target(%dma_start3A_166 : memref<10240xf32, #tpu.memory_space<vmem_shared>>) offsets(%dma_start3A_164 : memref<128xi32, #tpu.memory_space<vmem>>) semaphore(%arg12 : memref<!tpu.dma_semaphore, #tpu.memory_space<semaphore_mem>>) {add = true}
      %dma_start3A_167 = tpu.memref_slice %arg8[%mul3A_160] : memref<5120xf32, #tpu.memory_space<vmem>> -> memref<128xf32, #tpu.memory_space<vmem>>
      %dma_start3A_168 = arith.constant 0 : i32
      %dma_start3A_169 = tpu.memref_slice %arg9[%add3A_156, %dma_start3A_168] : memref<40x128xi32, #tpu.memory_space<vmem>> -> memref<1x128xi32, #tpu.memory_space<vmem>>
      %dma_start3A_170 = tpu.memref_squeeze %dma_start3A_169 : memref<1x128xi32, #tpu.memory_space<vmem>> -> memref<128xi32, #tpu.memory_space<vmem>>
      %dma_start3A_171 = arith.constant 0 : i32
      %dma_start3A_172 = tpu.memref_slice %arg11[%dma_start3A_171] : memref<10240xf32, #tpu.memory_space<vmem_shared>> -> memref<10240xf32, #tpu.memory_space<vmem_shared>>
      tpu.enqueue_indirect_dma source(%dma_start3A_167 : memref<128xf32, #tpu.memory_space<vmem>>) target(%dma_start3A_172 : memref<10240xf32, #tpu.memory_space<vmem_shared>>) offsets(%dma_start3A_170 : memref<128xi32, #tpu.memory_space<vmem>>) semaphore(%arg12 : memref<!tpu.dma_semaphore, #tpu.memory_space<semaphore_mem>>) {add = true}
      %mul3A_173 = arith.constant 8 : i32
      %mul3A_174 = arith.muli %scan3A_32, %mul3A_173 : i32
      %add3A_175 = arith.constant 7 : i32
      %add3A_176 = arith.addi %mul3A_174, %add3A_175 : i32
      %mul3A_177 = arith.constant 128 : i32
      %mul3A_178 = arith.muli %add3A_176, %mul3A_177 : i32
      %mul3A_179 = arith.constant 128 : i32
      %mul3A_180 = arith.muli %add3A_176, %mul3A_179 : i32
      %dma_start3A_181 = tpu.memref_slice %arg7[%mul3A_178] : memref<5120xf32, #tpu.memory_space<vmem>> -> memref<128xf32, #tpu.memory_space<vmem>>
      %dma_start3A_182 = arith.constant 0 : i32
      %dma_start3A_183 = tpu.memref_slice %arg9[%add3A_176, %dma_start3A_182] : memref<40x128xi32, #tpu.memory_space<vmem>> -> memref<1x128xi32, #tpu.memory_space<vmem>>
      %dma_start3A_184 = tpu.memref_squeeze %dma_start3A_183 : memref<1x128xi32, #tpu.memory_space<vmem>> -> memref<128xi32, #tpu.memory_space<vmem>>
      %dma_start3A_185 = arith.constant 0 : i32
      %dma_start3A_186 = tpu.memref_slice %arg10[%dma_start3A_185] : memref<10240xf32, #tpu.memory_space<vmem_shared>> -> memref<10240xf32, #tpu.memory_space<vmem_shared>>
      tpu.enqueue_indirect_dma source(%dma_start3A_181 : memref<128xf32, #tpu.memory_space<vmem>>) target(%dma_start3A_186 : memref<10240xf32, #tpu.memory_space<vmem_shared>>) offsets(%dma_start3A_184 : memref<128xi32, #tpu.memory_space<vmem>>) semaphore(%arg12 : memref<!tpu.dma_semaphore, #tpu.memory_space<semaphore_mem>>) {add = true}
      %dma_start3A_187 = tpu.memref_slice %arg8[%mul3A_180] : memref<5120xf32, #tpu.memory_space<vmem>> -> memref<128xf32, #tpu.memory_space<vmem>>
      %dma_start3A_188 = arith.constant 0 : i32
      %dma_start3A_189 = tpu.memref_slice %arg9[%add3A_176, %dma_start3A_188] : memref<40x128xi32, #tpu.memory_space<vmem>> -> memref<1x128xi32, #tpu.memory_space<vmem>>
      %dma_start3A_190 = tpu.memref_squeeze %dma_start3A_189 : memref<1x128xi32, #tpu.memory_space<vmem>> -> memref<128xi32, #tpu.memory_space<vmem>>
      %dma_start3A_191 = arith.constant 0 : i32
      %dma_start3A_192 = tpu.memref_slice %arg11[%dma_start3A_191] : memref<10240xf32, #tpu.memory_space<vmem_shared>> -> memref<10240xf32, #tpu.memory_space<vmem_shared>>
      tpu.enqueue_indirect_dma source(%dma_start3A_187 : memref<128xf32, #tpu.memory_space<vmem>>) target(%dma_start3A_192 : memref<10240xf32, #tpu.memory_space<vmem_shared>>) offsets(%dma_start3A_190 : memref<128xi32, #tpu.memory_space<vmem>>) semaphore(%arg12 : memref<!tpu.dma_semaphore, #tpu.memory_space<semaphore_mem>>) {add = true}
      %dma_wait3A_193 = tpu.memref_slice %arg7[%mul3A_38] : memref<5120xf32, #tpu.memory_space<vmem>> -> memref<128xf32, #tpu.memory_space<vmem>>
      %dma_wait3A_194 = arith.constant 0 : i32
      %dma_wait3A_195 = tpu.memref_slice %arg9[%add3A_36, %dma_wait3A_194] : memref<40x128xi32, #tpu.memory_space<vmem>> -> memref<1x128xi32, #tpu.memory_space<vmem>>
      %dma_wait3A_196 = tpu.memref_squeeze %dma_wait3A_195 : memref<1x128xi32, #tpu.memory_space<vmem>> -> memref<128xi32, #tpu.memory_space<vmem>>
      %dma_wait3A_197 = arith.constant 0 : i32
      %dma_wait3A_198 = tpu.memref_slice %arg10[%dma_wait3A_197] : memref<10240xf32, #tpu.memory_space<vmem_shared>> -> memref<10240xf32, #tpu.memory_space<vmem_shared>>
      tpu.wait_indirect_dma semaphore(%arg12 : memref<!tpu.dma_semaphore, #tpu.memory_space<semaphore_mem>>) src(%dma_wait3A_193 : memref<128xf32, #tpu.memory_space<vmem>>) dst(%dma_wait3A_198 : memref<10240xf32, #tpu.memory_space<vmem_shared>>)
      %dma_wait3A_199 = tpu.memref_slice %arg8[%mul3A_40] : memref<5120xf32, #tpu.memory_space<vmem>> -> memref<128xf32, #tpu.memory_space<vmem>>
      %dma_wait3A_200 = arith.constant 0 : i32
      %dma_wait3A_201 = tpu.memref_slice %arg9[%add3A_36, %dma_wait3A_200] : memref<40x128xi32, #tpu.memory_space<vmem>> -> memref<1x128xi32, #tpu.memory_space<vmem>>
      %dma_wait3A_202 = tpu.memref_squeeze %dma_wait3A_201 : memref<1x128xi32, #tpu.memory_space<vmem>> -> memref<128xi32, #tpu.memory_space<vmem>>
      %dma_wait3A_203 = arith.constant 0 : i32
      %dma_wait3A_204 = tpu.memref_slice %arg11[%dma_wait3A_203] : memref<10240xf32, #tpu.memory_space<vmem_shared>> -> memref<10240xf32, #tpu.memory_space<vmem_shared>>
      tpu.wait_indirect_dma semaphore(%arg12 : memref<!tpu.dma_semaphore, #tpu.memory_space<semaphore_mem>>) src(%dma_wait3A_199 : memref<128xf32, #tpu.memory_space<vmem>>) dst(%dma_wait3A_204 : memref<10240xf32, #tpu.memory_space<vmem_shared>>)
      %dma_wait3A_205 = tpu.memref_slice %arg7[%mul3A_58] : memref<5120xf32, #tpu.memory_space<vmem>> -> memref<128xf32, #tpu.memory_space<vmem>>
      %dma_wait3A_206 = arith.constant 0 : i32
      %dma_wait3A_207 = tpu.memref_slice %arg9[%add3A_56, %dma_wait3A_206] : memref<40x128xi32, #tpu.memory_space<vmem>> -> memref<1x128xi32, #tpu.memory_space<vmem>>
      %dma_wait3A_208 = tpu.memref_squeeze %dma_wait3A_207 : memref<1x128xi32, #tpu.memory_space<vmem>> -> memref<128xi32, #tpu.memory_space<vmem>>
      %dma_wait3A_209 = arith.constant 0 : i32
      %dma_wait3A_210 = tpu.memref_slice %arg10[%dma_wait3A_209] : memref<10240xf32, #tpu.memory_space<vmem_shared>> -> memref<10240xf32, #tpu.memory_space<vmem_shared>>
      tpu.wait_indirect_dma semaphore(%arg12 : memref<!tpu.dma_semaphore, #tpu.memory_space<semaphore_mem>>) src(%dma_wait3A_205 : memref<128xf32, #tpu.memory_space<vmem>>) dst(%dma_wait3A_210 : memref<10240xf32, #tpu.memory_space<vmem_shared>>)
      %dma_wait3A_211 = tpu.memref_slice %arg8[%mul3A_60] : memref<5120xf32, #tpu.memory_space<vmem>> -> memref<128xf32, #tpu.memory_space<vmem>>
      %dma_wait3A_212 = arith.constant 0 : i32
      %dma_wait3A_213 = tpu.memref_slice %arg9[%add3A_56, %dma_wait3A_212] : memref<40x128xi32, #tpu.memory_space<vmem>> -> memref<1x128xi32, #tpu.memory_space<vmem>>
      %dma_wait3A_214 = tpu.memref_squeeze %dma_wait3A_213 : memref<1x128xi32, #tpu.memory_space<vmem>> -> memref<128xi32, #tpu.memory_space<vmem>>
      %dma_wait3A_215 = arith.constant 0 : i32
      %dma_wait3A_216 = tpu.memref_slice %arg11[%dma_wait3A_215] : memref<10240xf32, #tpu.memory_space<vmem_shared>> -> memref<10240xf32, #tpu.memory_space<vmem_shared>>
      tpu.wait_indirect_dma semaphore(%arg12 : memref<!tpu.dma_semaphore, #tpu.memory_space<semaphore_mem>>) src(%dma_wait3A_211 : memref<128xf32, #tpu.memory_space<vmem>>) dst(%dma_wait3A_216 : memref<10240xf32, #tpu.memory_space<vmem_shared>>)
      %dma_wait3A_217 = tpu.memref_slice %arg7[%mul3A_78] : memref<5120xf32, #tpu.memory_space<vmem>> -> memref<128xf32, #tpu.memory_space<vmem>>
      %dma_wait3A_218 = arith.constant 0 : i32
      %dma_wait3A_219 = tpu.memref_slice %arg9[%add3A_76, %dma_wait3A_218] : memref<40x128xi32, #tpu.memory_space<vmem>> -> memref<1x128xi32, #tpu.memory_space<vmem>>
      %dma_wait3A_220 = tpu.memref_squeeze %dma_wait3A_219 : memref<1x128xi32, #tpu.memory_space<vmem>> -> memref<128xi32, #tpu.memory_space<vmem>>
      %dma_wait3A_221 = arith.constant 0 : i32
      %dma_wait3A_222 = tpu.memref_slice %arg10[%dma_wait3A_221] : memref<10240xf32, #tpu.memory_space<vmem_shared>> -> memref<10240xf32, #tpu.memory_space<vmem_shared>>
      tpu.wait_indirect_dma semaphore(%arg12 : memref<!tpu.dma_semaphore, #tpu.memory_space<semaphore_mem>>) src(%dma_wait3A_217 : memref<128xf32, #tpu.memory_space<vmem>>) dst(%dma_wait3A_222 : memref<10240xf32, #tpu.memory_space<vmem_shared>>)
      %dma_wait3A_223 = tpu.memref_slice %arg8[%mul3A_80] : memref<5120xf32, #tpu.memory_space<vmem>> -> memref<128xf32, #tpu.memory_space<vmem>>
      %dma_wait3A_224 = arith.constant 0 : i32
      %dma_wait3A_225 = tpu.memref_slice %arg9[%add3A_76, %dma_wait3A_224] : memref<40x128xi32, #tpu.memory_space<vmem>> -> memref<1x128xi32, #tpu.memory_space<vmem>>
      %dma_wait3A_226 = tpu.memref_squeeze %dma_wait3A_225 : memref<1x128xi32, #tpu.memory_space<vmem>> -> memref<128xi32, #tpu.memory_space<vmem>>
      %dma_wait3A_227 = arith.constant 0 : i32
      %dma_wait3A_228 = tpu.memref_slice %arg11[%dma_wait3A_227] : memref<10240xf32, #tpu.memory_space<vmem_shared>> -> memref<10240xf32, #tpu.memory_space<vmem_shared>>
      tpu.wait_indirect_dma semaphore(%arg12 : memref<!tpu.dma_semaphore, #tpu.memory_space<semaphore_mem>>) src(%dma_wait3A_223 : memref<128xf32, #tpu.memory_space<vmem>>) dst(%dma_wait3A_228 : memref<10240xf32, #tpu.memory_space<vmem_shared>>)
      %dma_wait3A_229 = tpu.memref_slice %arg7[%mul3A_98] : memref<5120xf32, #tpu.memory_space<vmem>> -> memref<128xf32, #tpu.memory_space<vmem>>
      %dma_wait3A_230 = arith.constant 0 : i32
      %dma_wait3A_231 = tpu.memref_slice %arg9[%add3A_96, %dma_wait3A_230] : memref<40x128xi32, #tpu.memory_space<vmem>> -> memref<1x128xi32, #tpu.memory_space<vmem>>
      %dma_wait3A_232 = tpu.memref_squeeze %dma_wait3A_231 : memref<1x128xi32, #tpu.memory_space<vmem>> -> memref<128xi32, #tpu.memory_space<vmem>>
      %dma_wait3A_233 = arith.constant 0 : i32
      %dma_wait3A_234 = tpu.memref_slice %arg10[%dma_wait3A_233] : memref<10240xf32, #tpu.memory_space<vmem_shared>> -> memref<10240xf32, #tpu.memory_space<vmem_shared>>
      tpu.wait_indirect_dma semaphore(%arg12 : memref<!tpu.dma_semaphore, #tpu.memory_space<semaphore_mem>>) src(%dma_wait3A_229 : memref<128xf32, #tpu.memory_space<vmem>>) dst(%dma_wait3A_234 : memref<10240xf32, #tpu.memory_space<vmem_shared>>)
      %dma_wait3A_235 = tpu.memref_slice %arg8[%mul3A_100] : memref<5120xf32, #tpu.memory_space<vmem>> -> memref<128xf32, #tpu.memory_space<vmem>>
      %dma_wait3A_236 = arith.constant 0 : i32
      %dma_wait3A_237 = tpu.memref_slice %arg9[%add3A_96, %dma_wait3A_236] : memref<40x128xi32, #tpu.memory_space<vmem>> -> memref<1x128xi32, #tpu.memory_space<vmem>>
      %dma_wait3A_238 = tpu.memref_squeeze %dma_wait3A_237 : memref<1x128xi32, #tpu.memory_space<vmem>> -> memref<128xi32, #tpu.memory_space<vmem>>
      %dma_wait3A_239 = arith.constant 0 : i32
      %dma_wait3A_240 = tpu.memref_slice %arg11[%dma_wait3A_239] : memref<10240xf32, #tpu.memory_space<vmem_shared>> -> memref<10240xf32, #tpu.memory_space<vmem_shared>>
      tpu.wait_indirect_dma semaphore(%arg12 : memref<!tpu.dma_semaphore, #tpu.memory_space<semaphore_mem>>) src(%dma_wait3A_235 : memref<128xf32, #tpu.memory_space<vmem>>) dst(%dma_wait3A_240 : memref<10240xf32, #tpu.memory_space<vmem_shared>>)
      %dma_wait3A_241 = tpu.memref_slice %arg7[%mul3A_118] : memref<5120xf32, #tpu.memory_space<vmem>> -> memref<128xf32, #tpu.memory_space<vmem>>
      %dma_wait3A_242 = arith.constant 0 : i32
      %dma_wait3A_243 = tpu.memref_slice %arg9[%add3A_116, %dma_wait3A_242] : memref<40x128xi32, #tpu.memory_space<vmem>> -> memref<1x128xi32, #tpu.memory_space<vmem>>
      %dma_wait3A_244 = tpu.memref_squeeze %dma_wait3A_243 : memref<1x128xi32, #tpu.memory_space<vmem>> -> memref<128xi32, #tpu.memory_space<vmem>>
      %dma_wait3A_245 = arith.constant 0 : i32
      %dma_wait3A_246 = tpu.memref_slice %arg10[%dma_wait3A_245] : memref<10240xf32, #tpu.memory_space<vmem_shared>> -> memref<10240xf32, #tpu.memory_space<vmem_shared>>
      tpu.wait_indirect_dma semaphore(%arg12 : memref<!tpu.dma_semaphore, #tpu.memory_space<semaphore_mem>>) src(%dma_wait3A_241 : memref<128xf32, #tpu.memory_space<vmem>>) dst(%dma_wait3A_246 : memref<10240xf32, #tpu.memory_space<vmem_shared>>)
      %dma_wait3A_247 = tpu.memref_slice %arg8[%mul3A_120] : memref<5120xf32, #tpu.memory_space<vmem>> -> memref<128xf32, #tpu.memory_space<vmem>>
      %dma_wait3A_248 = arith.constant 0 : i32
      %dma_wait3A_249 = tpu.memref_slice %arg9[%add3A_116, %dma_wait3A_248] : memref<40x128xi32, #tpu.memory_space<vmem>> -> memref<1x128xi32, #tpu.memory_space<vmem>>
      %dma_wait3A_250 = tpu.memref_squeeze %dma_wait3A_249 : memref<1x128xi32, #tpu.memory_space<vmem>> -> memref<128xi32, #tpu.memory_space<vmem>>
      %dma_wait3A_251 = arith.constant 0 : i32
      %dma_wait3A_252 = tpu.memref_slice %arg11[%dma_wait3A_251] : memref<10240xf32, #tpu.memory_space<vmem_shared>> -> memref<10240xf32, #tpu.memory_space<vmem_shared>>
      tpu.wait_indirect_dma semaphore(%arg12 : memref<!tpu.dma_semaphore, #tpu.memory_space<semaphore_mem>>) src(%dma_wait3A_247 : memref<128xf32, #tpu.memory_space<vmem>>) dst(%dma_wait3A_252 : memref<10240xf32, #tpu.memory_space<vmem_shared>>)
      %dma_wait3A_253 = tpu.memref_slice %arg7[%mul3A_138] : memref<5120xf32, #tpu.memory_space<vmem>> -> memref<128xf32, #tpu.memory_space<vmem>>
      %dma_wait3A_254 = arith.constant 0 : i32
      %dma_wait3A_255 = tpu.memref_slice %arg9[%add3A_136, %dma_wait3A_254] : memref<40x128xi32, #tpu.memory_space<vmem>> -> memref<1x128xi32, #tpu.memory_space<vmem>>
      %dma_wait3A_256 = tpu.memref_squeeze %dma_wait3A_255 : memref<1x128xi32, #tpu.memory_space<vmem>> -> memref<128xi32, #tpu.memory_space<vmem>>
      %dma_wait3A_257 = arith.constant 0 : i32
      %dma_wait3A_258 = tpu.memref_slice %arg10[%dma_wait3A_257] : memref<10240xf32, #tpu.memory_space<vmem_shared>> -> memref<10240xf32, #tpu.memory_space<vmem_shared>>
      tpu.wait_indirect_dma semaphore(%arg12 : memref<!tpu.dma_semaphore, #tpu.memory_space<semaphore_mem>>) src(%dma_wait3A_253 : memref<128xf32, #tpu.memory_space<vmem>>) dst(%dma_wait3A_258 : memref<10240xf32, #tpu.memory_space<vmem_shared>>)
      %dma_wait3A_259 = tpu.memref_slice %arg8[%mul3A_140] : memref<5120xf32, #tpu.memory_space<vmem>> -> memref<128xf32, #tpu.memory_space<vmem>>
      %dma_wait3A_260 = arith.constant 0 : i32
      %dma_wait3A_261 = tpu.memref_slice %arg9[%add3A_136, %dma_wait3A_260] : memref<40x128xi32, #tpu.memory_space<vmem>> -> memref<1x128xi32, #tpu.memory_space<vmem>>
      %dma_wait3A_262 = tpu.memref_squeeze %dma_wait3A_261 : memref<1x128xi32, #tpu.memory_space<vmem>> -> memref<128xi32, #tpu.memory_space<vmem>>
      %dma_wait3A_263 = arith.constant 0 : i32
      %dma_wait3A_264 = tpu.memref_slice %arg11[%dma_wait3A_263] : memref<10240xf32, #tpu.memory_space<vmem_shared>> -> memref<10240xf32, #tpu.memory_space<vmem_shared>>
      tpu.wait_indirect_dma semaphore(%arg12 : memref<!tpu.dma_semaphore, #tpu.memory_space<semaphore_mem>>) src(%dma_wait3A_259 : memref<128xf32, #tpu.memory_space<vmem>>) dst(%dma_wait3A_264 : memref<10240xf32, #tpu.memory_space<vmem_shared>>)
      %dma_wait3A_265 = tpu.memref_slice %arg7[%mul3A_158] : memref<5120xf32, #tpu.memory_space<vmem>> -> memref<128xf32, #tpu.memory_space<vmem>>
      %dma_wait3A_266 = arith.constant 0 : i32
      %dma_wait3A_267 = tpu.memref_slice %arg9[%add3A_156, %dma_wait3A_266] : memref<40x128xi32, #tpu.memory_space<vmem>> -> memref<1x128xi32, #tpu.memory_space<vmem>>
      %dma_wait3A_268 = tpu.memref_squeeze %dma_wait3A_267 : memref<1x128xi32, #tpu.memory_space<vmem>> -> memref<128xi32, #tpu.memory_space<vmem>>
      %dma_wait3A_269 = arith.constant 0 : i32
      %dma_wait3A_270 = tpu.memref_slice %arg10[%dma_wait3A_269] : memref<10240xf32, #tpu.memory_space<vmem_shared>> -> memref<10240xf32, #tpu.memory_space<vmem_shared>>
      tpu.wait_indirect_dma semaphore(%arg12 : memref<!tpu.dma_semaphore, #tpu.memory_space<semaphore_mem>>) src(%dma_wait3A_265 : memref<128xf32, #tpu.memory_space<vmem>>) dst(%dma_wait3A_270 : memref<10240xf32, #tpu.memory_space<vmem_shared>>)
      %dma_wait3A_271 = tpu.memref_slice %arg8[%mul3A_160] : memref<5120xf32, #tpu.memory_space<vmem>> -> memref<128xf32, #tpu.memory_space<vmem>>
      %dma_wait3A_272 = arith.constant 0 : i32
      %dma_wait3A_273 = tpu.memref_slice %arg9[%add3A_156, %dma_wait3A_272] : memref<40x128xi32, #tpu.memory_space<vmem>> -> memref<1x128xi32, #tpu.memory_space<vmem>>
      %dma_wait3A_274 = tpu.memref_squeeze %dma_wait3A_273 : memref<1x128xi32, #tpu.memory_space<vmem>> -> memref<128xi32, #tpu.memory_space<vmem>>
      %dma_wait3A_275 = arith.constant 0 : i32
      %dma_wait3A_276 = tpu.memref_slice %arg11[%dma_wait3A_275] : memref<10240xf32, #tpu.memory_space<vmem_shared>> -> memref<10240xf32, #tpu.memory_space<vmem_shared>>
      tpu.wait_indirect_dma semaphore(%arg12 : memref<!tpu.dma_semaphore, #tpu.memory_space<semaphore_mem>>) src(%dma_wait3A_271 : memref<128xf32, #tpu.memory_space<vmem>>) dst(%dma_wait3A_276 : memref<10240xf32, #tpu.memory_space<vmem_shared>>)
      %dma_wait3A_277 = tpu.memref_slice %arg7[%mul3A_178] : memref<5120xf32, #tpu.memory_space<vmem>> -> memref<128xf32, #tpu.memory_space<vmem>>
      %dma_wait3A_278 = arith.constant 0 : i32
      %dma_wait3A_279 = tpu.memref_slice %arg9[%add3A_176, %dma_wait3A_278] : memref<40x128xi32, #tpu.memory_space<vmem>> -> memref<1x128xi32, #tpu.memory_space<vmem>>
      %dma_wait3A_280 = tpu.memref_squeeze %dma_wait3A_279 : memref<1x128xi32, #tpu.memory_space<vmem>> -> memref<128xi32, #tpu.memory_space<vmem>>
      %dma_wait3A_281 = arith.constant 0 : i32
      %dma_wait3A_282 = tpu.memref_slice %arg10[%dma_wait3A_281] : memref<10240xf32, #tpu.memory_space<vmem_shared>> -> memref<10240xf32, #tpu.memory_space<vmem_shared>>
      tpu.wait_indirect_dma semaphore(%arg12 : memref<!tpu.dma_semaphore, #tpu.memory_space<semaphore_mem>>) src(%dma_wait3A_277 : memref<128xf32, #tpu.memory_space<vmem>>) dst(%dma_wait3A_282 : memref<10240xf32, #tpu.memory_space<vmem_shared>>)
      %dma_wait3A_283 = tpu.memref_slice %arg8[%mul3A_180] : memref<5120xf32, #tpu.memory_space<vmem>> -> memref<128xf32, #tpu.memory_space<vmem>>
      %dma_wait3A_284 = arith.constant 0 : i32
      %dma_wait3A_285 = tpu.memref_slice %arg9[%add3A_176, %dma_wait3A_284] : memref<40x128xi32, #tpu.memory_space<vmem>> -> memref<1x128xi32, #tpu.memory_space<vmem>>
      %dma_wait3A_286 = tpu.memref_squeeze %dma_wait3A_285 : memref<1x128xi32, #tpu.memory_space<vmem>> -> memref<128xi32, #tpu.memory_space<vmem>>
      %dma_wait3A_287 = arith.constant 0 : i32
      %dma_wait3A_288 = tpu.memref_slice %arg11[%dma_wait3A_287] : memref<10240xf32, #tpu.memory_space<vmem_shared>> -> memref<10240xf32, #tpu.memory_space<vmem_shared>>
      tpu.wait_indirect_dma semaphore(%arg12 : memref<!tpu.dma_semaphore, #tpu.memory_space<semaphore_mem>>) src(%dma_wait3A_283 : memref<128xf32, #tpu.memory_space<vmem>>) dst(%dma_wait3A_288 : memref<10240xf32, #tpu.memory_space<vmem_shared>>)
    }
    %scan3A_27 = arith.constant 5 : i32
    %barrier3A_28 = arith.constant 0 : index
    tpu.barrier barrier_id(%barrier3A_28)
    %mul3A_29 = arith.constant 640 : i32
    %mul3A_30 = arith.muli %arg1, %mul3A_29 : i32
    %run_scoped3A = arith.constant 0 : i32
    "tpu.region"() ({
      %run_scoped3A_32 = tpu.sem_alloc : memref<!tpu.dma_semaphore, #tpu.memory_space<semaphore_mem>>
      %dma_start3A_33 = tpu.memref_slice %arg6[%arg0, %run_scoped3A, %mul3A_30] : memref<2x2x10240xf32, #tpu.memory_space<hbm>> -> memref<1x1x640xf32, #tpu.memory_space<hbm>>
      %dma_start3A_34 = tpu.memref_squeeze %dma_start3A_33 : memref<1x1x640xf32, #tpu.memory_space<hbm>> -> memref<640xf32, #tpu.memory_space<hbm>>
      %dma_start3A_35 = tpu.memref_slice %arg10[%mul3A_30] : memref<10240xf32, #tpu.memory_space<vmem_shared>> -> memref<640xf32, #tpu.memory_space<vmem_shared>>
      tpu.enqueue_dma source(%dma_start3A_35 : memref<640xf32, #tpu.memory_space<vmem_shared>>) target(%dma_start3A_34 : memref<640xf32, #tpu.memory_space<hbm>>) target_semaphore(%run_scoped3A_32 : memref<!tpu.dma_semaphore, #tpu.memory_space<semaphore_mem>>)
      %dma_wait3A_36 = tpu.memref_slice %arg6[%arg0, %run_scoped3A, %mul3A_30] : memref<2x2x10240xf32, #tpu.memory_space<hbm>> -> memref<1x1x640xf32, #tpu.memory_space<hbm>>
      %dma_wait3A_37 = tpu.memref_squeeze %dma_wait3A_36 : memref<1x1x640xf32, #tpu.memory_space<hbm>> -> memref<640xf32, #tpu.memory_space<hbm>>
      %dma_wait3A_38 = tpu.memref_slice %arg10[%mul3A_30] : memref<10240xf32, #tpu.memory_space<vmem_shared>> -> memref<640xf32, #tpu.memory_space<vmem_shared>>
      tpu.wait_dma2 semaphore(%run_scoped3A_32 : memref<!tpu.dma_semaphore, #tpu.memory_space<semaphore_mem>>) src(%dma_wait3A_38 : memref<640xf32, #tpu.memory_space<vmem_shared>>) dst(%dma_wait3A_37 : memref<640xf32, #tpu.memory_space<hbm>>)
      tpu.yield
    }) : () -> ()
    %run_scoped3A_31 = arith.constant 1 : i32
    "tpu.region"() ({
      %run_scoped3A_32 = tpu.sem_alloc : memref<!tpu.dma_semaphore, #tpu.memory_space<semaphore_mem>>
      %dma_start3A_33 = tpu.memref_slice %arg6[%arg0, %run_scoped3A_31, %mul3A_30] : memref<2x2x10240xf32, #tpu.memory_space<hbm>> -> memref<1x1x640xf32, #tpu.memory_space<hbm>>
      %dma_start3A_34 = tpu.memref_squeeze %dma_start3A_33 : memref<1x1x640xf32, #tpu.memory_space<hbm>> -> memref<640xf32, #tpu.memory_space<hbm>>
      %dma_start3A_35 = tpu.memref_slice %arg11[%mul3A_30] : memref<10240xf32, #tpu.memory_space<vmem_shared>> -> memref<640xf32, #tpu.memory_space<vmem_shared>>
      tpu.enqueue_dma source(%dma_start3A_35 : memref<640xf32, #tpu.memory_space<vmem_shared>>) target(%dma_start3A_34 : memref<640xf32, #tpu.memory_space<hbm>>) target_semaphore(%run_scoped3A_32 : memref<!tpu.dma_semaphore, #tpu.memory_space<semaphore_mem>>)
      %dma_wait3A_36 = tpu.memref_slice %arg6[%arg0, %run_scoped3A_31, %mul3A_30] : memref<2x2x10240xf32, #tpu.memory_space<hbm>> -> memref<1x1x640xf32, #tpu.memory_space<hbm>>
      %dma_wait3A_37 = tpu.memref_squeeze %dma_wait3A_36 : memref<1x1x640xf32, #tpu.memory_space<hbm>> -> memref<640xf32, #tpu.memory_space<hbm>>
      %dma_wait3A_38 = tpu.memref_slice %arg11[%mul3A_30] : memref<10240xf32, #tpu.memory_space<vmem_shared>> -> memref<640xf32, #tpu.memory_space<vmem_shared>>
      tpu.wait_dma2 semaphore(%run_scoped3A_32 : memref<!tpu.dma_semaphore, #tpu.memory_space<semaphore_mem>>) src(%dma_wait3A_38 : memref<640xf32, #tpu.memory_space<vmem_shared>>) dst(%dma_wait3A_37 : memref<640xf32, #tpu.memory_space<hbm>>)
      tpu.yield
    }) : () -> ()
    return
  }
}

#map = affine_map<(d0, d1) -> (0)>
#map1 = affine_map<(d0, d1) -> (0, 0)>
#map2 = affine_map<(d0, d1) -> (0, 0, 0)>
module attributes {stable_mosaic.version = 14 : i64} {
  func.func @_scatter_body(%arg0: i32, %arg1: i32, %arg2: memref<163840xf32, #tpu.memory_space<hbm>>, %arg3: memref<163840xf32, #tpu.memory_space<hbm>>, %arg4: memref<1280x128xi32, #tpu.memory_space<hbm>>, %arg5: memref<10240xf32, #tpu.memory_space<hbm>>, %arg6: memref<2x2x10240xf32, #tpu.memory_space<hbm>>, %arg7: memref<5120xf32, #tpu.memory_space<vmem>>, %arg8: memref<5120xf32, #tpu.memory_space<vmem>>, %arg9: memref<40x128xi32, #tpu.memory_space<vmem>>, %arg10: memref<10240xf32, #tpu.memory_space<vmem_shared>>, %arg11: memref<10240xf32, #tpu.memory_space<vmem_shared>>, %arg12: memref<!tpu.dma_semaphore, #tpu.memory_space<semaphore_mem>>) attributes {dimension_semantics = [#tpu.dimension_semantics<core_parallel>, #tpu.dimension_semantics<subcore_parallel>], iteration_bounds = array<i64: 2, 16>, scalar_prefetch = 0 : i64, scratch_operands = 6 : i64, tpu.core_type = #tpu.core_type<sc_vector_subcore>, window_params = [{transform_indices = #map}, {transform_indices = #map}, {transform_indices = #map1}, {transform_indices = #map}, {transform_indices = #map2}]} {
    %eq3A = arith.constant 0 : i32
    %eq3A_0 = arith.cmpi eq, %arg1, %eq3A : i32
    %convert_element_type3A = arith.extui %eq3A_0 : i1 to i32
    %cond3A = arith.constant 0 : i32
    %cond3A_1 = arith.cmpi ne, %convert_element_type3A, %cond3A : i32
    scf.if %cond3A_1 {
      "tpu.region"() ({
        %run_scoped3A_32 = tpu.sem_alloc : memref<!tpu.dma_semaphore, #tpu.memory_space<semaphore_mem>>
        tpu.enqueue_dma source(%arg5 : memref<10240xf32, #tpu.memory_space<hbm>>) target(%arg10 : memref<10240xf32, #tpu.memory_space<vmem_shared>>) target_semaphore(%run_scoped3A_32 : memref<!tpu.dma_semaphore, #tpu.memory_space<semaphore_mem>>)
        tpu.wait_dma2 semaphore(%run_scoped3A_32 : memref<!tpu.dma_semaphore, #tpu.memory_space<semaphore_mem>>) src(%arg5 : memref<10240xf32, #tpu.memory_space<hbm>>) dst(%arg10 : memref<10240xf32, #tpu.memory_space<vmem_shared>>)
        tpu.yield
      }) : () -> ()
      "tpu.region"() ({
        %run_scoped3A_32 = tpu.sem_alloc : memref<!tpu.dma_semaphore, #tpu.memory_space<semaphore_mem>>
        tpu.enqueue_dma source(%arg5 : memref<10240xf32, #tpu.memory_space<hbm>>) target(%arg11 : memref<10240xf32, #tpu.memory_space<vmem_shared>>) target_semaphore(%run_scoped3A_32 : memref<!tpu.dma_semaphore, #tpu.memory_space<semaphore_mem>>)
        tpu.wait_dma2 semaphore(%run_scoped3A_32 : memref<!tpu.dma_semaphore, #tpu.memory_space<semaphore_mem>>) src(%arg5 : memref<10240xf32, #tpu.memory_space<hbm>>) dst(%arg11 : memref<10240xf32, #tpu.memory_space<vmem_shared>>)
        tpu.yield
      }) : () -> ()
    } else {
    }
    %barrier3A = arith.constant 0 : index
    tpu.barrier barrier_id(%barrier3A)
    %mul3A = arith.constant 2 : i32
    %mul3A_2 = arith.muli %arg1, %mul3A : i32
    %add3A = arith.addi %mul3A_2, %arg0 : i32
    %mul3A_3 = arith.constant 40 : i32
    %mul3A_4 = arith.muli %add3A, %mul3A_3 : i32
    %mul3A_5 = arith.constant 128 : i32
    %mul3A_6 = arith.muli %mul3A_4, %mul3A_5 : i32
    %dma_start3A = tpu.memref_slice %arg2[%mul3A_6] : memref<163840xf32, #tpu.memory_space<hbm>> -> memref<5120xf32, #tpu.memory_space<hbm>>
    %dma_start3A_7 = tpu.memref_slice %arg2[%mul3A_6] : memref<163840xf32, #tpu.memory_space<hbm>> -> memref<5120xf32, #tpu.memory_space<hbm>>
    tpu.enqueue_dma source(%dma_start3A_7 : memref<5120xf32, #tpu.memory_space<hbm>>) target(%arg7 : memref<5120xf32, #tpu.memory_space<vmem>>) target_semaphore(%arg12 : memref<!tpu.dma_semaphore, #tpu.memory_space<semaphore_mem>>)
    %mul3A_8 = arith.constant 128 : i32
    %mul3A_9 = arith.muli %mul3A_4, %mul3A_8 : i32
    %dma_start3A_10 = tpu.memref_slice %arg3[%mul3A_9] : memref<163840xf32, #tpu.memory_space<hbm>> -> memref<5120xf32, #tpu.memory_space<hbm>>
    %dma_start3A_11 = tpu.memref_slice %arg3[%mul3A_9] : memref<163840xf32, #tpu.memory_space<hbm>> -> memref<5120xf32, #tpu.memory_space<hbm>>
    tpu.enqueue_dma source(%dma_start3A_11 : memref<5120xf32, #tpu.memory_space<hbm>>) target(%arg8 : memref<5120xf32, #tpu.memory_space<vmem>>) target_semaphore(%arg12 : memref<!tpu.dma_semaphore, #tpu.memory_space<semaphore_mem>>)
    %dma_start3A_12 = arith.constant 0 : i32
    %dma_start3A_13 = tpu.memref_slice %arg4[%mul3A_4, %dma_start3A_12] : memref<1280x128xi32, #tpu.memory_space<hbm>> -> memref<40x128xi32, #tpu.memory_space<hbm>>
    %dma_start3A_14 = arith.constant 0 : i32
    %dma_start3A_15 = tpu.memref_slice %arg4[%mul3A_4, %dma_start3A_14] : memref<1280x128xi32, #tpu.memory_space<hbm>> -> memref<40x128xi32, #tpu.memory_space<hbm>>
    tpu.enqueue_dma source(%dma_start3A_15 : memref<40x128xi32, #tpu.memory_space<hbm>>) target(%arg9 : memref<40x128xi32, #tpu.memory_space<vmem>>) target_semaphore(%arg12 : memref<!tpu.dma_semaphore, #tpu.memory_space<semaphore_mem>>)
    %dma_wait3A = tpu.memref_slice %arg2[%mul3A_6] : memref<163840xf32, #tpu.memory_space<hbm>> -> memref<5120xf32, #tpu.memory_space<hbm>>
    %dma_wait3A_16 = tpu.memref_slice %arg2[%mul3A_6] : memref<163840xf32, #tpu.memory_space<hbm>> -> memref<5120xf32, #tpu.memory_space<hbm>>
    tpu.wait_dma2 semaphore(%arg12 : memref<!tpu.dma_semaphore, #tpu.memory_space<semaphore_mem>>) src(%dma_wait3A_16 : memref<5120xf32, #tpu.memory_space<hbm>>) dst(%arg7 : memref<5120xf32, #tpu.memory_space<vmem>>)
    %dma_wait3A_17 = tpu.memref_slice %arg3[%mul3A_9] : memref<163840xf32, #tpu.memory_space<hbm>> -> memref<5120xf32, #tpu.memory_space<hbm>>
    %dma_wait3A_18 = tpu.memref_slice %arg3[%mul3A_9] : memref<163840xf32, #tpu.memory_space<hbm>> -> memref<5120xf32, #tpu.memory_space<hbm>>
    tpu.wait_dma2 semaphore(%arg12 : memref<!tpu.dma_semaphore, #tpu.memory_space<semaphore_mem>>) src(%dma_wait3A_18 : memref<5120xf32, #tpu.memory_space<hbm>>) dst(%arg8 : memref<5120xf32, #tpu.memory_space<vmem>>)
    %dma_wait3A_19 = arith.constant 0 : i32
    %dma_wait3A_20 = tpu.memref_slice %arg4[%mul3A_4, %dma_wait3A_19] : memref<1280x128xi32, #tpu.memory_space<hbm>> -> memref<40x128xi32, #tpu.memory_space<hbm>>
    %dma_wait3A_21 = arith.constant 0 : i32
    %dma_wait3A_22 = tpu.memref_slice %arg4[%mul3A_4, %dma_wait3A_21] : memref<1280x128xi32, #tpu.memory_space<hbm>> -> memref<40x128xi32, #tpu.memory_space<hbm>>
    tpu.wait_dma2 semaphore(%arg12 : memref<!tpu.dma_semaphore, #tpu.memory_space<semaphore_mem>>) src(%dma_wait3A_22 : memref<40x128xi32, #tpu.memory_space<hbm>>) dst(%arg9 : memref<40x128xi32, #tpu.memory_space<vmem>>)
    %scan3A = arith.constant 0 : i32
    %scan3A_23 = arith.constant 0 : i32
    %scan3A_24 = arith.constant 5 : i32
    %scan3A_25 = arith.addi %scan3A_23, %scan3A_24 : i32
    %scan3A_26 = arith.constant 1 : i32
    scf.for %scan3A_32 = %scan3A_23 to %scan3A_25 step %scan3A_26  : i32 {
      %mul3A_33 = arith.constant 8 : i32
      %mul3A_34 = arith.muli %scan3A_32, %mul3A_33 : i32
      %add3A_35 = arith.constant 0 : i32
      %add3A_36 = arith.addi %mul3A_34, %add3A_35 : i32
      %mul3A_37 = arith.constant 128 : i32
      %mul3A_38 = arith.muli %add3A_36, %mul3A_37 : i32
      %mul3A_39 = arith.constant 128 : i32
      %mul3A_40 = arith.muli %add3A_36, %mul3A_39 : i32
      %dma_start3A_41 = tpu.memref_slice %arg7[%mul3A_38] : memref<5120xf32, #tpu.memory_space<vmem>> -> memref<128xf32, #tpu.memory_space<vmem>>
      %dma_start3A_42 = arith.constant 0 : i32
      %dma_start3A_43 = tpu.memref_slice %arg9[%add3A_36, %dma_start3A_42] : memref<40x128xi32, #tpu.memory_space<vmem>> -> memref<1x128xi32, #tpu.memory_space<vmem>>
      %dma_start3A_44 = tpu.memref_squeeze %dma_start3A_43 : memref<1x128xi32, #tpu.memory_space<vmem>> -> memref<128xi32, #tpu.memory_space<vmem>>
      %dma_start3A_45 = arith.constant 0 : i32
      %dma_start3A_46 = tpu.memref_slice %arg10[%dma_start3A_45] : memref<10240xf32, #tpu.memory_space<vmem_shared>> -> memref<10240xf32, #tpu.memory_space<vmem_shared>>
      tpu.enqueue_indirect_dma source(%dma_start3A_41 : memref<128xf32, #tpu.memory_space<vmem>>) target(%dma_start3A_46 : memref<10240xf32, #tpu.memory_space<vmem_shared>>) offsets(%dma_start3A_44 : memref<128xi32, #tpu.memory_space<vmem>>) semaphore(%arg12 : memref<!tpu.dma_semaphore, #tpu.memory_space<semaphore_mem>>) {add = true}
      %dma_start3A_47 = tpu.memref_slice %arg8[%mul3A_40] : memref<5120xf32, #tpu.memory_space<vmem>> -> memref<128xf32, #tpu.memory_space<vmem>>
      %dma_start3A_48 = arith.constant 0 : i32
      %dma_start3A_49 = tpu.memref_slice %arg9[%add3A_36, %dma_start3A_48] : memref<40x128xi32, #tpu.memory_space<vmem>> -> memref<1x128xi32, #tpu.memory_space<vmem>>
      %dma_start3A_50 = tpu.memref_squeeze %dma_start3A_49 : memref<1x128xi32, #tpu.memory_space<vmem>> -> memref<128xi32, #tpu.memory_space<vmem>>
      %dma_start3A_51 = arith.constant 0 : i32
      %dma_start3A_52 = tpu.memref_slice %arg11[%dma_start3A_51] : memref<10240xf32, #tpu.memory_space<vmem_shared>> -> memref<10240xf32, #tpu.memory_space<vmem_shared>>
      tpu.enqueue_indirect_dma source(%dma_start3A_47 : memref<128xf32, #tpu.memory_space<vmem>>) target(%dma_start3A_52 : memref<10240xf32, #tpu.memory_space<vmem_shared>>) offsets(%dma_start3A_50 : memref<128xi32, #tpu.memory_space<vmem>>) semaphore(%arg12 : memref<!tpu.dma_semaphore, #tpu.memory_space<semaphore_mem>>) {add = true}
      %mul3A_53 = arith.constant 8 : i32
      %mul3A_54 = arith.muli %scan3A_32, %mul3A_53 : i32
      %add3A_55 = arith.constant 1 : i32
      %add3A_56 = arith.addi %mul3A_54, %add3A_55 : i32
      %mul3A_57 = arith.constant 128 : i32
      %mul3A_58 = arith.muli %add3A_56, %mul3A_57 : i32
      %mul3A_59 = arith.constant 128 : i32
      %mul3A_60 = arith.muli %add3A_56, %mul3A_59 : i32
      %dma_start3A_61 = tpu.memref_slice %arg7[%mul3A_58] : memref<5120xf32, #tpu.memory_space<vmem>> -> memref<128xf32, #tpu.memory_space<vmem>>
      %dma_start3A_62 = arith.constant 0 : i32
      %dma_start3A_63 = tpu.memref_slice %arg9[%add3A_56, %dma_start3A_62] : memref<40x128xi32, #tpu.memory_space<vmem>> -> memref<1x128xi32, #tpu.memory_space<vmem>>
      %dma_start3A_64 = tpu.memref_squeeze %dma_start3A_63 : memref<1x128xi32, #tpu.memory_space<vmem>> -> memref<128xi32, #tpu.memory_space<vmem>>
      %dma_start3A_65 = arith.constant 0 : i32
      %dma_start3A_66 = tpu.memref_slice %arg10[%dma_start3A_65] : memref<10240xf32, #tpu.memory_space<vmem_shared>> -> memref<10240xf32, #tpu.memory_space<vmem_shared>>
      tpu.enqueue_indirect_dma source(%dma_start3A_61 : memref<128xf32, #tpu.memory_space<vmem>>) target(%dma_start3A_66 : memref<10240xf32, #tpu.memory_space<vmem_shared>>) offsets(%dma_start3A_64 : memref<128xi32, #tpu.memory_space<vmem>>) semaphore(%arg12 : memref<!tpu.dma_semaphore, #tpu.memory_space<semaphore_mem>>) {add = true}
      %dma_start3A_67 = tpu.memref_slice %arg8[%mul3A_60] : memref<5120xf32, #tpu.memory_space<vmem>> -> memref<128xf32, #tpu.memory_space<vmem>>
      %dma_start3A_68 = arith.constant 0 : i32
      %dma_start3A_69 = tpu.memref_slice %arg9[%add3A_56, %dma_start3A_68] : memref<40x128xi32, #tpu.memory_space<vmem>> -> memref<1x128xi32, #tpu.memory_space<vmem>>
      %dma_start3A_70 = tpu.memref_squeeze %dma_start3A_69 : memref<1x128xi32, #tpu.memory_space<vmem>> -> memref<128xi32, #tpu.memory_space<vmem>>
      %dma_start3A_71 = arith.constant 0 : i32
      %dma_start3A_72 = tpu.memref_slice %arg11[%dma_start3A_71] : memref<10240xf32, #tpu.memory_space<vmem_shared>> -> memref<10240xf32, #tpu.memory_space<vmem_shared>>
      tpu.enqueue_indirect_dma source(%dma_start3A_67 : memref<128xf32, #tpu.memory_space<vmem>>) target(%dma_start3A_72 : memref<10240xf32, #tpu.memory_space<vmem_shared>>) offsets(%dma_start3A_70 : memref<128xi32, #tpu.memory_space<vmem>>) semaphore(%arg12 : memref<!tpu.dma_semaphore, #tpu.memory_space<semaphore_mem>>) {add = true}
      %mul3A_73 = arith.constant 8 : i32
      %mul3A_74 = arith.muli %scan3A_32, %mul3A_73 : i32
      %add3A_75 = arith.constant 2 : i32
      %add3A_76 = arith.addi %mul3A_74, %add3A_75 : i32
      %mul3A_77 = arith.constant 128 : i32
      %mul3A_78 = arith.muli %add3A_76, %mul3A_77 : i32
      %mul3A_79 = arith.constant 128 : i32
      %mul3A_80 = arith.muli %add3A_76, %mul3A_79 : i32
      %dma_start3A_81 = tpu.memref_slice %arg7[%mul3A_78] : memref<5120xf32, #tpu.memory_space<vmem>> -> memref<128xf32, #tpu.memory_space<vmem>>
      %dma_start3A_82 = arith.constant 0 : i32
      %dma_start3A_83 = tpu.memref_slice %arg9[%add3A_76, %dma_start3A_82] : memref<40x128xi32, #tpu.memory_space<vmem>> -> memref<1x128xi32, #tpu.memory_space<vmem>>
      %dma_start3A_84 = tpu.memref_squeeze %dma_start3A_83 : memref<1x128xi32, #tpu.memory_space<vmem>> -> memref<128xi32, #tpu.memory_space<vmem>>
      %dma_start3A_85 = arith.constant 0 : i32
      %dma_start3A_86 = tpu.memref_slice %arg10[%dma_start3A_85] : memref<10240xf32, #tpu.memory_space<vmem_shared>> -> memref<10240xf32, #tpu.memory_space<vmem_shared>>
      tpu.enqueue_indirect_dma source(%dma_start3A_81 : memref<128xf32, #tpu.memory_space<vmem>>) target(%dma_start3A_86 : memref<10240xf32, #tpu.memory_space<vmem_shared>>) offsets(%dma_start3A_84 : memref<128xi32, #tpu.memory_space<vmem>>) semaphore(%arg12 : memref<!tpu.dma_semaphore, #tpu.memory_space<semaphore_mem>>) {add = true}
      %dma_start3A_87 = tpu.memref_slice %arg8[%mul3A_80] : memref<5120xf32, #tpu.memory_space<vmem>> -> memref<128xf32, #tpu.memory_space<vmem>>
      %dma_start3A_88 = arith.constant 0 : i32
      %dma_start3A_89 = tpu.memref_slice %arg9[%add3A_76, %dma_start3A_88] : memref<40x128xi32, #tpu.memory_space<vmem>> -> memref<1x128xi32, #tpu.memory_space<vmem>>
      %dma_start3A_90 = tpu.memref_squeeze %dma_start3A_89 : memref<1x128xi32, #tpu.memory_space<vmem>> -> memref<128xi32, #tpu.memory_space<vmem>>
      %dma_start3A_91 = arith.constant 0 : i32
      %dma_start3A_92 = tpu.memref_slice %arg11[%dma_start3A_91] : memref<10240xf32, #tpu.memory_space<vmem_shared>> -> memref<10240xf32, #tpu.memory_space<vmem_shared>>
      tpu.enqueue_indirect_dma source(%dma_start3A_87 : memref<128xf32, #tpu.memory_space<vmem>>) target(%dma_start3A_92 : memref<10240xf32, #tpu.memory_space<vmem_shared>>) offsets(%dma_start3A_90 : memref<128xi32, #tpu.memory_space<vmem>>) semaphore(%arg12 : memref<!tpu.dma_semaphore, #tpu.memory_space<semaphore_mem>>) {add = true}
      %mul3A_93 = arith.constant 8 : i32
      %mul3A_94 = arith.muli %scan3A_32, %mul3A_93 : i32
      %add3A_95 = arith.constant 3 : i32
      %add3A_96 = arith.addi %mul3A_94, %add3A_95 : i32
      %mul3A_97 = arith.constant 128 : i32
      %mul3A_98 = arith.muli %add3A_96, %mul3A_97 : i32
      %mul3A_99 = arith.constant 128 : i32
      %mul3A_100 = arith.muli %add3A_96, %mul3A_99 : i32
      %dma_start3A_101 = tpu.memref_slice %arg7[%mul3A_98] : memref<5120xf32, #tpu.memory_space<vmem>> -> memref<128xf32, #tpu.memory_space<vmem>>
      %dma_start3A_102 = arith.constant 0 : i32
      %dma_start3A_103 = tpu.memref_slice %arg9[%add3A_96, %dma_start3A_102] : memref<40x128xi32, #tpu.memory_space<vmem>> -> memref<1x128xi32, #tpu.memory_space<vmem>>
      %dma_start3A_104 = tpu.memref_squeeze %dma_start3A_103 : memref<1x128xi32, #tpu.memory_space<vmem>> -> memref<128xi32, #tpu.memory_space<vmem>>
      %dma_start3A_105 = arith.constant 0 : i32
      %dma_start3A_106 = tpu.memref_slice %arg10[%dma_start3A_105] : memref<10240xf32, #tpu.memory_space<vmem_shared>> -> memref<10240xf32, #tpu.memory_space<vmem_shared>>
      tpu.enqueue_indirect_dma source(%dma_start3A_101 : memref<128xf32, #tpu.memory_space<vmem>>) target(%dma_start3A_106 : memref<10240xf32, #tpu.memory_space<vmem_shared>>) offsets(%dma_start3A_104 : memref<128xi32, #tpu.memory_space<vmem>>) semaphore(%arg12 : memref<!tpu.dma_semaphore, #tpu.memory_space<semaphore_mem>>) {add = true}
      %dma_start3A_107 = tpu.memref_slice %arg8[%mul3A_100] : memref<5120xf32, #tpu.memory_space<vmem>> -> memref<128xf32, #tpu.memory_space<vmem>>
      %dma_start3A_108 = arith.constant 0 : i32
      %dma_start3A_109 = tpu.memref_slice %arg9[%add3A_96, %dma_start3A_108] : memref<40x128xi32, #tpu.memory_space<vmem>> -> memref<1x128xi32, #tpu.memory_space<vmem>>
      %dma_start3A_110 = tpu.memref_squeeze %dma_start3A_109 : memref<1x128xi32, #tpu.memory_space<vmem>> -> memref<128xi32, #tpu.memory_space<vmem>>
      %dma_start3A_111 = arith.constant 0 : i32
      %dma_start3A_112 = tpu.memref_slice %arg11[%dma_start3A_111] : memref<10240xf32, #tpu.memory_space<vmem_shared>> -> memref<10240xf32, #tpu.memory_space<vmem_shared>>
      tpu.enqueue_indirect_dma source(%dma_start3A_107 : memref<128xf32, #tpu.memory_space<vmem>>) target(%dma_start3A_112 : memref<10240xf32, #tpu.memory_space<vmem_shared>>) offsets(%dma_start3A_110 : memref<128xi32, #tpu.memory_space<vmem>>) semaphore(%arg12 : memref<!tpu.dma_semaphore, #tpu.memory_space<semaphore_mem>>) {add = true}
      %mul3A_113 = arith.constant 8 : i32
      %mul3A_114 = arith.muli %scan3A_32, %mul3A_113 : i32
      %add3A_115 = arith.constant 4 : i32
      %add3A_116 = arith.addi %mul3A_114, %add3A_115 : i32
      %mul3A_117 = arith.constant 128 : i32
      %mul3A_118 = arith.muli %add3A_116, %mul3A_117 : i32
      %mul3A_119 = arith.constant 128 : i32
      %mul3A_120 = arith.muli %add3A_116, %mul3A_119 : i32
      %dma_start3A_121 = tpu.memref_slice %arg7[%mul3A_118] : memref<5120xf32, #tpu.memory_space<vmem>> -> memref<128xf32, #tpu.memory_space<vmem>>
      %dma_start3A_122 = arith.constant 0 : i32
      %dma_start3A_123 = tpu.memref_slice %arg9[%add3A_116, %dma_start3A_122] : memref<40x128xi32, #tpu.memory_space<vmem>> -> memref<1x128xi32, #tpu.memory_space<vmem>>
      %dma_start3A_124 = tpu.memref_squeeze %dma_start3A_123 : memref<1x128xi32, #tpu.memory_space<vmem>> -> memref<128xi32, #tpu.memory_space<vmem>>
      %dma_start3A_125 = arith.constant 0 : i32
      %dma_start3A_126 = tpu.memref_slice %arg10[%dma_start3A_125] : memref<10240xf32, #tpu.memory_space<vmem_shared>> -> memref<10240xf32, #tpu.memory_space<vmem_shared>>
      tpu.enqueue_indirect_dma source(%dma_start3A_121 : memref<128xf32, #tpu.memory_space<vmem>>) target(%dma_start3A_126 : memref<10240xf32, #tpu.memory_space<vmem_shared>>) offsets(%dma_start3A_124 : memref<128xi32, #tpu.memory_space<vmem>>) semaphore(%arg12 : memref<!tpu.dma_semaphore, #tpu.memory_space<semaphore_mem>>) {add = true}
      %dma_start3A_127 = tpu.memref_slice %arg8[%mul3A_120] : memref<5120xf32, #tpu.memory_space<vmem>> -> memref<128xf32, #tpu.memory_space<vmem>>
      %dma_start3A_128 = arith.constant 0 : i32
      %dma_start3A_129 = tpu.memref_slice %arg9[%add3A_116, %dma_start3A_128] : memref<40x128xi32, #tpu.memory_space<vmem>> -> memref<1x128xi32, #tpu.memory_space<vmem>>
      %dma_start3A_130 = tpu.memref_squeeze %dma_start3A_129 : memref<1x128xi32, #tpu.memory_space<vmem>> -> memref<128xi32, #tpu.memory_space<vmem>>
      %dma_start3A_131 = arith.constant 0 : i32
      %dma_start3A_132 = tpu.memref_slice %arg11[%dma_start3A_131] : memref<10240xf32, #tpu.memory_space<vmem_shared>> -> memref<10240xf32, #tpu.memory_space<vmem_shared>>
      tpu.enqueue_indirect_dma source(%dma_start3A_127 : memref<128xf32, #tpu.memory_space<vmem>>) target(%dma_start3A_132 : memref<10240xf32, #tpu.memory_space<vmem_shared>>) offsets(%dma_start3A_130 : memref<128xi32, #tpu.memory_space<vmem>>) semaphore(%arg12 : memref<!tpu.dma_semaphore, #tpu.memory_space<semaphore_mem>>) {add = true}
      %mul3A_133 = arith.constant 8 : i32
      %mul3A_134 = arith.muli %scan3A_32, %mul3A_133 : i32
      %add3A_135 = arith.constant 5 : i32
      %add3A_136 = arith.addi %mul3A_134, %add3A_135 : i32
      %mul3A_137 = arith.constant 128 : i32
      %mul3A_138 = arith.muli %add3A_136, %mul3A_137 : i32
      %mul3A_139 = arith.constant 128 : i32
      %mul3A_140 = arith.muli %add3A_136, %mul3A_139 : i32
      %dma_start3A_141 = tpu.memref_slice %arg7[%mul3A_138] : memref<5120xf32, #tpu.memory_space<vmem>> -> memref<128xf32, #tpu.memory_space<vmem>>
      %dma_start3A_142 = arith.constant 0 : i32
      %dma_start3A_143 = tpu.memref_slice %arg9[%add3A_136, %dma_start3A_142] : memref<40x128xi32, #tpu.memory_space<vmem>> -> memref<1x128xi32, #tpu.memory_space<vmem>>
      %dma_start3A_144 = tpu.memref_squeeze %dma_start3A_143 : memref<1x128xi32, #tpu.memory_space<vmem>> -> memref<128xi32, #tpu.memory_space<vmem>>
      %dma_start3A_145 = arith.constant 0 : i32
      %dma_start3A_146 = tpu.memref_slice %arg10[%dma_start3A_145] : memref<10240xf32, #tpu.memory_space<vmem_shared>> -> memref<10240xf32, #tpu.memory_space<vmem_shared>>
      tpu.enqueue_indirect_dma source(%dma_start3A_141 : memref<128xf32, #tpu.memory_space<vmem>>) target(%dma_start3A_146 : memref<10240xf32, #tpu.memory_space<vmem_shared>>) offsets(%dma_start3A_144 : memref<128xi32, #tpu.memory_space<vmem>>) semaphore(%arg12 : memref<!tpu.dma_semaphore, #tpu.memory_space<semaphore_mem>>) {add = true}
      %dma_start3A_147 = tpu.memref_slice %arg8[%mul3A_140] : memref<5120xf32, #tpu.memory_space<vmem>> -> memref<128xf32, #tpu.memory_space<vmem>>
      %dma_start3A_148 = arith.constant 0 : i32
      %dma_start3A_149 = tpu.memref_slice %arg9[%add3A_136, %dma_start3A_148] : memref<40x128xi32, #tpu.memory_space<vmem>> -> memref<1x128xi32, #tpu.memory_space<vmem>>
      %dma_start3A_150 = tpu.memref_squeeze %dma_start3A_149 : memref<1x128xi32, #tpu.memory_space<vmem>> -> memref<128xi32, #tpu.memory_space<vmem>>
      %dma_start3A_151 = arith.constant 0 : i32
      %dma_start3A_152 = tpu.memref_slice %arg11[%dma_start3A_151] : memref<10240xf32, #tpu.memory_space<vmem_shared>> -> memref<10240xf32, #tpu.memory_space<vmem_shared>>
      tpu.enqueue_indirect_dma source(%dma_start3A_147 : memref<128xf32, #tpu.memory_space<vmem>>) target(%dma_start3A_152 : memref<10240xf32, #tpu.memory_space<vmem_shared>>) offsets(%dma_start3A_150 : memref<128xi32, #tpu.memory_space<vmem>>) semaphore(%arg12 : memref<!tpu.dma_semaphore, #tpu.memory_space<semaphore_mem>>) {add = true}
      %mul3A_153 = arith.constant 8 : i32
      %mul3A_154 = arith.muli %scan3A_32, %mul3A_153 : i32
      %add3A_155 = arith.constant 6 : i32
      %add3A_156 = arith.addi %mul3A_154, %add3A_155 : i32
      %mul3A_157 = arith.constant 128 : i32
      %mul3A_158 = arith.muli %add3A_156, %mul3A_157 : i32
      %mul3A_159 = arith.constant 128 : i32
      %mul3A_160 = arith.muli %add3A_156, %mul3A_159 : i32
      %dma_start3A_161 = tpu.memref_slice %arg7[%mul3A_158] : memref<5120xf32, #tpu.memory_space<vmem>> -> memref<128xf32, #tpu.memory_space<vmem>>
      %dma_start3A_162 = arith.constant 0 : i32
      %dma_start3A_163 = tpu.memref_slice %arg9[%add3A_156, %dma_start3A_162] : memref<40x128xi32, #tpu.memory_space<vmem>> -> memref<1x128xi32, #tpu.memory_space<vmem>>
      %dma_start3A_164 = tpu.memref_squeeze %dma_start3A_163 : memref<1x128xi32, #tpu.memory_space<vmem>> -> memref<128xi32, #tpu.memory_space<vmem>>
      %dma_start3A_165 = arith.constant 0 : i32
      %dma_start3A_166 = tpu.memref_slice %arg10[%dma_start3A_165] : memref<10240xf32, #tpu.memory_space<vmem_shared>> -> memref<10240xf32, #tpu.memory_space<vmem_shared>>
      tpu.enqueue_indirect_dma source(%dma_start3A_161 : memref<128xf32, #tpu.memory_space<vmem>>) target(%dma_start3A_166 : memref<10240xf32, #tpu.memory_space<vmem_shared>>) offsets(%dma_start3A_164 : memref<128xi32, #tpu.memory_space<vmem>>) semaphore(%arg12 : memref<!tpu.dma_semaphore, #tpu.memory_space<semaphore_mem>>) {add = true}
      %dma_start3A_167 = tpu.memref_slice %arg8[%mul3A_160] : memref<5120xf32, #tpu.memory_space<vmem>> -> memref<128xf32, #tpu.memory_space<vmem>>
      %dma_start3A_168 = arith.constant 0 : i32
      %dma_start3A_169 = tpu.memref_slice %arg9[%add3A_156, %dma_start3A_168] : memref<40x128xi32, #tpu.memory_space<vmem>> -> memref<1x128xi32, #tpu.memory_space<vmem>>
      %dma_start3A_170 = tpu.memref_squeeze %dma_start3A_169 : memref<1x128xi32, #tpu.memory_space<vmem>> -> memref<128xi32, #tpu.memory_space<vmem>>
      %dma_start3A_171 = arith.constant 0 : i32
      %dma_start3A_172 = tpu.memref_slice %arg11[%dma_start3A_171] : memref<10240xf32, #tpu.memory_space<vmem_shared>> -> memref<10240xf32, #tpu.memory_space<vmem_shared>>
      tpu.enqueue_indirect_dma source(%dma_start3A_167 : memref<128xf32, #tpu.memory_space<vmem>>) target(%dma_start3A_172 : memref<10240xf32, #tpu.memory_space<vmem_shared>>) offsets(%dma_start3A_170 : memref<128xi32, #tpu.memory_space<vmem>>) semaphore(%arg12 : memref<!tpu.dma_semaphore, #tpu.memory_space<semaphore_mem>>) {add = true}
      %mul3A_173 = arith.constant 8 : i32
      %mul3A_174 = arith.muli %scan3A_32, %mul3A_173 : i32
      %add3A_175 = arith.constant 7 : i32
      %add3A_176 = arith.addi %mul3A_174, %add3A_175 : i32
      %mul3A_177 = arith.constant 128 : i32
      %mul3A_178 = arith.muli %add3A_176, %mul3A_177 : i32
      %mul3A_179 = arith.constant 128 : i32
      %mul3A_180 = arith.muli %add3A_176, %mul3A_179 : i32
      %dma_start3A_181 = tpu.memref_slice %arg7[%mul3A_178] : memref<5120xf32, #tpu.memory_space<vmem>> -> memref<128xf32, #tpu.memory_space<vmem>>
      %dma_start3A_182 = arith.constant 0 : i32
      %dma_start3A_183 = tpu.memref_slice %arg9[%add3A_176, %dma_start3A_182] : memref<40x128xi32, #tpu.memory_space<vmem>> -> memref<1x128xi32, #tpu.memory_space<vmem>>
      %dma_start3A_184 = tpu.memref_squeeze %dma_start3A_183 : memref<1x128xi32, #tpu.memory_space<vmem>> -> memref<128xi32, #tpu.memory_space<vmem>>
      %dma_start3A_185 = arith.constant 0 : i32
      %dma_start3A_186 = tpu.memref_slice %arg10[%dma_start3A_185] : memref<10240xf32, #tpu.memory_space<vmem_shared>> -> memref<10240xf32, #tpu.memory_space<vmem_shared>>
      tpu.enqueue_indirect_dma source(%dma_start3A_181 : memref<128xf32, #tpu.memory_space<vmem>>) target(%dma_start3A_186 : memref<10240xf32, #tpu.memory_space<vmem_shared>>) offsets(%dma_start3A_184 : memref<128xi32, #tpu.memory_space<vmem>>) semaphore(%arg12 : memref<!tpu.dma_semaphore, #tpu.memory_space<semaphore_mem>>) {add = true}
      %dma_start3A_187 = tpu.memref_slice %arg8[%mul3A_180] : memref<5120xf32, #tpu.memory_space<vmem>> -> memref<128xf32, #tpu.memory_space<vmem>>
      %dma_start3A_188 = arith.constant 0 : i32
      %dma_start3A_189 = tpu.memref_slice %arg9[%add3A_176, %dma_start3A_188] : memref<40x128xi32, #tpu.memory_space<vmem>> -> memref<1x128xi32, #tpu.memory_space<vmem>>
      %dma_start3A_190 = tpu.memref_squeeze %dma_start3A_189 : memref<1x128xi32, #tpu.memory_space<vmem>> -> memref<128xi32, #tpu.memory_space<vmem>>
      %dma_start3A_191 = arith.constant 0 : i32
      %dma_start3A_192 = tpu.memref_slice %arg11[%dma_start3A_191] : memref<10240xf32, #tpu.memory_space<vmem_shared>> -> memref<10240xf32, #tpu.memory_space<vmem_shared>>
      tpu.enqueue_indirect_dma source(%dma_start3A_187 : memref<128xf32, #tpu.memory_space<vmem>>) target(%dma_start3A_192 : memref<10240xf32, #tpu.memory_space<vmem_shared>>) offsets(%dma_start3A_190 : memref<128xi32, #tpu.memory_space<vmem>>) semaphore(%arg12 : memref<!tpu.dma_semaphore, #tpu.memory_space<semaphore_mem>>) {add = true}
      %dma_wait3A_193 = tpu.memref_slice %arg7[%mul3A_38] : memref<5120xf32, #tpu.memory_space<vmem>> -> memref<128xf32, #tpu.memory_space<vmem>>
      %dma_wait3A_194 = arith.constant 0 : i32
      %dma_wait3A_195 = tpu.memref_slice %arg9[%add3A_36, %dma_wait3A_194] : memref<40x128xi32, #tpu.memory_space<vmem>> -> memref<1x128xi32, #tpu.memory_space<vmem>>
      %dma_wait3A_196 = tpu.memref_squeeze %dma_wait3A_195 : memref<1x128xi32, #tpu.memory_space<vmem>> -> memref<128xi32, #tpu.memory_space<vmem>>
      %dma_wait3A_197 = arith.constant 0 : i32
      %dma_wait3A_198 = tpu.memref_slice %arg10[%dma_wait3A_197] : memref<10240xf32, #tpu.memory_space<vmem_shared>> -> memref<10240xf32, #tpu.memory_space<vmem_shared>>
      tpu.wait_indirect_dma semaphore(%arg12 : memref<!tpu.dma_semaphore, #tpu.memory_space<semaphore_mem>>) src(%dma_wait3A_193 : memref<128xf32, #tpu.memory_space<vmem>>) dst(%dma_wait3A_198 : memref<10240xf32, #tpu.memory_space<vmem_shared>>)
      %dma_wait3A_199 = tpu.memref_slice %arg8[%mul3A_40] : memref<5120xf32, #tpu.memory_space<vmem>> -> memref<128xf32, #tpu.memory_space<vmem>>
      %dma_wait3A_200 = arith.constant 0 : i32
      %dma_wait3A_201 = tpu.memref_slice %arg9[%add3A_36, %dma_wait3A_200] : memref<40x128xi32, #tpu.memory_space<vmem>> -> memref<1x128xi32, #tpu.memory_space<vmem>>
      %dma_wait3A_202 = tpu.memref_squeeze %dma_wait3A_201 : memref<1x128xi32, #tpu.memory_space<vmem>> -> memref<128xi32, #tpu.memory_space<vmem>>
      %dma_wait3A_203 = arith.constant 0 : i32
      %dma_wait3A_204 = tpu.memref_slice %arg11[%dma_wait3A_203] : memref<10240xf32, #tpu.memory_space<vmem_shared>> -> memref<10240xf32, #tpu.memory_space<vmem_shared>>
      tpu.wait_indirect_dma semaphore(%arg12 : memref<!tpu.dma_semaphore, #tpu.memory_space<semaphore_mem>>) src(%dma_wait3A_199 : memref<128xf32, #tpu.memory_space<vmem>>) dst(%dma_wait3A_204 : memref<10240xf32, #tpu.memory_space<vmem_shared>>)
      %dma_wait3A_205 = tpu.memref_slice %arg7[%mul3A_58] : memref<5120xf32, #tpu.memory_space<vmem>> -> memref<128xf32, #tpu.memory_space<vmem>>
      %dma_wait3A_206 = arith.constant 0 : i32
      %dma_wait3A_207 = tpu.memref_slice %arg9[%add3A_56, %dma_wait3A_206] : memref<40x128xi32, #tpu.memory_space<vmem>> -> memref<1x128xi32, #tpu.memory_space<vmem>>
      %dma_wait3A_208 = tpu.memref_squeeze %dma_wait3A_207 : memref<1x128xi32, #tpu.memory_space<vmem>> -> memref<128xi32, #tpu.memory_space<vmem>>
      %dma_wait3A_209 = arith.constant 0 : i32
      %dma_wait3A_210 = tpu.memref_slice %arg10[%dma_wait3A_209] : memref<10240xf32, #tpu.memory_space<vmem_shared>> -> memref<10240xf32, #tpu.memory_space<vmem_shared>>
      tpu.wait_indirect_dma semaphore(%arg12 : memref<!tpu.dma_semaphore, #tpu.memory_space<semaphore_mem>>) src(%dma_wait3A_205 : memref<128xf32, #tpu.memory_space<vmem>>) dst(%dma_wait3A_210 : memref<10240xf32, #tpu.memory_space<vmem_shared>>)
      %dma_wait3A_211 = tpu.memref_slice %arg8[%mul3A_60] : memref<5120xf32, #tpu.memory_space<vmem>> -> memref<128xf32, #tpu.memory_space<vmem>>
      %dma_wait3A_212 = arith.constant 0 : i32
      %dma_wait3A_213 = tpu.memref_slice %arg9[%add3A_56, %dma_wait3A_212] : memref<40x128xi32, #tpu.memory_space<vmem>> -> memref<1x128xi32, #tpu.memory_space<vmem>>
      %dma_wait3A_214 = tpu.memref_squeeze %dma_wait3A_213 : memref<1x128xi32, #tpu.memory_space<vmem>> -> memref<128xi32, #tpu.memory_space<vmem>>
      %dma_wait3A_215 = arith.constant 0 : i32
      %dma_wait3A_216 = tpu.memref_slice %arg11[%dma_wait3A_215] : memref<10240xf32, #tpu.memory_space<vmem_shared>> -> memref<10240xf32, #tpu.memory_space<vmem_shared>>
      tpu.wait_indirect_dma semaphore(%arg12 : memref<!tpu.dma_semaphore, #tpu.memory_space<semaphore_mem>>) src(%dma_wait3A_211 : memref<128xf32, #tpu.memory_space<vmem>>) dst(%dma_wait3A_216 : memref<10240xf32, #tpu.memory_space<vmem_shared>>)
      %dma_wait3A_217 = tpu.memref_slice %arg7[%mul3A_78] : memref<5120xf32, #tpu.memory_space<vmem>> -> memref<128xf32, #tpu.memory_space<vmem>>
      %dma_wait3A_218 = arith.constant 0 : i32
      %dma_wait3A_219 = tpu.memref_slice %arg9[%add3A_76, %dma_wait3A_218] : memref<40x128xi32, #tpu.memory_space<vmem>> -> memref<1x128xi32, #tpu.memory_space<vmem>>
      %dma_wait3A_220 = tpu.memref_squeeze %dma_wait3A_219 : memref<1x128xi32, #tpu.memory_space<vmem>> -> memref<128xi32, #tpu.memory_space<vmem>>
      %dma_wait3A_221 = arith.constant 0 : i32
      %dma_wait3A_222 = tpu.memref_slice %arg10[%dma_wait3A_221] : memref<10240xf32, #tpu.memory_space<vmem_shared>> -> memref<10240xf32, #tpu.memory_space<vmem_shared>>
      tpu.wait_indirect_dma semaphore(%arg12 : memref<!tpu.dma_semaphore, #tpu.memory_space<semaphore_mem>>) src(%dma_wait3A_217 : memref<128xf32, #tpu.memory_space<vmem>>) dst(%dma_wait3A_222 : memref<10240xf32, #tpu.memory_space<vmem_shared>>)
      %dma_wait3A_223 = tpu.memref_slice %arg8[%mul3A_80] : memref<5120xf32, #tpu.memory_space<vmem>> -> memref<128xf32, #tpu.memory_space<vmem>>
      %dma_wait3A_224 = arith.constant 0 : i32
      %dma_wait3A_225 = tpu.memref_slice %arg9[%add3A_76, %dma_wait3A_224] : memref<40x128xi32, #tpu.memory_space<vmem>> -> memref<1x128xi32, #tpu.memory_space<vmem>>
      %dma_wait3A_226 = tpu.memref_squeeze %dma_wait3A_225 : memref<1x128xi32, #tpu.memory_space<vmem>> -> memref<128xi32, #tpu.memory_space<vmem>>
      %dma_wait3A_227 = arith.constant 0 : i32
      %dma_wait3A_228 = tpu.memref_slice %arg11[%dma_wait3A_227] : memref<10240xf32, #tpu.memory_space<vmem_shared>> -> memref<10240xf32, #tpu.memory_space<vmem_shared>>
      tpu.wait_indirect_dma semaphore(%arg12 : memref<!tpu.dma_semaphore, #tpu.memory_space<semaphore_mem>>) src(%dma_wait3A_223 : memref<128xf32, #tpu.memory_space<vmem>>) dst(%dma_wait3A_228 : memref<10240xf32, #tpu.memory_space<vmem_shared>>)
      %dma_wait3A_229 = tpu.memref_slice %arg7[%mul3A_98] : memref<5120xf32, #tpu.memory_space<vmem>> -> memref<128xf32, #tpu.memory_space<vmem>>
      %dma_wait3A_230 = arith.constant 0 : i32
      %dma_wait3A_231 = tpu.memref_slice %arg9[%add3A_96, %dma_wait3A_230] : memref<40x128xi32, #tpu.memory_space<vmem>> -> memref<1x128xi32, #tpu.memory_space<vmem>>
      %dma_wait3A_232 = tpu.memref_squeeze %dma_wait3A_231 : memref<1x128xi32, #tpu.memory_space<vmem>> -> memref<128xi32, #tpu.memory_space<vmem>>
      %dma_wait3A_233 = arith.constant 0 : i32
      %dma_wait3A_234 = tpu.memref_slice %arg10[%dma_wait3A_233] : memref<10240xf32, #tpu.memory_space<vmem_shared>> -> memref<10240xf32, #tpu.memory_space<vmem_shared>>
      tpu.wait_indirect_dma semaphore(%arg12 : memref<!tpu.dma_semaphore, #tpu.memory_space<semaphore_mem>>) src(%dma_wait3A_229 : memref<128xf32, #tpu.memory_space<vmem>>) dst(%dma_wait3A_234 : memref<10240xf32, #tpu.memory_space<vmem_shared>>)
      %dma_wait3A_235 = tpu.memref_slice %arg8[%mul3A_100] : memref<5120xf32, #tpu.memory_space<vmem>> -> memref<128xf32, #tpu.memory_space<vmem>>
      %dma_wait3A_236 = arith.constant 0 : i32
      %dma_wait3A_237 = tpu.memref_slice %arg9[%add3A_96, %dma_wait3A_236] : memref<40x128xi32, #tpu.memory_space<vmem>> -> memref<1x128xi32, #tpu.memory_space<vmem>>
      %dma_wait3A_238 = tpu.memref_squeeze %dma_wait3A_237 : memref<1x128xi32, #tpu.memory_space<vmem>> -> memref<128xi32, #tpu.memory_space<vmem>>
      %dma_wait3A_239 = arith.constant 0 : i32
      %dma_wait3A_240 = tpu.memref_slice %arg11[%dma_wait3A_239] : memref<10240xf32, #tpu.memory_space<vmem_shared>> -> memref<10240xf32, #tpu.memory_space<vmem_shared>>
      tpu.wait_indirect_dma semaphore(%arg12 : memref<!tpu.dma_semaphore, #tpu.memory_space<semaphore_mem>>) src(%dma_wait3A_235 : memref<128xf32, #tpu.memory_space<vmem>>) dst(%dma_wait3A_240 : memref<10240xf32, #tpu.memory_space<vmem_shared>>)
      %dma_wait3A_241 = tpu.memref_slice %arg7[%mul3A_118] : memref<5120xf32, #tpu.memory_space<vmem>> -> memref<128xf32, #tpu.memory_space<vmem>>
      %dma_wait3A_242 = arith.constant 0 : i32
      %dma_wait3A_243 = tpu.memref_slice %arg9[%add3A_116, %dma_wait3A_242] : memref<40x128xi32, #tpu.memory_space<vmem>> -> memref<1x128xi32, #tpu.memory_space<vmem>>
      %dma_wait3A_244 = tpu.memref_squeeze %dma_wait3A_243 : memref<1x128xi32, #tpu.memory_space<vmem>> -> memref<128xi32, #tpu.memory_space<vmem>>
      %dma_wait3A_245 = arith.constant 0 : i32
      %dma_wait3A_246 = tpu.memref_slice %arg10[%dma_wait3A_245] : memref<10240xf32, #tpu.memory_space<vmem_shared>> -> memref<10240xf32, #tpu.memory_space<vmem_shared>>
      tpu.wait_indirect_dma semaphore(%arg12 : memref<!tpu.dma_semaphore, #tpu.memory_space<semaphore_mem>>) src(%dma_wait3A_241 : memref<128xf32, #tpu.memory_space<vmem>>) dst(%dma_wait3A_246 : memref<10240xf32, #tpu.memory_space<vmem_shared>>)
      %dma_wait3A_247 = tpu.memref_slice %arg8[%mul3A_120] : memref<5120xf32, #tpu.memory_space<vmem>> -> memref<128xf32, #tpu.memory_space<vmem>>
      %dma_wait3A_248 = arith.constant 0 : i32
      %dma_wait3A_249 = tpu.memref_slice %arg9[%add3A_116, %dma_wait3A_248] : memref<40x128xi32, #tpu.memory_space<vmem>> -> memref<1x128xi32, #tpu.memory_space<vmem>>
      %dma_wait3A_250 = tpu.memref_squeeze %dma_wait3A_249 : memref<1x128xi32, #tpu.memory_space<vmem>> -> memref<128xi32, #tpu.memory_space<vmem>>
      %dma_wait3A_251 = arith.constant 0 : i32
      %dma_wait3A_252 = tpu.memref_slice %arg11[%dma_wait3A_251] : memref<10240xf32, #tpu.memory_space<vmem_shared>> -> memref<10240xf32, #tpu.memory_space<vmem_shared>>
      tpu.wait_indirect_dma semaphore(%arg12 : memref<!tpu.dma_semaphore, #tpu.memory_space<semaphore_mem>>) src(%dma_wait3A_247 : memref<128xf32, #tpu.memory_space<vmem>>) dst(%dma_wait3A_252 : memref<10240xf32, #tpu.memory_space<vmem_shared>>)
      %dma_wait3A_253 = tpu.memref_slice %arg7[%mul3A_138] : memref<5120xf32, #tpu.memory_space<vmem>> -> memref<128xf32, #tpu.memory_space<vmem>>
      %dma_wait3A_254 = arith.constant 0 : i32
      %dma_wait3A_255 = tpu.memref_slice %arg9[%add3A_136, %dma_wait3A_254] : memref<40x128xi32, #tpu.memory_space<vmem>> -> memref<1x128xi32, #tpu.memory_space<vmem>>
      %dma_wait3A_256 = tpu.memref_squeeze %dma_wait3A_255 : memref<1x128xi32, #tpu.memory_space<vmem>> -> memref<128xi32, #tpu.memory_space<vmem>>
      %dma_wait3A_257 = arith.constant 0 : i32
      %dma_wait3A_258 = tpu.memref_slice %arg10[%dma_wait3A_257] : memref<10240xf32, #tpu.memory_space<vmem_shared>> -> memref<10240xf32, #tpu.memory_space<vmem_shared>>
      tpu.wait_indirect_dma semaphore(%arg12 : memref<!tpu.dma_semaphore, #tpu.memory_space<semaphore_mem>>) src(%dma_wait3A_253 : memref<128xf32, #tpu.memory_space<vmem>>) dst(%dma_wait3A_258 : memref<10240xf32, #tpu.memory_space<vmem_shared>>)
      %dma_wait3A_259 = tpu.memref_slice %arg8[%mul3A_140] : memref<5120xf32, #tpu.memory_space<vmem>> -> memref<128xf32, #tpu.memory_space<vmem>>
      %dma_wait3A_260 = arith.constant 0 : i32
      %dma_wait3A_261 = tpu.memref_slice %arg9[%add3A_136, %dma_wait3A_260] : memref<40x128xi32, #tpu.memory_space<vmem>> -> memref<1x128xi32, #tpu.memory_space<vmem>>
      %dma_wait3A_262 = tpu.memref_squeeze %dma_wait3A_261 : memref<1x128xi32, #tpu.memory_space<vmem>> -> memref<128xi32, #tpu.memory_space<vmem>>
      %dma_wait3A_263 = arith.constant 0 : i32
      %dma_wait3A_264 = tpu.memref_slice %arg11[%dma_wait3A_263] : memref<10240xf32, #tpu.memory_space<vmem_shared>> -> memref<10240xf32, #tpu.memory_space<vmem_shared>>
      tpu.wait_indirect_dma semaphore(%arg12 : memref<!tpu.dma_semaphore, #tpu.memory_space<semaphore_mem>>) src(%dma_wait3A_259 : memref<128xf32, #tpu.memory_space<vmem>>) dst(%dma_wait3A_264 : memref<10240xf32, #tpu.memory_space<vmem_shared>>)
      %dma_wait3A_265 = tpu.memref_slice %arg7[%mul3A_158] : memref<5120xf32, #tpu.memory_space<vmem>> -> memref<128xf32, #tpu.memory_space<vmem>>
      %dma_wait3A_266 = arith.constant 0 : i32
      %dma_wait3A_267 = tpu.memref_slice %arg9[%add3A_156, %dma_wait3A_266] : memref<40x128xi32, #tpu.memory_space<vmem>> -> memref<1x128xi32, #tpu.memory_space<vmem>>
      %dma_wait3A_268 = tpu.memref_squeeze %dma_wait3A_267 : memref<1x128xi32, #tpu.memory_space<vmem>> -> memref<128xi32, #tpu.memory_space<vmem>>
      %dma_wait3A_269 = arith.constant 0 : i32
      %dma_wait3A_270 = tpu.memref_slice %arg10[%dma_wait3A_269] : memref<10240xf32, #tpu.memory_space<vmem_shared>> -> memref<10240xf32, #tpu.memory_space<vmem_shared>>
      tpu.wait_indirect_dma semaphore(%arg12 : memref<!tpu.dma_semaphore, #tpu.memory_space<semaphore_mem>>) src(%dma_wait3A_265 : memref<128xf32, #tpu.memory_space<vmem>>) dst(%dma_wait3A_270 : memref<10240xf32, #tpu.memory_space<vmem_shared>>)
      %dma_wait3A_271 = tpu.memref_slice %arg8[%mul3A_160] : memref<5120xf32, #tpu.memory_space<vmem>> -> memref<128xf32, #tpu.memory_space<vmem>>
      %dma_wait3A_272 = arith.constant 0 : i32
      %dma_wait3A_273 = tpu.memref_slice %arg9[%add3A_156, %dma_wait3A_272] : memref<40x128xi32, #tpu.memory_space<vmem>> -> memref<1x128xi32, #tpu.memory_space<vmem>>
      %dma_wait3A_274 = tpu.memref_squeeze %dma_wait3A_273 : memref<1x128xi32, #tpu.memory_space<vmem>> -> memref<128xi32, #tpu.memory_space<vmem>>
      %dma_wait3A_275 = arith.constant 0 : i32
      %dma_wait3A_276 = tpu.memref_slice %arg11[%dma_wait3A_275] : memref<10240xf32, #tpu.memory_space<vmem_shared>> -> memref<10240xf32, #tpu.memory_space<vmem_shared>>
      tpu.wait_indirect_dma semaphore(%arg12 : memref<!tpu.dma_semaphore, #tpu.memory_space<semaphore_mem>>) src(%dma_wait3A_271 : memref<128xf32, #tpu.memory_space<vmem>>) dst(%dma_wait3A_276 : memref<10240xf32, #tpu.memory_space<vmem_shared>>)
      %dma_wait3A_277 = tpu.memref_slice %arg7[%mul3A_178] : memref<5120xf32, #tpu.memory_space<vmem>> -> memref<128xf32, #tpu.memory_space<vmem>>
      %dma_wait3A_278 = arith.constant 0 : i32
      %dma_wait3A_279 = tpu.memref_slice %arg9[%add3A_176, %dma_wait3A_278] : memref<40x128xi32, #tpu.memory_space<vmem>> -> memref<1x128xi32, #tpu.memory_space<vmem>>
      %dma_wait3A_280 = tpu.memref_squeeze %dma_wait3A_279 : memref<1x128xi32, #tpu.memory_space<vmem>> -> memref<128xi32, #tpu.memory_space<vmem>>
      %dma_wait3A_281 = arith.constant 0 : i32
      %dma_wait3A_282 = tpu.memref_slice %arg10[%dma_wait3A_281] : memref<10240xf32, #tpu.memory_space<vmem_shared>> -> memref<10240xf32, #tpu.memory_space<vmem_shared>>
      tpu.wait_indirect_dma semaphore(%arg12 : memref<!tpu.dma_semaphore, #tpu.memory_space<semaphore_mem>>) src(%dma_wait3A_277 : memref<128xf32, #tpu.memory_space<vmem>>) dst(%dma_wait3A_282 : memref<10240xf32, #tpu.memory_space<vmem_shared>>)
      %dma_wait3A_283 = tpu.memref_slice %arg8[%mul3A_180] : memref<5120xf32, #tpu.memory_space<vmem>> -> memref<128xf32, #tpu.memory_space<vmem>>
      %dma_wait3A_284 = arith.constant 0 : i32
      %dma_wait3A_285 = tpu.memref_slice %arg9[%add3A_176, %dma_wait3A_284] : memref<40x128xi32, #tpu.memory_space<vmem>> -> memref<1x128xi32, #tpu.memory_space<vmem>>
      %dma_wait3A_286 = tpu.memref_squeeze %dma_wait3A_285 : memref<1x128xi32, #tpu.memory_space<vmem>> -> memref<128xi32, #tpu.memory_space<vmem>>
      %dma_wait3A_287 = arith.constant 0 : i32
      %dma_wait3A_288 = tpu.memref_slice %arg11[%dma_wait3A_287] : memref<10240xf32, #tpu.memory_space<vmem_shared>> -> memref<10240xf32, #tpu.memory_space<vmem_shared>>
      tpu.wait_indirect_dma semaphore(%arg12 : memref<!tpu.dma_semaphore, #tpu.memory_space<semaphore_mem>>) src(%dma_wait3A_283 : memref<128xf32, #tpu.memory_space<vmem>>) dst(%dma_wait3A_288 : memref<10240xf32, #tpu.memory_space<vmem_shared>>)
    }
    %scan3A_27 = arith.constant 5 : i32
    %barrier3A_28 = arith.constant 0 : index
    tpu.barrier barrier_id(%barrier3A_28)
    %mul3A_29 = arith.constant 640 : i32
    %mul3A_30 = arith.muli %arg1, %mul3A_29 : i32
    %run_scoped3A = arith.constant 0 : i32
    "tpu.region"() ({
      %run_scoped3A_32 = tpu.sem_alloc : memref<!tpu.dma_semaphore, #tpu.memory_space<semaphore_mem>>
      %dma_start3A_33 = tpu.memref_slice %arg6[%arg0, %run_scoped3A, %mul3A_30] : memref<2x2x10240xf32, #tpu.memory_space<hbm>> -> memref<1x1x640xf32, #tpu.memory_space<hbm>>
      %dma_start3A_34 = tpu.memref_squeeze %dma_start3A_33 : memref<1x1x640xf32, #tpu.memory_space<hbm>> -> memref<640xf32, #tpu.memory_space<hbm>>
      %dma_start3A_35 = tpu.memref_slice %arg10[%mul3A_30] : memref<10240xf32, #tpu.memory_space<vmem_shared>> -> memref<640xf32, #tpu.memory_space<vmem_shared>>
      tpu.enqueue_dma source(%dma_start3A_35 : memref<640xf32, #tpu.memory_space<vmem_shared>>) target(%dma_start3A_34 : memref<640xf32, #tpu.memory_space<hbm>>) target_semaphore(%run_scoped3A_32 : memref<!tpu.dma_semaphore, #tpu.memory_space<semaphore_mem>>)
      %dma_wait3A_36 = tpu.memref_slice %arg6[%arg0, %run_scoped3A, %mul3A_30] : memref<2x2x10240xf32, #tpu.memory_space<hbm>> -> memref<1x1x640xf32, #tpu.memory_space<hbm>>
      %dma_wait3A_37 = tpu.memref_squeeze %dma_wait3A_36 : memref<1x1x640xf32, #tpu.memory_space<hbm>> -> memref<640xf32, #tpu.memory_space<hbm>>
      %dma_wait3A_38 = tpu.memref_slice %arg10[%mul3A_30] : memref<10240xf32, #tpu.memory_space<vmem_shared>> -> memref<640xf32, #tpu.memory_space<vmem_shared>>
      tpu.wait_dma2 semaphore(%run_scoped3A_32 : memref<!tpu.dma_semaphore, #tpu.memory_space<semaphore_mem>>) src(%dma_wait3A_38 : memref<640xf32, #tpu.memory_space<vmem_shared>>) dst(%dma_wait3A_37 : memref<640xf32, #tpu.memory_space<hbm>>)
      tpu.yield
    }) : () -> ()
    %run_scoped3A_31 = arith.constant 1 : i32
    "tpu.region"() ({
      %run_scoped3A_32 = tpu.sem_alloc : memref<!tpu.dma_semaphore, #tpu.memory_space<semaphore_mem>>
      %dma_start3A_33 = tpu.memref_slice %arg6[%arg0, %run_scoped3A_31, %mul3A_30] : memref<2x2x10240xf32, #tpu.memory_space<hbm>> -> memref<1x1x640xf32, #tpu.memory_space<hbm>>
      %dma_start3A_34 = tpu.memref_squeeze %dma_start3A_33 : memref<1x1x640xf32, #tpu.memory_space<hbm>> -> memref<640xf32, #tpu.memory_space<hbm>>
      %dma_start3A_35 = tpu.memref_slice %arg11[%mul3A_30] : memref<10240xf32, #tpu.memory_space<vmem_shared>> -> memref<640xf32, #tpu.memory_space<vmem_shared>>
      tpu.enqueue_dma source(%dma_start3A_35 : memref<640xf32, #tpu.memory_space<vmem_shared>>) target(%dma_start3A_34 : memref<640xf32, #tpu.memory_space<hbm>>) target_semaphore(%run_scoped3A_32 : memref<!tpu.dma_semaphore, #tpu.memory_space<semaphore_mem>>)
      %dma_wait3A_36 = tpu.memref_slice %arg6[%arg0, %run_scoped3A_31, %mul3A_30] : memref<2x2x10240xf32, #tpu.memory_space<hbm>> -> memref<1x1x640xf32, #tpu.memory_space<hbm>>
      %dma_wait3A_37 = tpu.memref_squeeze %dma_wait3A_36 : memref<1x1x640xf32, #tpu.memory_space<hbm>> -> memref<640xf32, #tpu.memory_space<hbm>>
      %dma_wait3A_38 = tpu.memref_slice %arg11[%mul3A_30] : memref<10240xf32, #tpu.memory_space<vmem_shared>> -> memref<640xf32, #tpu.memory_space<vmem_shared>>
      tpu.wait_dma2 semaphore(%run_scoped3A_32 : memref<!tpu.dma_semaphore, #tpu.memory_space<semaphore_mem>>) src(%dma_wait3A_38 : memref<640xf32, #tpu.memory_space<vmem_shared>>) dst(%dma_wait3A_37 : memref<640xf32, #tpu.memory_space<hbm>>)
      tpu.yield
    }) : () -> ()
    return
  }
}

#map = affine_map<(d0, d1) -> (0)>
module attributes {stable_mosaic.version = 14 : i64} {
  func.func @_gather_body(%arg0: i32, %arg1: i32, %arg2: memref<10000xf32, #tpu.memory_space<hbm>>, %arg3: memref<320000xi32, #tpu.memory_space<hbm>>, %arg4: memref<320000xf32, #tpu.memory_space<hbm>>, %arg5: memref<10000xf32, #tpu.memory_space<vmem>>, %arg6: memref<10000xi32, #tpu.memory_space<vmem>>, %arg7: memref<10000xf32, #tpu.memory_space<vmem>>) attributes {dimension_semantics = [#tpu.dimension_semantics<core_parallel>, #tpu.dimension_semantics<subcore_parallel>], iteration_bounds = array<i64: 2, 16>, scalar_prefetch = 0 : i64, scratch_operands = 3 : i64, tpu.core_type = #tpu.core_type<sc_vector_subcore>, window_params = [{transform_indices = #map}, {transform_indices = #map}, {transform_indices = #map}]} {
    %mul3A = arith.constant 2 : i32
    %mul3A_0 = arith.muli %arg1, %mul3A : i32
    %add3A = arith.addi %mul3A_0, %arg0 : i32
    %mul3A_1 = arith.constant 10000 : i32
    %mul3A_2 = arith.muli %add3A, %mul3A_1 : i32
    "tpu.region"() ({
      %run_scoped3A = tpu.sem_alloc : memref<!tpu.dma_semaphore, #tpu.memory_space<semaphore_mem>>
      tpu.enqueue_dma source(%arg2 : memref<10000xf32, #tpu.memory_space<hbm>>) target(%arg5 : memref<10000xf32, #tpu.memory_space<vmem>>) target_semaphore(%run_scoped3A : memref<!tpu.dma_semaphore, #tpu.memory_space<semaphore_mem>>)
      tpu.wait_dma2 semaphore(%run_scoped3A : memref<!tpu.dma_semaphore, #tpu.memory_space<semaphore_mem>>) src(%arg2 : memref<10000xf32, #tpu.memory_space<hbm>>) dst(%arg5 : memref<10000xf32, #tpu.memory_space<vmem>>)
      tpu.yield
    }) : () -> ()
    "tpu.region"() ({
      %run_scoped3A = tpu.sem_alloc : memref<!tpu.dma_semaphore, #tpu.memory_space<semaphore_mem>>
      %dma_start3A = tpu.memref_slice %arg3[%mul3A_2] : memref<320000xi32, #tpu.memory_space<hbm>> -> memref<10000xi32, #tpu.memory_space<hbm>>
      %dma_start3A_8 = tpu.memref_slice %arg3[%mul3A_2] : memref<320000xi32, #tpu.memory_space<hbm>> -> memref<10000xi32, #tpu.memory_space<hbm>>
      tpu.enqueue_dma source(%dma_start3A_8 : memref<10000xi32, #tpu.memory_space<hbm>>) target(%arg6 : memref<10000xi32, #tpu.memory_space<vmem>>) target_semaphore(%run_scoped3A : memref<!tpu.dma_semaphore, #tpu.memory_space<semaphore_mem>>)
      %dma_wait3A = tpu.memref_slice %arg3[%mul3A_2] : memref<320000xi32, #tpu.memory_space<hbm>> -> memref<10000xi32, #tpu.memory_space<hbm>>
      %dma_wait3A_9 = tpu.memref_slice %arg3[%mul3A_2] : memref<320000xi32, #tpu.memory_space<hbm>> -> memref<10000xi32, #tpu.memory_space<hbm>>
      tpu.wait_dma2 semaphore(%run_scoped3A : memref<!tpu.dma_semaphore, #tpu.memory_space<semaphore_mem>>) src(%dma_wait3A_9 : memref<10000xi32, #tpu.memory_space<hbm>>) dst(%arg6 : memref<10000xi32, #tpu.memory_space<vmem>>)
      tpu.yield
    }) : () -> ()
    %scan3A = arith.constant 0 : i32
    %scan3A_3 = arith.constant 0 : i32
    %scan3A_4 = arith.constant 156 : i32
    %scan3A_5 = arith.addi %scan3A_3, %scan3A_4 : i32
    %scan3A_6 = arith.constant 1 : i32
    scf.for %scan3A_8 = %scan3A_3 to %scan3A_5 step %scan3A_6  : i32 {
      %mul3A_9 = arith.constant 4 : i32
      %mul3A_10 = arith.muli %scan3A_8, %mul3A_9 : i32
      %add3A_11 = arith.constant 0 : i32
      %add3A_12 = arith.addi %mul3A_10, %add3A_11 : i32
      %mul3A_13 = arith.constant 16 : i32
      %mul3A_14 = arith.muli %add3A_12, %mul3A_13 : i32
      %get3A = arith.index_cast %mul3A_14 : i32 to index
      %get3A_15 = tpu.vector_load %arg6[%get3A] {strides = array<i32>} : memref<10000xi32, #tpu.memory_space<vmem>>, vector<16xi32>,
      %gather3A = tpu.vector_load_idx %arg5[%get3A_15] : memref<10000xf32, #tpu.memory_space<vmem>>[vector<16xi32>], vector<16xf32>,
      %swap3A = arith.index_cast %mul3A_14 : i32 to index
      %swap3A_16 = tpu.vector_load %arg7[%swap3A] {strides = array<i32>} : memref<10000xf32, #tpu.memory_space<vmem>>, vector<16xf32>,
      tpu.vector_store %arg7[%swap3A], %gather3A {strides = array<i32>} : memref<10000xf32, #tpu.memory_space<vmem>>, vector<16xf32>,
      %mul3A_17 = arith.constant 4 : i32
      %mul3A_18 = arith.muli %scan3A_8, %mul3A_17 : i32
      %add3A_19 = arith.constant 1 : i32
      %add3A_20 = arith.addi %mul3A_18, %add3A_19 : i32
      %mul3A_21 = arith.constant 16 : i32
      %mul3A_22 = arith.muli %add3A_20, %mul3A_21 : i32
      %get3A_23 = arith.index_cast %mul3A_22 : i32 to index
      %get3A_24 = tpu.vector_load %arg6[%get3A_23] {strides = array<i32>} : memref<10000xi32, #tpu.memory_space<vmem>>, vector<16xi32>,
      %gather3A_25 = tpu.vector_load_idx %arg5[%get3A_24] : memref<10000xf32, #tpu.memory_space<vmem>>[vector<16xi32>], vector<16xf32>,
      %swap3A_26 = arith.index_cast %mul3A_22 : i32 to index
      %swap3A_27 = tpu.vector_load %arg7[%swap3A_26] {strides = array<i32>} : memref<10000xf32, #tpu.memory_space<vmem>>, vector<16xf32>,
      tpu.vector_store %arg7[%swap3A_26], %gather3A_25 {strides = array<i32>} : memref<10000xf32, #tpu.memory_space<vmem>>, vector<16xf32>,
      %mul3A_28 = arith.constant 4 : i32
      %mul3A_29 = arith.muli %scan3A_8, %mul3A_28 : i32
      %add3A_30 = arith.constant 2 : i32
      %add3A_31 = arith.addi %mul3A_29, %add3A_30 : i32
      %mul3A_32 = arith.constant 16 : i32
      %mul3A_33 = arith.muli %add3A_31, %mul3A_32 : i32
      %get3A_34 = arith.index_cast %mul3A_33 : i32 to index
      %get3A_35 = tpu.vector_load %arg6[%get3A_34] {strides = array<i32>} : memref<10000xi32, #tpu.memory_space<vmem>>, vector<16xi32>,
      %gather3A_36 = tpu.vector_load_idx %arg5[%get3A_35] : memref<10000xf32, #tpu.memory_space<vmem>>[vector<16xi32>], vector<16xf32>,
      %swap3A_37 = arith.index_cast %mul3A_33 : i32 to index
      %swap3A_38 = tpu.vector_load %arg7[%swap3A_37] {strides = array<i32>} : memref<10000xf32, #tpu.memory_space<vmem>>, vector<16xf32>,
      tpu.vector_store %arg7[%swap3A_37], %gather3A_36 {strides = array<i32>} : memref<10000xf32, #tpu.memory_space<vmem>>, vector<16xf32>,
      %mul3A_39 = arith.constant 4 : i32
      %mul3A_40 = arith.muli %scan3A_8, %mul3A_39 : i32
      %add3A_41 = arith.constant 3 : i32
      %add3A_42 = arith.addi %mul3A_40, %add3A_41 : i32
      %mul3A_43 = arith.constant 16 : i32
      %mul3A_44 = arith.muli %add3A_42, %mul3A_43 : i32
      %get3A_45 = arith.index_cast %mul3A_44 : i32 to index
      %get3A_46 = tpu.vector_load %arg6[%get3A_45] {strides = array<i32>} : memref<10000xi32, #tpu.memory_space<vmem>>, vector<16xi32>,
      %gather3A_47 = tpu.vector_load_idx %arg5[%get3A_46] : memref<10000xf32, #tpu.memory_space<vmem>>[vector<16xi32>], vector<16xf32>,
      %swap3A_48 = arith.index_cast %mul3A_44 : i32 to index
      %swap3A_49 = tpu.vector_load %arg7[%swap3A_48] {strides = array<i32>} : memref<10000xf32, #tpu.memory_space<vmem>>, vector<16xf32>,
      tpu.vector_store %arg7[%swap3A_48], %gather3A_47 {strides = array<i32>} : memref<10000xf32, #tpu.memory_space<vmem>>, vector<16xf32>,
    }
    %scan3A_7 = arith.constant 156 : i32
    "tpu.region"() ({
      %run_scoped3A = tpu.sem_alloc : memref<!tpu.dma_semaphore, #tpu.memory_space<semaphore_mem>>
      %dma_start3A = tpu.memref_slice %arg4[%mul3A_2] : memref<320000xf32, #tpu.memory_space<hbm>> -> memref<10000xf32, #tpu.memory_space<hbm>>
      %dma_start3A_8 = tpu.memref_slice %arg4[%mul3A_2] : memref<320000xf32, #tpu.memory_space<hbm>> -> memref<10000xf32, #tpu.memory_space<hbm>>
      tpu.enqueue_dma source(%arg7 : memref<10000xf32, #tpu.memory_space<vmem>>) target(%dma_start3A_8 : memref<10000xf32, #tpu.memory_space<hbm>>) target_semaphore(%run_scoped3A : memref<!tpu.dma_semaphore, #tpu.memory_space<semaphore_mem>>)
      %dma_wait3A = tpu.memref_slice %arg4[%mul3A_2] : memref<320000xf32, #tpu.memory_space<hbm>> -> memref<10000xf32, #tpu.memory_space<hbm>>
      %dma_wait3A_9 = tpu.memref_slice %arg4[%mul3A_2] : memref<320000xf32, #tpu.memory_space<hbm>> -> memref<10000xf32, #tpu.memory_space<hbm>>
      tpu.wait_dma2 semaphore(%run_scoped3A : memref<!tpu.dma_semaphore, #tpu.memory_space<semaphore_mem>>) src(%arg7 : memref<10000xf32, #tpu.memory_space<vmem>>) dst(%dma_wait3A_9 : memref<10000xf32, #tpu.memory_space<hbm>>)
      tpu.yield
    }) : () -> ()
    return
  }
}

module attributes {stable_mosaic.version = 14 : i64} {
  func.func @_edge_body(%arg0: i32, %arg1: memref<6400x128xf32, #tpu.memory_space<vmem>>, %arg2: memref<320000xf32, #tpu.memory_space<vmem>>, %arg3: memref<16x128xf32, #tpu.memory_space<vmem>>, %arg4: memref<16x128xf32, #tpu.memory_space<vmem>>, %arg5: memref<160000xf32, #tpu.memory_space<vmem>>, %arg6: memref<160000xf32, #tpu.memory_space<vmem>>) attributes {dimension_semantics = [#tpu.dimension_semantics<arbitrary>], iteration_bounds = array<i64: 25>, scalar_prefetch = 0 : i64, scratch_operands = 0 : i64, tpu.core_type = #tpu.core_type<tc>, window_params = [{transform_indices = @transform_0, window_bounds = array<i64: 6400, 128>}, {pipeline_mode = #tpu.pipeline_mode<synchronous>, transform_indices = @transform_1, window_bounds = array<i64: 320000>}, {pipeline_mode = #tpu.pipeline_mode<synchronous>, transform_indices = @transform_2, window_bounds = array<i64: 16, 128>}, {pipeline_mode = #tpu.pipeline_mode<synchronous>, transform_indices = @transform_3, window_bounds = array<i64: 16, 128>}, {pipeline_mode = #tpu.pipeline_mode<synchronous>, transform_indices = @transform_4, window_bounds = array<i64: 160000>}, {pipeline_mode = #tpu.pipeline_mode<synchronous>, transform_indices = @transform_5, window_bounds = array<i64: 160000>}]} {
    %get3A = arith.constant 0 : index
    %get3A_0 = arith.constant 0 : index
    %get3A_1 = vector.load %arg3[%get3A, %get3A_0] : memref<16x128xf32, #tpu.memory_space<vmem>>, vector<16x128xf32>
    %get3A_2 = arith.constant 0 : index
    %get3A_3 = arith.constant 0 : index
    %get3A_4 = vector.load %arg1[%get3A_2, %get3A_3] : memref<6400x128xf32, #tpu.memory_space<vmem>>, vector<6400x128xf32>
    %dot_general3A = arith.constant dense<0.000000e+00> : vector<16x6400xf32>
    %dot_general3A_5 = tpu.matmul %get3A_1, %get3A_4, %dot_general3A {dimension_numbers = #tpu.dot_dimension_numbers<[1], [1], [0], [0], [0, 0, 1, 0], [], []>, transpose_lhs_hint = false} : vector<16x128xf32>, vector<6400x128xf32>, vector<16x6400xf32> -> vector<16x6400xf32>
    %get3A_6 = arith.constant 0 : index
    %get3A_7 = arith.constant 0 : index
    %get3A_8 = vector.load %arg4[%get3A_6, %get3A_7] : memref<16x128xf32, #tpu.memory_space<vmem>>, vector<16x128xf32>
    %add3A = arith.constant 0 : i32
    %add3A_9 = arith.addi %arg0, %add3A : i32
    %mul3A = arith.constant 6400 : i32
    %mul3A_10 = arith.muli %add3A_9, %mul3A : i32
    %mul3A_11 = arith.constant 6400 : i32
    %mul3A_12 = arith.muli %arg0, %mul3A_11 : i32
    %get3A_13 = arith.index_cast %mul3A_10 : i32 to index
    %get3A_14 = vector.load %arg2[%get3A_13] : memref<320000xf32, #tpu.memory_space<vmem>>, vector<6400xf32>
    %slice3A = vector.extract_strided_slice %get3A_8 {offsets = [0, 0], sizes = [16, 1], strides = [1, 1]} : vector<16x128xf32> to vector<16x1xf32>
    %broadcast_in_dim3A = vector.shape_cast %get3A_14 : vector<6400xf32> to vector<1x6400xf32>
    %mul3A_15 = vector.broadcast %broadcast_in_dim3A : vector<1x6400xf32> to vector<16x6400xf32>
    %mul3A_16 = vector.broadcast %slice3A : vector<16x1xf32> to vector<16x6400xf32>
    %mul3A_17 = arith.mulf %mul3A_15, %mul3A_16 : vector<16x6400xf32>
    %add3A_18 = arith.addf %dot_general3A_5, %mul3A_17 : vector<16x6400xf32>
    %slice3A_19 = vector.extract_strided_slice %get3A_8 {offsets = [0, 1], sizes = [16, 1], strides = [1, 1]} : vector<16x128xf32> to vector<16x1xf32>
    %add3A_20 = vector.broadcast %slice3A_19 : vector<16x1xf32> to vector<16x6400xf32>
    %add3A_21 = arith.addf %add3A_18, %add3A_20 : vector<16x6400xf32>
    %tanh3A = math.tanh %add3A_21 : vector<16x6400xf32>
    %slice3A_22 = vector.extract_strided_slice %get3A_8 {offsets = [0, 2], sizes = [16, 1], strides = [1, 1]} : vector<16x128xf32> to vector<16x1xf32>
    %mul3A_23 = vector.broadcast %slice3A_22 : vector<16x1xf32> to vector<16x6400xf32>
    %mul3A_24 = arith.mulf %tanh3A, %mul3A_23 : vector<16x6400xf32>
    %reduce_sum3A = arith.constant dense<0.000000e+00> : vector<6400xf32>
    %reduce_sum3A_25 = vector.multi_reduction <add>, %mul3A_24, %reduce_sum3A [0] : vector<16x6400xf32> to vector<6400xf32>
    %slice3A_26 = vector.extract_strided_slice %get3A_8 {offsets = [0, 3], sizes = [1, 1], strides = [1, 1]} : vector<16x128xf32> to vector<1x1xf32>
    %squeeze3A = vector.extract %slice3A_26[0, 0] : f32 from vector<1x1xf32>
    %add3A_27 = vector.broadcast %squeeze3A : f32 to vector<6400xf32>
    %add3A_28 = arith.addf %reduce_sum3A_25, %add3A_27 : vector<6400xf32>
    %slice3A_29 = vector.extract_strided_slice %dot_general3A_5 {offsets = [12, 0], sizes = [1, 6400], strides = [1, 1]} : vector<16x6400xf32> to vector<1x6400xf32>
    %squeeze3A_30 = vector.shape_cast %slice3A_29 : vector<1x6400xf32> to vector<6400xf32>
    %neg3A = arith.constant 0.000000e+00 : f32
    %neg3A_31 = vector.broadcast %neg3A : f32 to vector<6400xf32>
    %neg3A_32 = arith.subf %neg3A_31, %add3A_28 : vector<6400xf32>
    %exp3A = math.exp %neg3A_32 : vector<6400xf32>
    %add3A_33 = arith.constant 1.000000e+00 : f32
    %add3A_34 = vector.broadcast %add3A_33 : f32 to vector<6400xf32>
    %add3A_35 = arith.addf %add3A_34, %exp3A : vector<6400xf32>
    %div3A = arith.constant 1.000000e+00 : f32
    %div3A_36 = vector.broadcast %div3A : f32 to vector<6400xf32>
    %div3A_37 = arith.divf %div3A_36, %add3A_35 : vector<6400xf32>
    %exp3A_38 = math.exp %div3A_37 : vector<6400xf32>
    %swap3A = arith.index_cast %mul3A_12 : i32 to index
    %swap3A_39 = vector.load %arg5[%swap3A] : memref<160000xf32, #tpu.memory_space<vmem>>, vector<6400xf32>
    tpu.vector_store %arg5[%swap3A], %exp3A_38 {strides = array<i32>} : memref<160000xf32, #tpu.memory_space<vmem>>, vector<6400xf32>,
    %mul3A_40 = arith.mulf %exp3A_38, %squeeze3A_30 : vector<6400xf32>
    %swap3A_41 = arith.index_cast %mul3A_12 : i32 to index
    %swap3A_42 = vector.load %arg6[%swap3A_41] : memref<160000xf32, #tpu.memory_space<vmem>>, vector<6400xf32>
    tpu.vector_store %arg6[%swap3A_41], %mul3A_40 {strides = array<i32>} : memref<160000xf32, #tpu.memory_space<vmem>>, vector<6400xf32>,
    return
  }
  func.func @transform_0(%arg0: i32) -> (i32, i32) {
    %add3A = arith.constant 0 : i32
    %add3A_0 = arith.addi %arg0, %add3A : i32
    %c0_i32 = arith.constant 0 : i32
    %c0_i32_1 = arith.constant 0 : i32
    return %add3A_0, %c0_i32 : i32, i32
  }
  func.func @transform_1(%arg0: i32) -> i32 {
    %c0_i32 = arith.constant 0 : i32
    %c0_i32_0 = arith.constant 0 : i32
    return %c0_i32 : i32
  }
  func.func @transform_2(%arg0: i32) -> (i32, i32) {
    %c0_i32 = arith.constant 0 : i32
    %c0_i32_0 = arith.constant 0 : i32
    %c0_i32_1 = arith.constant 0 : i32
    return %c0_i32, %c0_i32_0 : i32, i32
  }
  func.func @transform_3(%arg0: i32) -> (i32, i32) {
    %c0_i32 = arith.constant 0 : i32
    %c0_i32_0 = arith.constant 0 : i32
    %c0_i32_1 = arith.constant 0 : i32
    return %c0_i32, %c0_i32_0 : i32, i32
  }
  func.func @transform_4(%arg0: i32) -> i32 {
    %c0_i32 = arith.constant 0 : i32
    %c0_i32_0 = arith.constant 0 : i32
    return %c0_i32 : i32
  }
  func.func @transform_5(%arg0: i32) -> i32 {
    %c0_i32 = arith.constant 0 : i32
    %c0_i32_0 = arith.constant 0 : i32
    return %c0_i32 : i32
  }
}

module attributes {stable_mosaic.version = 14 : i64} {
  func.func @_edge_body(%arg0: i32, %arg1: memref<6400x128xf32, #tpu.memory_space<vmem>>, %arg2: memref<320000xf32, #tpu.memory_space<vmem>>, %arg3: memref<16x128xf32, #tpu.memory_space<vmem>>, %arg4: memref<16x128xf32, #tpu.memory_space<vmem>>, %arg5: memref<160000xf32, #tpu.memory_space<vmem>>, %arg6: memref<160000xf32, #tpu.memory_space<vmem>>) attributes {dimension_semantics = [#tpu.dimension_semantics<arbitrary>], iteration_bounds = array<i64: 25>, scalar_prefetch = 0 : i64, scratch_operands = 0 : i64, tpu.core_type = #tpu.core_type<tc>, window_params = [{transform_indices = @transform_0, window_bounds = array<i64: 6400, 128>}, {pipeline_mode = #tpu.pipeline_mode<synchronous>, transform_indices = @transform_1, window_bounds = array<i64: 320000>}, {pipeline_mode = #tpu.pipeline_mode<synchronous>, transform_indices = @transform_2, window_bounds = array<i64: 16, 128>}, {pipeline_mode = #tpu.pipeline_mode<synchronous>, transform_indices = @transform_3, window_bounds = array<i64: 16, 128>}, {pipeline_mode = #tpu.pipeline_mode<synchronous>, transform_indices = @transform_4, window_bounds = array<i64: 160000>}, {pipeline_mode = #tpu.pipeline_mode<synchronous>, transform_indices = @transform_5, window_bounds = array<i64: 160000>}]} {
    %get3A = arith.constant 0 : index
    %get3A_0 = arith.constant 0 : index
    %get3A_1 = vector.load %arg3[%get3A, %get3A_0] : memref<16x128xf32, #tpu.memory_space<vmem>>, vector<16x128xf32>
    %get3A_2 = arith.constant 0 : index
    %get3A_3 = arith.constant 0 : index
    %get3A_4 = vector.load %arg1[%get3A_2, %get3A_3] : memref<6400x128xf32, #tpu.memory_space<vmem>>, vector<6400x128xf32>
    %dot_general3A = arith.constant dense<0.000000e+00> : vector<16x6400xf32>
    %dot_general3A_5 = tpu.matmul %get3A_1, %get3A_4, %dot_general3A {dimension_numbers = #tpu.dot_dimension_numbers<[1], [1], [0], [0], [0, 0, 1, 0], [], []>, transpose_lhs_hint = false} : vector<16x128xf32>, vector<6400x128xf32>, vector<16x6400xf32> -> vector<16x6400xf32>
    %get3A_6 = arith.constant 0 : index
    %get3A_7 = arith.constant 0 : index
    %get3A_8 = vector.load %arg4[%get3A_6, %get3A_7] : memref<16x128xf32, #tpu.memory_space<vmem>>, vector<16x128xf32>
    %add3A = arith.constant 25 : i32
    %add3A_9 = arith.addi %arg0, %add3A : i32
    %mul3A = arith.constant 6400 : i32
    %mul3A_10 = arith.muli %add3A_9, %mul3A : i32
    %mul3A_11 = arith.constant 6400 : i32
    %mul3A_12 = arith.muli %arg0, %mul3A_11 : i32
    %get3A_13 = arith.index_cast %mul3A_10 : i32 to index
    %get3A_14 = vector.load %arg2[%get3A_13] : memref<320000xf32, #tpu.memory_space<vmem>>, vector<6400xf32>
    %slice3A = vector.extract_strided_slice %get3A_8 {offsets = [0, 0], sizes = [16, 1], strides = [1, 1]} : vector<16x128xf32> to vector<16x1xf32>
    %broadcast_in_dim3A = vector.shape_cast %get3A_14 : vector<6400xf32> to vector<1x6400xf32>
    %mul3A_15 = vector.broadcast %broadcast_in_dim3A : vector<1x6400xf32> to vector<16x6400xf32>
    %mul3A_16 = vector.broadcast %slice3A : vector<16x1xf32> to vector<16x6400xf32>
    %mul3A_17 = arith.mulf %mul3A_15, %mul3A_16 : vector<16x6400xf32>
    %add3A_18 = arith.addf %dot_general3A_5, %mul3A_17 : vector<16x6400xf32>
    %slice3A_19 = vector.extract_strided_slice %get3A_8 {offsets = [0, 1], sizes = [16, 1], strides = [1, 1]} : vector<16x128xf32> to vector<16x1xf32>
    %add3A_20 = vector.broadcast %slice3A_19 : vector<16x1xf32> to vector<16x6400xf32>
    %add3A_21 = arith.addf %add3A_18, %add3A_20 : vector<16x6400xf32>
    %tanh3A = math.tanh %add3A_21 : vector<16x6400xf32>
    %slice3A_22 = vector.extract_strided_slice %get3A_8 {offsets = [0, 2], sizes = [16, 1], strides = [1, 1]} : vector<16x128xf32> to vector<16x1xf32>
    %mul3A_23 = vector.broadcast %slice3A_22 : vector<16x1xf32> to vector<16x6400xf32>
    %mul3A_24 = arith.mulf %tanh3A, %mul3A_23 : vector<16x6400xf32>
    %reduce_sum3A = arith.constant dense<0.000000e+00> : vector<6400xf32>
    %reduce_sum3A_25 = vector.multi_reduction <add>, %mul3A_24, %reduce_sum3A [0] : vector<16x6400xf32> to vector<6400xf32>
    %slice3A_26 = vector.extract_strided_slice %get3A_8 {offsets = [0, 3], sizes = [1, 1], strides = [1, 1]} : vector<16x128xf32> to vector<1x1xf32>
    %squeeze3A = vector.extract %slice3A_26[0, 0] : f32 from vector<1x1xf32>
    %add3A_27 = vector.broadcast %squeeze3A : f32 to vector<6400xf32>
    %add3A_28 = arith.addf %reduce_sum3A_25, %add3A_27 : vector<6400xf32>
    %slice3A_29 = vector.extract_strided_slice %dot_general3A_5 {offsets = [12, 0], sizes = [1, 6400], strides = [1, 1]} : vector<16x6400xf32> to vector<1x6400xf32>
    %squeeze3A_30 = vector.shape_cast %slice3A_29 : vector<1x6400xf32> to vector<6400xf32>
    %neg3A = arith.constant 0.000000e+00 : f32
    %neg3A_31 = vector.broadcast %neg3A : f32 to vector<6400xf32>
    %neg3A_32 = arith.subf %neg3A_31, %add3A_28 : vector<6400xf32>
    %exp3A = math.exp %neg3A_32 : vector<6400xf32>
    %add3A_33 = arith.constant 1.000000e+00 : f32
    %add3A_34 = vector.broadcast %add3A_33 : f32 to vector<6400xf32>
    %add3A_35 = arith.addf %add3A_34, %exp3A : vector<6400xf32>
    %div3A = arith.constant 1.000000e+00 : f32
    %div3A_36 = vector.broadcast %div3A : f32 to vector<6400xf32>
    %div3A_37 = arith.divf %div3A_36, %add3A_35 : vector<6400xf32>
    %exp3A_38 = math.exp %div3A_37 : vector<6400xf32>
    %swap3A = arith.index_cast %mul3A_12 : i32 to index
    %swap3A_39 = vector.load %arg5[%swap3A] : memref<160000xf32, #tpu.memory_space<vmem>>, vector<6400xf32>
    tpu.vector_store %arg5[%swap3A], %exp3A_38 {strides = array<i32>} : memref<160000xf32, #tpu.memory_space<vmem>>, vector<6400xf32>,
    %mul3A_40 = arith.mulf %exp3A_38, %squeeze3A_30 : vector<6400xf32>
    %swap3A_41 = arith.index_cast %mul3A_12 : i32 to index
    %swap3A_42 = vector.load %arg6[%swap3A_41] : memref<160000xf32, #tpu.memory_space<vmem>>, vector<6400xf32>
    tpu.vector_store %arg6[%swap3A_41], %mul3A_40 {strides = array<i32>} : memref<160000xf32, #tpu.memory_space<vmem>>, vector<6400xf32>,
    return
  }
  func.func @transform_0(%arg0: i32) -> (i32, i32) {
    %add3A = arith.constant 25 : i32
    %add3A_0 = arith.addi %arg0, %add3A : i32
    %c0_i32 = arith.constant 0 : i32
    %c0_i32_1 = arith.constant 0 : i32
    return %add3A_0, %c0_i32 : i32, i32
  }
  func.func @transform_1(%arg0: i32) -> i32 {
    %c0_i32 = arith.constant 0 : i32
    %c0_i32_0 = arith.constant 0 : i32
    return %c0_i32 : i32
  }
  func.func @transform_2(%arg0: i32) -> (i32, i32) {
    %c0_i32 = arith.constant 0 : i32
    %c0_i32_0 = arith.constant 0 : i32
    %c0_i32_1 = arith.constant 0 : i32
    return %c0_i32, %c0_i32_0 : i32, i32
  }
  func.func @transform_3(%arg0: i32) -> (i32, i32) {
    %c0_i32 = arith.constant 0 : i32
    %c0_i32_0 = arith.constant 0 : i32
    %c0_i32_1 = arith.constant 0 : i32
    return %c0_i32, %c0_i32_0 : i32, i32
  }
  func.func @transform_4(%arg0: i32) -> i32 {
    %c0_i32 = arith.constant 0 : i32
    %c0_i32_0 = arith.constant 0 : i32
    return %c0_i32 : i32
  }
  func.func @transform_5(%arg0: i32) -> i32 {
    %c0_i32 = arith.constant 0 : i32
    %c0_i32_0 = arith.constant 0 : i32
    return %c0_i32 : i32
  }
}

module attributes {stable_mosaic.version = 14 : i64} {
  func.func @_combine_body(%arg0: memref<2x2x10240xf32, #tpu.memory_space<vmem>>, %arg1: memref<2x2x10240xf32, #tpu.memory_space<vmem>>, %arg2: memref<10240xf32, #tpu.memory_space<vmem>>, %arg3: memref<16x128xf32, #tpu.memory_space<vmem>>, %arg4: memref<10240xf32, #tpu.memory_space<vmem>>) attributes {dimension_semantics = [], scalar_prefetch = 0 : i64, scratch_operands = 0 : i64, tpu.core_type = #tpu.core_type<tc>} {
    %broadcast_in_dim3A = arith.constant 0.000000e+00 : f32
    %broadcast_in_dim3A_0 = vector.broadcast %broadcast_in_dim3A : f32 to vector<10240xf32>
    %broadcast_in_dim3A_1 = arith.constant 0.000000e+00 : f32
    %broadcast_in_dim3A_2 = vector.broadcast %broadcast_in_dim3A_1 : f32 to vector<10240xf32>
    %get3A = arith.constant 0 : index
    %get3A_3 = arith.constant 0 : index
    %get3A_4 = arith.constant 0 : index
    %get3A_5 = vector.load %arg0[%get3A, %get3A_3, %get3A_4] : memref<2x2x10240xf32, #tpu.memory_space<vmem>>, vector<2x2x10240xf32>
    %slice3A = vector.extract_strided_slice %get3A_5 {offsets = [0, 0, 0], sizes = [1, 1, 10240], strides = [1, 1, 1]} : vector<2x2x10240xf32> to vector<1x1x10240xf32>
    %squeeze3A = vector.shape_cast %slice3A : vector<1x1x10240xf32> to vector<10240xf32>
    %add3A = arith.addf %broadcast_in_dim3A_0, %squeeze3A : vector<10240xf32>
    %slice3A_6 = vector.extract_strided_slice %get3A_5 {offsets = [1, 0, 0], sizes = [1, 1, 10240], strides = [1, 1, 1]} : vector<2x2x10240xf32> to vector<1x1x10240xf32>
    %squeeze3A_7 = vector.shape_cast %slice3A_6 : vector<1x1x10240xf32> to vector<10240xf32>
    %add3A_8 = arith.addf %add3A, %squeeze3A_7 : vector<10240xf32>
    %slice3A_9 = vector.extract_strided_slice %get3A_5 {offsets = [0, 1, 0], sizes = [1, 1, 10240], strides = [1, 1, 1]} : vector<2x2x10240xf32> to vector<1x1x10240xf32>
    %squeeze3A_10 = vector.shape_cast %slice3A_9 : vector<1x1x10240xf32> to vector<10240xf32>
    %add3A_11 = arith.addf %broadcast_in_dim3A_2, %squeeze3A_10 : vector<10240xf32>
    %slice3A_12 = vector.extract_strided_slice %get3A_5 {offsets = [1, 1, 0], sizes = [1, 1, 10240], strides = [1, 1, 1]} : vector<2x2x10240xf32> to vector<1x1x10240xf32>
    %squeeze3A_13 = vector.shape_cast %slice3A_12 : vector<1x1x10240xf32> to vector<10240xf32>
    %add3A_14 = arith.addf %add3A_11, %squeeze3A_13 : vector<10240xf32>
    %get3A_15 = arith.constant 0 : index
    %get3A_16 = arith.constant 0 : index
    %get3A_17 = arith.constant 0 : index
    %get3A_18 = vector.load %arg1[%get3A_15, %get3A_16, %get3A_17] : memref<2x2x10240xf32, #tpu.memory_space<vmem>>, vector<2x2x10240xf32>
    %slice3A_19 = vector.extract_strided_slice %get3A_18 {offsets = [0, 0, 0], sizes = [1, 1, 10240], strides = [1, 1, 1]} : vector<2x2x10240xf32> to vector<1x1x10240xf32>
    %squeeze3A_20 = vector.shape_cast %slice3A_19 : vector<1x1x10240xf32> to vector<10240xf32>
    %add3A_21 = arith.addf %add3A_8, %squeeze3A_20 : vector<10240xf32>
    %slice3A_22 = vector.extract_strided_slice %get3A_18 {offsets = [1, 0, 0], sizes = [1, 1, 10240], strides = [1, 1, 1]} : vector<2x2x10240xf32> to vector<1x1x10240xf32>
    %squeeze3A_23 = vector.shape_cast %slice3A_22 : vector<1x1x10240xf32> to vector<10240xf32>
    %add3A_24 = arith.addf %add3A_21, %squeeze3A_23 : vector<10240xf32>
    %slice3A_25 = vector.extract_strided_slice %get3A_18 {offsets = [0, 1, 0], sizes = [1, 1, 10240], strides = [1, 1, 1]} : vector<2x2x10240xf32> to vector<1x1x10240xf32>
    %squeeze3A_26 = vector.shape_cast %slice3A_25 : vector<1x1x10240xf32> to vector<10240xf32>
    %add3A_27 = arith.addf %add3A_14, %squeeze3A_26 : vector<10240xf32>
    %slice3A_28 = vector.extract_strided_slice %get3A_18 {offsets = [1, 1, 0], sizes = [1, 1, 10240], strides = [1, 1, 1]} : vector<2x2x10240xf32> to vector<1x1x10240xf32>
    %squeeze3A_29 = vector.shape_cast %slice3A_28 : vector<1x1x10240xf32> to vector<10240xf32>
    %add3A_30 = arith.addf %add3A_27, %squeeze3A_29 : vector<10240xf32>
    %get3A_31 = arith.constant 0 : index
    %get3A_32 = vector.load %arg2[%get3A_31] : memref<10240xf32, #tpu.memory_space<vmem>>, vector<10240xf32>
    %get3A_33 = arith.constant 0 : index
    %get3A_34 = arith.constant 4 : index
    %get3A_35 = vector.load %arg3[%get3A_33, %get3A_34] : memref<16x128xf32, #tpu.memory_space<vmem>>, vector<1x1xf32>
    %get3A_36 = vector.extract %get3A_35[0, 0] : f32 from vector<1x1xf32>
    %get3A_37 = arith.constant 0 : index
    %get3A_38 = arith.constant 5 : index
    %get3A_39 = vector.load %arg3[%get3A_37, %get3A_38] : memref<16x128xf32, #tpu.memory_space<vmem>>, vector<1x1xf32>
    %get3A_40 = vector.extract %get3A_39[0, 0] : f32 from vector<1x1xf32>
    %gt3A = arith.constant 5.000000e-01 : f32
    %gt3A_41 = vector.broadcast %gt3A : f32 to vector<10240xf32>
    %gt3A_42 = arith.cmpf ogt, %add3A_24, %gt3A_41 : vector<10240xf32>
    %max3A = arith.constant 5.000000e-01 : f32
    %max3A_43 = vector.broadcast %max3A : f32 to vector<10240xf32>
    %max3A_44 = arith.maximumf %add3A_24, %max3A_43 : vector<10240xf32>
    %div3A = arith.divf %add3A_30, %max3A_44 : vector<10240xf32>
    %jit3A = arith.constant 0.000000e+00 : f32
    %broadcast_in_dim3A_45 = vector.broadcast %jit3A : f32 to vector<10240xf32>
    %select_n3A = arith.select %gt3A_42, %div3A, %broadcast_in_dim3A_45 : vector<10240xi1>, vector<10240xf32>
    %mul3A = vector.broadcast %get3A_36 : f32 to vector<10240xf32>
    %mul3A_46 = arith.mulf %get3A_32, %mul3A : vector<10240xf32>
    %add3A_47 = arith.addf %mul3A_46, %select_n3A : vector<10240xf32>
    %add3A_48 = vector.broadcast %get3A_40 : f32 to vector<10240xf32>
    %add3A_49 = arith.addf %add3A_47, %add3A_48 : vector<10240xf32>
    %swap3A = arith.constant 0 : index
    %swap3A_50 = vector.load %arg4[%swap3A] : memref<10240xf32, #tpu.memory_space<vmem>>, vector<10240xf32>
    tpu.vector_store %arg4[%swap3A], %add3A_49 {strides = array<i32>} : memref<10240xf32, #tpu.memory_space<vmem>>, vector<10240xf32>,
    return
  }
}

</mosaic_0001>

<sc_bundles>
// kernel: kernel.11.cloned.1.call-start
scs
__scs_entry_jumppad:
0x0: {  	(pc) =	sbr.rel $0x88, $3  }
0x1: {  	(tag) =	ssettag $0x0;
	lr =	simm.s32 $0x1  }
0x2: {  	[smem:$0x3F98] =	sst lr;
	_ =	strace $0xD0000000  }
0x3: {  	_ = 	snop  }
0x4: {  	_ = 	snop  }
0x5: {  	_ = 	snop  }
0x6: {  	_ = 	snop  }
0x7: {  	_ = 	snop  }
__scs_overlays_trampoline_lowered:
0x8: {  	[smem:$0x3FA7] =	sst s0  }
0x9: {  	[smem:$0x3FA8] =	sst s1  }
0xa: {  	[smem:$0x3FA9] =	sst s2  }
0xb: {  	[smem:$0x3FAA] =	sst s3  }
0xc: {  	[smem:$0x3FAB] =	sst s4  }
0xd: {  	[smem:$0x3FAC] =	sst s5  }
0xe: {  	[smem:$0x3FAD] =	sst s6  }
0xf: {  	[smem:$0x3FAE] =	sst s7  }
0x10: {  	[smem:$0x3FAF] =	sst s8  }
0x11: {  	[smem:$0x3FB0] =	sst s9;
	s0 =	simm.s32 @!p0 $0x0  }
0x12: {  	s1 =	sld [smem:$0x3F96];
	s0 =	simm.s32 @p0 $0x1  }
0x13: {  	[smem:$0x3FB1] =	sst s0;
	s0 =	simm.s32 @!p1 $0x0  }
0x14: {  	s2 =	sld [smem:$0x3F95];
	s0 =	simm.s32 @p1 $0x1  }
0x15: {  	[smem:$0x3FB2] =	sst s0;
	s0 =	simm.s32 @!p2 $0x0  }
0x16: {  	s3 =	sld [smem:$0x3FDB];
	s0 =	simm.s32 @p2 $0x1  }
0x17: {  	s4 =	simm.s32 $0x1BF5;
	[smem:$0x3FB4] =	sst s0  }
0x18: {  	s0 =	sld [smem:$0x3F97];
	_ =	swait.ge [sflag:s4], $0x0  }
0x19: {  	s7 =	sld [smem:$0x3F98]  }
0x1a: {  	s8 =	sadd.s32 $0xFFFFE003, lr  }
0x1b: {  	s9 =	sadd.s32 $0xFFFFFEF7, lr;
	s5 =	simm.s32 $0xFFFFFFFF;
	p2 =	slt.u32 s8, $0xFFFFF086  }
0x1c: {  	p1 =	slt.u32 s9, $0xF7A;
	s5 =	simm.s32 @!p2 $0x0  }
0x1d: {  	s5 =	simm.s32 @p1 $0x1;
	p0 =	seq.s32 s7, s2  }
0x1e: {  	s7 =	smul.u32 @!p0 $0xF7A, s2;
	p2 =	seq.s32 @!p0 s5, $0x0  }
0x1f: {  	s9 =	smul.u32 $0xF7A, s1;
	s8 =	simm.s32 @!p0 $0x1BF5;
	p2 =	por !p2, p0  }
0x20: {  	[sflag:s8] =	ssyncset.s32 @!p0 $0xFFFFF086;
	s6 =	sadd.s32 @!p0 s3, s7;
	s7 =	simm.s32 @!p0 $0x108  }
0x21: {  	s3 =	sadd.s32 s3, s9;
	s6 =	sadd.s32 @!p0 $0x88, s6;
	s7 =	simm.s32 @p2 $0x1082  }
0x22: {  	[simem:s7], [sflag:s8] =	dma.local @!p0 [hbm:s6], $0xF7A  }
0x23: {  	s9 =	sor.u32 $0xD0000000, s2;
	s6 =	simm.s32 $0x108;
	_ =	swait.ge @!p0 [sflag:s8], $0x0  }
0x24: {  	s3 =	sadd.s32 $0x88, s3;
	s6 =	simm.s32 @!p1 $0x1082;
	[sflag:s4] =	ssyncset.s32 $0xFFFFF086  }
0x25: {  	[simem:s6], [sflag:s4] =	dma.local [hbm:s3], $0xF7A  }
0x26: {  	[smem:$0x3F98] =	sst s1;
	(tag) =	ssettag s2;
	_ =	strace s9  }
0x27: {  	s1 =	sld [smem:$0x3FA8]  }
0x28: {  	s2 =	sld [smem:$0x3FA9]  }
0x29: {  	s4 =	sld [smem:$0x3FAB]  }
0x2a: {  	p0 =	seq.s32 s5, $0x0;
	s5 =	sld [smem:$0x3FAC]  }
0x2b: {  	s6 =	sld [smem:$0x3FAD]  }
0x2c: {  	s7 =	sld [smem:$0x3FAE]  }
0x2d: {  	s3 =	simm.s32 $0x108;
	s8 =	sld [smem:$0x3FAF]  }
0x2e: {  	s3 =	simm.s32 @!p0 $0x1082;
	s9 =	sld [smem:$0x3FB0]  }
0x2f: {  	lr =	sadd.s32 s0, s3;
	s0 =	sld [smem:$0x3FA7]  }
0x30: {  	s3 =	sld [smem:$0x3FAA]  }
0x31: {  	[smem:$0x3FB3] =	sst s10  }
0x32: {  	s10 =	sld [smem:$0x3FB1];
	_ =	sdelay $0x3  }
0x33: {  	p0 =	seq.s32 s10, $0x1;
	s10 =	sld [smem:$0x3FB3];
	_ =	sdelay $0x3  }
0x34: {  	[smem:$0x3FB3] =	sst s10  }
0x35: {  	s10 =	sld [smem:$0x3FB2];
	_ =	sdelay $0x3  }
0x36: {  	p1 =	seq.s32 s10, $0x1;
	s10 =	sld [smem:$0x3FB3];
	_ =	sdelay $0x3  }
0x37: {  	[smem:$0x3FB3] =	sst s10  }
0x38: {  	s10 =	sld [smem:$0x3FB4]  }
0x39: {  	_ = 	snop;
	(pc) =	sbr.ind lr, $3  }
0x3a: {  	_ = 	snop  }
0x3b: {  	_ = 	snop  }
0x3c: {  	p2 =	seq.s32 s10, $0x1;
	s10 =	sld [smem:$0x3FB3]  }
0x3d: {  	_ =	shalt  }
0x3e: {  	_ =	shalt  }
0x3f: {  	_ =	shalt  }
0x40: {  	_ =	shalt  }
0x41: {  	_ =	shalt  }
0x42: {  	_ =	shalt  }
0x43: {  	_ =	shalt  }
0x44: {  	_ =	shalt  }
0x45: {  	_ =	shalt  }
0x46: {  	_ =	shalt  }
0x47: {  	_ =	shalt  }
0x48: {  	_ =	shalt  }
0x49: {  	_ =	shalt  }
0x4a: {  	_ =	shalt  }
0x4b: {  	_ =	shalt  }
0x4c: {  	_ =	shalt  }
0x4d: {  	_ =	shalt  }
0x4e: {  	_ =	shalt  }
0x4f: {  	_ =	shalt  }
0x50: {  	_ =	shalt  }
0x51: {  	_ =	shalt  }
0x52: {  	_ =	shalt  }
0x53: {  	_ =	shalt  }
0x54: {  	_ =	shalt  }
0x55: {  	_ =	shalt  }
0x56: {  	_ =	shalt  }
0x57: {  	_ =	shalt  }
0x58: {  	_ =	shalt  }
0x59: {  	_ =	shalt  }
0x5a: {  	_ =	shalt  }
0x5b: {  	_ =	shalt  }
0x5c: {  	_ =	shalt  }
0x5d: {  	_ =	shalt  }
0x5e: {  	_ =	shalt  }
0x5f: {  	_ =	shalt  }
0x60: {  	_ =	shalt  }
0x61: {  	_ =	shalt  }
0x62: {  	_ =	shalt  }
0x63: {  	_ =	shalt  }
0x64: {  	_ =	shalt  }
0x65: {  	_ =	shalt  }
0x66: {  	_ =	shalt  }
0x67: {  	_ =	shalt  }
0x68: {  	_ =	shalt  }
0x69: {  	_ =	shalt  }
0x6a: {  	_ =	shalt  }
0x6b: {  	_ =	shalt  }
0x6c: {  	_ =	shalt  }
0x6d: {  	_ =	shalt  }
0x6e: {  	_ =	shalt  }
0x6f: {  	_ =	shalt  }
0x70: {  	_ =	shalt  }
0x71: {  	_ =	shalt  }
0x72: {  	_ =	shalt  }
0x73: {  	_ =	shalt  }
0x74: {  	_ =	shalt  }
0x75: {  	_ =	shalt  }
0x76: {  	_ =	shalt  }
0x77: {  	_ =	shalt  }
0x78: {  	_ =	shalt  }
0x79: {  	_ =	shalt  }
0x7a: {  	_ =	shalt  }
0x7b: {  	_ =	shalt  }
0x7c: {  	_ =	shalt  }
0x7d: {  	_ =	shalt  }
0x7e: {  	_ =	shalt  }
0x7f: {  	_ =	shalt  }
0x80: {  	_ =	shalt  }
0x81: {  	_ =	shalt  }
0x82: {  	_ =	shalt  }
0x83: {  	_ =	shalt  }
0x84: {  	_ =	shalt  }
0x85: {  	_ =	shalt  }
0x86: {  	_ =	shalt  }
0x87: {  	_ =	shalt  }
.Lfunc_end0:
.L_simem_size_0:
called_computation.1_lowered:
.L_overlay_start_0:
0x88: {  	s2 =	sld [smem:$0x3FD9]  }
0x89: {  	s3 =	sld [smem:$0x3FFE];
	_ =	sdelay $0x1  }
0x8a: {  	s1 =	srdreg.scid  }
0x8b: {  	s0 =	sand.u32 $0x1, s1  }
0x8c: {  	s16 =	sshll.u32 s0, $0xA;
	s2 =	sadd.s32 s3, s2  }
0x8d: {  	s2 =	sadd.s32 s2, s16  }
0x8e: {  	[smem:$0x3FBF] =	sst s2  }
0x8f: {  	_ = 	snop  }
0x90: {  	(tm) =	ssettm $0x1  }
0x91: {  	s17 =	sld [smem:$0x3FFB];
	_ =	sdelay $0x3  }
0x92: {  	_ =	strace s17  }
0x93: {  	s2 =	sld [smem:$0x3FFC];
	_ =	sdelay $0x3  }
0x94: {  	_ =	strace s2  }
0x95: {  	s2 =	sld [smem:$0x3FFD];
	_ =	sdelay $0x3  }
0x96: {  	_ =	strace s2  }
0x97: {  	_ =	strace $0x8FFFFFFF  }
0x98: {  	s18 =	sld [smem:$0x3FDB];
	_ =	sdelay $0x1  }
0x99: {  	s19 =	simm.s32 $_scs_section_size  }
0x9a: {  	s4 =	simm.s32 $_size__tile_overlayer_lowered;
	s5 =	simm.s32 $_tile_overlayer_lowered  }
0x9b: {  	s22 =	simm.s32 $0x1BFF;
	s21 =	sshll.u32 s5, $0x1;
	s2 =	sadd.s32 s19, s18  }
0x9c: {  	s6 =	simm.s32 $0x0;
	s20 =	sshll.u32 s4, $0x1;
	s4 =	sadd.s32 s21, s2  }
0x9d: {  	[timem:s6], [sflag:s22] =	dma.local [hbm:s4], s20  }
0x9e: {  	_ =	swait.ge [sflag:s22], s20  }
0x9f: {  	s3 =	ssub.s32 $0x0, s20;
	[sflag:s22] =	ssyncset.done $0x0  }
0xa0: {  	[sflag:s22] =	ssyncadd.s32 s3;
	_ =	sdelay $0x1  }
0xa1: {  	s23 =	simm.s32 $0x1B8B  }
0xa2: {  	_ =	swait.ge [sflag:s23], $0x1  }
0xa3: {  	[sflag:s23] =	ssyncset.done $0x0  }
0xa4: {  	s25 =	simm.s32 $0x1B8E;
	s24 =	sld [smem:$0x3FFE];
	[sflag:s23] =	ssyncadd.s32 $0xFFFFFFFF  }
0xa5: {  	s26 =	simm.s32 $execute0_lowered;
	[smem:$0x3FD2] =	sst s25  }
0xa6: {  	s4 =	sshll.u32 s26, $0x1;
	_ =	strace $0x80000049;
	[dreg:$0x1] =	wrdreg $0xFFFFFFFF  }
0xa7: {  	s28 =	simm.s32 $_size_execute0_lowered;
	s2 =	sadd.s32 s2, s4;
	[dreg:$0x0] =	wrdreg $0x0  }
0xa8: {  	s4 =	sshll.u32 s28, $0x1;
	[dreg:$0x2] =	wrdreg s2  }
0xa9: {  	[dreg:$0x3] =	wrdreg s4  }
0xaa: {  	[dreg:$0x4] =	wrdreg $0xC0  }
0xab: {  	_ =	task [dreg:s6], $0x5FFFF  }
0xac: {  	[dreg:$0x1] =	wrdreg $0xFFFFFFFF  }
0xad: {  	[dreg:$0x0] =	wrdreg $0x60  }
0xae: {  	[dreg:$0x2] =	wrdreg s24  }
0xaf: {  	[dreg:$0x3] =	wrdreg $0x3C000  }
0xb0: {  	[dreg:$0x4] =	wrdreg $0x3E800  }
0xb1: {  	[dreg:$0x5] =	wrdreg $0x9  }
0xb2: {  	_ =	task.clear_ibuf [dreg:s6], $0x6FFFF;
	_ =	strace $0x90000049  }
0xb3: {  	s29 =	simm.s32 $0x9;
	_ =	strace $0x8000004B  }
0xb4: {  	_ =	swait.ge [sflag:s29], $0x1  }
0xb5: {  	[sflag:s29] =	ssyncadd.s32 $0xFFFFFFFF  }
0xb6: {  	_ =	strace $0x9000004B  }
0xb7: {  	_ =	sfence  }
0xb8: {  	s30 =	sld [smem:$0x0];
	_ =	sdelay $0x2  }
0xb9: {  	s31 =	sshll.u32 s1, $0xD;
	s1 =	sshrl.u32 s1, $0x2  }
0xba: {  	s3 =	sand.u32 $0x4000, s31;
	s1 =	sadd.s32 s1, s30  }
0xbb: {  	s0 =	sor.u32 s3, s0;
	s1 =	sshll.u32 s1, $0x11  }
0xbc: {  	s0 =	sor.u32 s1, s0  }
0xbd: {  	s0 =	sadd.s32 $0x8F2B, s0  }
0xbe: {  	[sflag:s0] =	ssyncadd.remote.s32 $0x1  }
0xbf: {  	_ =	sfence.sel $0xFFFF  }
0xc0: {  	[dreg:$0x0] =	wrdreg $0xFFFFFFFF;
	(pc) =	sbr.abs _section_cstart, $3  }
0xc1: {  	[dreg:$0x1] =	wrdreg $0xFFFFFFFF  }
0xc2: {  	_ =	task.clear_ibuf [dreg:s6], $0x2FFFF;
	_ =	strace $0x9FFFFFFF  }
0xc3: {  	(tm) =	ssettm $0x7FFFFFFF  }
tec
execute0_lowered:
.L_overlay_start_1:
0x0: {  	(tag) =	ssettag $0x1  }
0x1: {  	s6 =	rddreg [dreg:$0x0]  }
0x2: {  	s1 =	srdreg.scid;
	s2 =	rddreg [dreg:$0x1]  }
0x3: {  	s0 =	stileid.u32;
	s3 =	rddreg [dreg:$0x2];
	s4 =	simm.s32 $0x0  }
0x4: {  	s14 =	simm.s32 $0x1400;
	s15 =	simm.s32 $0x2800;
	s16 =	simm.s32 $0x1  }
0x5: {  	s17 =	simm.s32 $0x80;
	s19 =	simm.s32 $0x20;
	s20 =	simm.s32 $0x10  }
0x6: {  	s21 =	simm.s32 $0x2;
	s23 =	simm.s32 $0x0;
	s5 =	sand.u32 $0x1, s1  }
0x7: {  	s28 =	sshll.u32 s0, $0x1;
	[smem:$0x7FF] =	sst s4;
	s9 =	smul.u32 $0x500, s0  }
0x8: {  	s13 =	smul.u32 $0x280, s0;
	p0 =	sne.s32 s0, $0x0;
	s1 =	sor.u32 s5, s28  }
0x9: {  	s8 =	smul.u32 $0x5000, s5;
	s30 =	ssub.s32 $0x2, s5;
	s5 =	sadd.s32 $0x7A00, s6  }
0xa: {  	s7 =	smul.u32 $0x280, s1;
	s1 =	rddreg [dreg:$0x3];
	_ =	strace $0x8000004A  }
0xb: {  	s31 =	sshrl.u32 s30, $0x1;
	s18 =	sadd.s32 s13, s2;
	s22 =	sadd.s32 s13, s3  }
0xc: {  	s13 =	sshrl.u32 @!p0 s3, $0x3;
	s29 =	sadd.s32 s9, s8;
	s12 =	ssub.s32 s30, s31  }
0xd: {  	s18 =	sshrl.u32 s18, $0x3;
	s10 =	sadd.s32 s7, s6;
	s7 =	sshrl.u32 s29, $0x3  }
0xe: {  	s22 =	sshrl.u32 s22, $0x3;
	s11 =	sadd.s32 s7, s6;
	s6 =	sadd.s32 $0x2A00, s10  }
0xf: {  	s7 =	sadd.s32 $0x11800, s10;
	s8 =	sadd.s32 $0xC800, s10;
	s9 =	sadd.s32 $0x8000, s11  }
0x10: {  	s10 =	sadd.s32 $0x8010, s11;
	s11 =	smax.u32 s12, $0x1;
	s12 =	sshrl.u32 @!p0 s2, $0x3  }
.LBB2_1:
0x11: {  	s24 =	simm.s32 @!p0 $0x1C02;
	s25 =	simm.s32 @!p0 $0x2  }
0x12: {  	[spmem:s12], [sflag:s24] =	dma.local @!p0 [hbm:s5], $0x500  }
0x13: {  	_ =	swait.ge @!p0 [sflag:s25], $0x500  }
0x14: {  	[sflag:s25] =	ssyncset.done @!p0 $0x0  }
0x15: {  	[sflag:s25] =	ssyncadd.s32 @!p0 $0xFFFFFB00  }
0x16: {  	[spmem:s13], [sflag:s24] =	dma.local @!p0 [hbm:s5], $0x500  }
0x17: {  	_ =	swait.ge @!p0 [sflag:s25], $0x500  }
0x18: {  	[sflag:s25] =	ssyncset.done @!p0 $0x0  }
0x19: {  	[sflag:s25] =	ssyncadd.s32 @!p0 $0xFFFFFB00  }
0x1a: {  	[bflag:$0x0] =	sbarrier.arrive $0xFFFF  }
0x1b: {  	[tilespmem:s4], [sflag:$0x1] =	stream.linear.gather [hbm4b:s6+s4], $0x1400, $0x38;
	[tilespmem:$0x4100] =	vst v63  }
0x1c: {  	_ = 	snop  }
0x1d: {  	[tilespmem:s14], [sflag:$0x1] =	stream.linear.gather [hbm4b:s7+s4], $0x1400, $0x38;
	[tilespmem:$0x4100] =	vst v63  }
0x1e: {  	_ = 	snop  }
0x1f: {  	[tilespmem:s15], [sflag:$0x1] =	stream.linear.gather [hbm4b:s8+s4], $0x1400, $0x38;
	[tilespmem:$0x4100] =	vst v63  }
0x20: {  	_ =	swait.ge [sflag:s16], $0x1400  }
0x21: {  	[sflag:s16] =	ssyncset.done $0x0  }
0x22: {  	[sflag:s16] =	ssyncadd.s32 $0xFFFFEC00  }
0x23: {  	_ =	swait.ge [sflag:s16], $0x1400  }
0x24: {  	[sflag:s16] =	ssyncset.done $0x0  }
0x25: {  	[sflag:s16] =	ssyncadd.s32 $0xFFFFEC00  }
0x26: {  	_ =	swait.ge [sflag:s16], $0x1400  }
0x27: {  	[sflag:s16] =	ssyncset.done $0x0  }
0x28: {  	s30 =	simm.s32 $0x0;
	s31 =	simm.s32 $0x2800;
	[sflag:s16] =	ssyncadd.s32 $0xFFFFEC00  }
0x29: {  	[spmem:s2] =	stream.indirect.scatter.add.f32 [tilespmem:s30], [sflag:$0x1], $0x1, s31, s17, $0xb8;
	[tilespmem:$0x4100] =	vst v63  }
0x2a: {  	s26 =	simm.s32 $0x1400  }
0x2b: {  	[spmem:s3] =	stream.indirect.scatter.add.f32 [tilespmem:s26], [sflag:$0x1], $0x1, s31, s17, $0xb8;
	[tilespmem:$0x4100] =	vst v63  }
0x2c: {  	s29 =	simm.s32 $0x80;
	s30 =	simm.s32 $0x2880  }
0x2d: {  	[spmem:s2] =	stream.indirect.scatter.add.f32 [tilespmem:s29], [sflag:$0x1], $0x1, s30, s17, $0xb8;
	[tilespmem:$0x4100] =	vst v63  }
0x2e: {  	s31 =	simm.s32 $0x1480  }
0x2f: {  	[spmem:s3] =	stream.indirect.scatter.add.f32 [tilespmem:s31], [sflag:$0x1], $0x1, s30, s17, $0xb8;
	[tilespmem:$0x4100] =	vst v63  }
0x30: {  	s25 =	simm.s32 $0x100;
	s26 =	simm.s32 $0x2900  }
0x31: {  	[spmem:s2] =	stream.indirect.scatter.add.f32 [tilespmem:s25], [sflag:$0x1], $0x1, s26, s17, $0xb8;
	[tilespmem:$0x4100] =	vst v63  }
0x32: {  	s29 =	simm.s32 $0x1500  }
0x33: {  	[spmem:s3] =	stream.indirect.scatter.add.f32 [tilespmem:s29], [sflag:$0x1], $0x1, s26, s17, $0xb8;
	[tilespmem:$0x4100] =	vst v63  }
0x34: {  	s30 =	simm.s32 $0x180;
	s31 =	simm.s32 $0x2980  }
0x35: {  	[spmem:s2] =	stream.indirect.scatter.add.f32 [tilespmem:s30], [sflag:$0x1], $0x1, s31, s17, $0xb8;
	[tilespmem:$0x4100] =	vst v63  }
0x36: {  	s26 =	simm.s32 $0x1580  }
0x37: {  	[spmem:s3] =	stream.indirect.scatter.add.f32 [tilespmem:s26], [sflag:$0x1], $0x1, s31, s17, $0xb8;
	[tilespmem:$0x4100] =	vst v63  }
0x38: {  	s29 =	simm.s32 $0x200;
	s30 =	simm.s32 $0x2A00  }
0x39: {  	[spmem:s2] =	stream.indirect.scatter.add.f32 [tilespmem:s29], [sflag:$0x1], $0x1, s30, s17, $0xb8;
	[tilespmem:$0x4100] =	vst v63  }
0x3a: {  	s31 =	simm.s32 $0x1600  }
0x3b: {  	[spmem:s3] =	stream.indirect.scatter.add.f32 [tilespmem:s31], [sflag:$0x1], $0x1, s30, s17, $0xb8;
	[tilespmem:$0x4100] =	vst v63  }
0x3c: {  	s25 =	simm.s32 $0x280;
	s26 =	simm.s32 $0x2A80  }
0x3d: {  	[spmem:s2] =	stream.indirect.scatter.add.f32 [tilespmem:s25], [sflag:$0x1], $0x1, s26, s17, $0xb8;
	[tilespmem:$0x4100] =	vst v63  }
0x3e: {  	s29 =	simm.s32 $0x1680  }
0x3f: {  	[spmem:s3] =	stream.indirect.scatter.add.f32 [tilespmem:s29], [sflag:$0x1], $0x1, s26, s17, $0xb8;
	[tilespmem:$0x4100] =	vst v63  }
0x40: {  	s30 =	simm.s32 $0x300;
	s31 =	simm.s32 $0x2B00  }
0x41: {  	[spmem:s2] =	stream.indirect.scatter.add.f32 [tilespmem:s30], [sflag:$0x1], $0x1, s31, s17, $0xb8;
	[tilespmem:$0x4100] =	vst v63  }
0x42: {  	s26 =	simm.s32 $0x1700  }
0x43: {  	[spmem:s3] =	stream.indirect.scatter.add.f32 [tilespmem:s26], [sflag:$0x1], $0x1, s31, s17, $0xb8;
	[tilespmem:$0x4100] =	vst v63  }
0x44: {  	s29 =	simm.s32 $0x380;
	s30 =	simm.s32 $0x2B80  }
0x45: {  	[spmem:s2] =	stream.indirect.scatter.add.f32 [tilespmem:s29], [sflag:$0x1], $0x1, s30, s17, $0xb8;
	[tilespmem:$0x4100] =	vst v63  }
0x46: {  	s31 =	simm.s32 $0x1780  }
0x47: {  	[spmem:s3] =	stream.indirect.scatter.add.f32 [tilespmem:s31], [sflag:$0x1], $0x1, s30, s17, $0xb8;
	[tilespmem:$0x4100] =	vst v63  }
0x48: {  	_ =	swait.ge [sflag:s16], $0x80  }
0x49: {  	[sflag:s16] =	ssyncset.done $0x0  }
0x4a: {  	[sflag:s16] =	ssyncadd.s32 $0xFFFFFF80  }
0x4b: {  	_ =	swait.ge [sflag:s16], $0x80  }
0x4c: {  	[sflag:s16] =	ssyncset.done $0x0  }
0x4d: {  	[sflag:s16] =	ssyncadd.s32 $0xFFFFFF80  }
0x4e: {  	_ =	swait.ge [sflag:s16], $0x80  }
0x4f: {  	[sflag:s16] =	ssyncset.done $0x0  }
0x50: {  	[sflag:s16] =	ssyncadd.s32 $0xFFFFFF80  }
0x51: {  	_ =	swait.ge [sflag:s16], $0x80  }
0x52: {  	[sflag:s16] =	ssyncset.done $0x0  }
0x53: {  	[sflag:s16] =	ssyncadd.s32 $0xFFFFFF80  }
0x54: {  	_ =	swait.ge [sflag:s16], $0x80  }
0x55: {  	[sflag:s16] =	ssyncset.done $0x0  }
0x56: {  	[sflag:s16] =	ssyncadd.s32 $0xFFFFFF80  }
0x57: {  	_ =	swait.ge [sflag:s16], $0x80  }
0x58: {  	[sflag:s16] =	ssyncset.done $0x0  }
0x59: {  	[sflag:s16] =	ssyncadd.s32 $0xFFFFFF80  }
0x5a: {  	_ =	swait.ge [sflag:s16], $0x80  }
0x5b: {  	[sflag:s16] =	ssyncset.done $0x0  }
0x5c: {  	[sflag:s16] =	ssyncadd.s32 $0xFFFFFF80  }
0x5d: {  	_ =	swait.ge [sflag:s16], $0x80  }
0x5e: {  	[sflag:s16] =	ssyncset.done $0x0  }
0x5f: {  	[sflag:s16] =	ssyncadd.s32 $0xFFFFFF80  }
0x60: {  	_ =	swait.ge [sflag:s16], $0x80  }
0x61: {  	[sflag:s16] =	ssyncset.done $0x0  }
0x62: {  	[sflag:s16] =	ssyncadd.s32 $0xFFFFFF80  }
0x63: {  	_ =	swait.ge [sflag:s16], $0x80  }
0x64: {  	[sflag:s16] =	ssyncset.done $0x0  }
0x65: {  	[sflag:s16] =	ssyncadd.s32 $0xFFFFFF80  }
0x66: {  	_ =	swait.ge [sflag:s16], $0x80  }
0x67: {  	[sflag:s16] =	ssyncset.done $0x0  }
0x68: {  	[sflag:s16] =	ssyncadd.s32 $0xFFFFFF80  }
0x69: {  	_ =	swait.ge [sflag:s16], $0x80  }
0x6a: {  	[sflag:s16] =	ssyncset.done $0x0  }
0x6b: {  	[sflag:s16] =	ssyncadd.s32 $0xFFFFFF80  }
0x6c: {  	_ =	swait.ge [sflag:s16], $0x80  }
0x6d: {  	[sflag:s16] =	ssyncset.done $0x0  }
0x6e: {  	[sflag:s16] =	ssyncadd.s32 $0xFFFFFF80  }
0x6f: {  	_ =	swait.ge [sflag:s16], $0x80  }
0x70: {  	[sflag:s16] =	ssyncset.done $0x0  }
0x71: {  	[sflag:s16] =	ssyncadd.s32 $0xFFFFFF80  }
0x72: {  	_ =	swait.ge [sflag:s16], $0x80  }
0x73: {  	[sflag:s16] =	ssyncset.done $0x0  }
0x74: {  	[sflag:s16] =	ssyncadd.s32 $0xFFFFFF80  }
0x75: {  	_ =	swait.ge [sflag:s16], $0x80  }
0x76: {  	s28 =	simm.s32 $0x2000;
	s26 =	simm.s32 $0x400;
	[sflag:s16] =	ssyncset.done $0x0  }
.LBB2_2:
0x77: {  	s29 =	sadd.s32 $0x2800, s26  }
0x78: {  	[sflag:s16] =	ssyncadd.s32 $0xFFFFFF80;
	s25 =	smov.u32 s28;
	s24 =	sadd.s32 $0x1000, s28  }
0x79: {  	[spmem:s2] =	stream.indirect.scatter.add.f32 [tilespmem:s26], [sflag:$0x1], $0x1, s29, s17, $0xb8;
	[tilespmem:$0x4100] =	vst v63  }
0x7a: {  	p1 =	sne.s32 s28, $0x4000;
	s28 =	sadd.s32 $0x1400, s26  }
0x7b: {  	[spmem:s3] =	stream.indirect.scatter.add.f32 [tilespmem:s28], [sflag:$0x1], $0x1, s29, s17, $0xb8;
	[tilespmem:$0x4100] =	vst v63  }
0x7c: {  	s28 =	sadd.s32 $0x80, s26;
	s29 =	sadd.s32 $0x2880, s26  }
0x7d: {  	[spmem:s2] =	stream.indirect.scatter.add.f32 [tilespmem:s28], [sflag:$0x1], $0x1, s29, s17, $0xb8;
	[tilespmem:$0x4100] =	vst v63  }
0x7e: {  	s28 =	sadd.s32 $0x1480, s26  }
0x7f: {  	[spmem:s3] =	stream.indirect.scatter.add.f32 [tilespmem:s28], [sflag:$0x1], $0x1, s29, s17, $0xb8;
	[tilespmem:$0x4100] =	vst v63  }
0x80: {  	s28 =	sadd.s32 $0x100, s26;
	s29 =	sadd.s32 $0x2900, s26  }
0x81: {  	[spmem:s2] =	stream.indirect.scatter.add.f32 [tilespmem:s28], [sflag:$0x1], $0x1, s29, s17, $0xb8;
	[tilespmem:$0x4100] =	vst v63  }
0x82: {  	s28 =	sadd.s32 $0x1500, s26  }
0x83: {  	[spmem:s3] =	stream.indirect.scatter.add.f32 [tilespmem:s28], [sflag:$0x1], $0x1, s29, s17, $0xb8;
	[tilespmem:$0x4100] =	vst v63  }
0x84: {  	s28 =	sadd.s32 $0x180, s26;
	s29 =	sadd.s32 $0x2980, s26  }
0x85: {  	[spmem:s2] =	stream.indirect.scatter.add.f32 [tilespmem:s28], [sflag:$0x1], $0x1, s29, s17, $0xb8;
	[tilespmem:$0x4100] =	vst v63  }
0x86: {  	s28 =	sadd.s32 $0x1580, s26  }
0x87: {  	[spmem:s3] =	stream.indirect.scatter.add.f32 [tilespmem:s28], [sflag:$0x1], $0x1, s29, s17, $0xb8;
	[tilespmem:$0x4100] =	vst v63  }
0x88: {  	s28 =	sadd.s32 $0x200, s26;
	s29 =	sadd.s32 $0x2A00, s26  }
0x89: {  	[spmem:s2] =	stream.indirect.scatter.add.f32 [tilespmem:s28], [sflag:$0x1], $0x1, s29, s17, $0xb8;
	[tilespmem:$0x4100] =	vst v63  }
0x8a: {  	s28 =	sadd.s32 $0x1600, s26  }
0x8b: {  	[spmem:s3] =	stream.indirect.scatter.add.f32 [tilespmem:s28], [sflag:$0x1], $0x1, s29, s17, $0xb8;
	[tilespmem:$0x4100] =	vst v63  }
0x8c: {  	s28 =	sadd.s32 $0x280, s26;
	s29 =	sadd.s32 $0x2A80, s26  }
0x8d: {  	[spmem:s2] =	stream.indirect.scatter.add.f32 [tilespmem:s28], [sflag:$0x1], $0x1, s29, s17, $0xb8;
	[tilespmem:$0x4100] =	vst v63  }
0x8e: {  	s28 =	sadd.s32 $0x1680, s26  }
0x8f: {  	[spmem:s3] =	stream.indirect.scatter.add.f32 [tilespmem:s28], [sflag:$0x1], $0x1, s29, s17, $0xb8;
	[tilespmem:$0x4100] =	vst v63  }
0x90: {  	s28 =	sadd.s32 $0x300, s26;
	s29 =	sadd.s32 $0x2B00, s26  }
0x91: {  	[spmem:s2] =	stream.indirect.scatter.add.f32 [tilespmem:s28], [sflag:$0x1], $0x1, s29, s17, $0xb8;
	[tilespmem:$0x4100] =	vst v63  }
0x92: {  	s28 =	sadd.s32 $0x1700, s26  }
0x93: {  	[spmem:s3] =	stream.indirect.scatter.add.f32 [tilespmem:s28], [sflag:$0x1], $0x1, s29, s17, $0xb8;
	[tilespmem:$0x4100] =	vst v63  }
0x94: {  	s28 =	sadd.s32 $0x380, s26;
	s29 =	sadd.s32 $0x2B80, s26  }
0x95: {  	[spmem:s2] =	stream.indirect.scatter.add.f32 [tilespmem:s28], [sflag:$0x1], $0x1, s29, s17, $0xb8;
	[tilespmem:$0x4100] =	vst v63  }
0x96: {  	s26 =	sadd.s32 $0x1780, s26  }
0x97: {  	[spmem:s3] =	stream.indirect.scatter.add.f32 [tilespmem:s26], [sflag:$0x1], $0x1, s29, s17, $0xb8;
	[tilespmem:$0x4100] =	vst v63  }
0x98: {  	_ =	swait.ge [sflag:s16], $0x80  }
0x99: {  	[sflag:s16] =	ssyncset.done $0x0  }
0x9a: {  	[sflag:s16] =	ssyncadd.s32 $0xFFFFFF80  }
0x9b: {  	_ =	swait.ge [sflag:s16], $0x80  }
0x9c: {  	[sflag:s16] =	ssyncset.done $0x0  }
0x9d: {  	[sflag:s16] =	ssyncadd.s32 $0xFFFFFF80  }
0x9e: {  	_ =	swait.ge [sflag:s16], $0x80  }
0x9f: {  	[sflag:s16] =	ssyncset.done $0x0  }
0xa0: {  	[sflag:s16] =	ssyncadd.s32 $0xFFFFFF80  }
0xa1: {  	_ =	swait.ge [sflag:s16], $0x80  }
0xa2: {  	[sflag:s16] =	ssyncset.done $0x0  }
0xa3: {  	[sflag:s16] =	ssyncadd.s32 $0xFFFFFF80  }
0xa4: {  	_ =	swait.ge [sflag:s16], $0x80  }
0xa5: {  	[sflag:s16] =	ssyncset.done $0x0  }
0xa6: {  	[sflag:s16] =	ssyncadd.s32 $0xFFFFFF80  }
0xa7: {  	_ =	swait.ge [sflag:s16], $0x80  }
0xa8: {  	[sflag:s16] =	ssyncset.done $0x0  }
0xa9: {  	[sflag:s16] =	ssyncadd.s32 $0xFFFFFF80  }
0xaa: {  	_ =	swait.ge [sflag:s16], $0x80  }
0xab: {  	[sflag:s16] =	ssyncset.done $0x0  }
0xac: {  	[sflag:s16] =	ssyncadd.s32 $0xFFFFFF80  }
0xad: {  	_ =	swait.ge [sflag:s16], $0x80  }
0xae: {  	[sflag:s16] =	ssyncset.done $0x0  }
0xaf: {  	[sflag:s16] =	ssyncadd.s32 $0xFFFFFF80  }
0xb0: {  	_ =	swait.ge [sflag:s16], $0x80  }
0xb1: {  	[sflag:s16] =	ssyncset.done $0x0  }
0xb2: {  	[sflag:s16] =	ssyncadd.s32 $0xFFFFFF80  }
0xb3: {  	_ =	swait.ge [sflag:s16], $0x80  }
0xb4: {  	[sflag:s16] =	ssyncset.done $0x0  }
0xb5: {  	[sflag:s16] =	ssyncadd.s32 $0xFFFFFF80  }
0xb6: {  	_ =	swait.ge [sflag:s16], $0x80  }
0xb7: {  	[sflag:s16] =	ssyncset.done $0x0  }
0xb8: {  	[sflag:s16] =	ssyncadd.s32 $0xFFFFFF80  }
0xb9: {  	_ =	swait.ge [sflag:s16], $0x80  }
0xba: {  	[sflag:s16] =	ssyncset.done $0x0  }
0xbb: {  	[sflag:s16] =	ssyncadd.s32 $0xFFFFFF80  }
0xbc: {  	_ =	swait.ge [sflag:s16], $0x80  }
0xbd: {  	[sflag:s16] =	ssyncset.done $0x0  }
0xbe: {  	[sflag:s16] =	ssyncadd.s32 $0xFFFFFF80  }
0xbf: {  	_ =	swait.ge [sflag:s16], $0x80  }
0xc0: {  	[sflag:s16] =	ssyncset.done $0x0  }
0xc1: {  	[sflag:s16] =	ssyncadd.s32 $0xFFFFFF80  }
.Ltmp0:
0xc2: {  	_ =	swait.ge [sflag:s16], $0x80;
	(pc) =	sbr.rel @p1 .LBB2_2-.Ltmp0, $4  }
0xc3: {  	[sflag:s16] =	ssyncset.done $0x0  }
0xc4: {  	[sflag:s16] =	ssyncadd.s32 $0xFFFFFF80  }
0xc5: {  	_ =	swait.ge [sflag:s16], $0x80  }
0xc6: {  	s28 =	smov.u32 s24;
	s26 =	sshra.s32 s25, $0x2;
	[sflag:s16] =	ssyncset.done $0x0  }
0xc7: {  	s24 =	sadd.s32 $0x2800, s26;
	[sflag:s16] =	ssyncadd.s32 $0xFFFFFF80  }
0xc8: {  	[spmem:s2] =	stream.indirect.scatter.add.f32 [tilespmem:s26], [sflag:$0x1], $0x1, s24, s17, $0xb8;
	[tilespmem:$0x4100] =	vst v63  }
0xc9: {  	s25 =	sadd.s32 $0x1400, s26  }
0xca: {  	[spmem:s3] =	stream.indirect.scatter.add.f32 [tilespmem:s25], [sflag:$0x1], $0x1, s24, s17, $0xb8;
	[tilespmem:$0x4100] =	vst v63  }
0xcb: {  	s28 =	sadd.s32 $0x2880, s26;
	s25 =	sadd.s32 $0x80, s26  }
0xcc: {  	[spmem:s2] =	stream.indirect.scatter.add.f32 [tilespmem:s25], [sflag:$0x1], $0x1, s28, s17, $0xb8;
	[tilespmem:$0x4100] =	vst v63  }
0xcd: {  	s29 =	sadd.s32 $0x1480, s26  }
0xce: {  	[spmem:s3] =	stream.indirect.scatter.add.f32 [tilespmem:s29], [sflag:$0x1], $0x1, s28, s17, $0xb8;
	[tilespmem:$0x4100] =	vst v63  }
0xcf: {  	s30 =	sadd.s32 $0x100, s26;
	s31 =	sadd.s32 $0x2900, s26  }
0xd0: {  	[spmem:s2] =	stream.indirect.scatter.add.f32 [tilespmem:s30], [sflag:$0x1], $0x1, s31, s17, $0xb8;
	[tilespmem:$0x4100] =	vst v63  }
0xd1: {  	s28 =	sadd.s32 $0x1500, s26  }
0xd2: {  	[spmem:s3] =	stream.indirect.scatter.add.f32 [tilespmem:s28], [sflag:$0x1], $0x1, s31, s17, $0xb8;
	[tilespmem:$0x4100] =	vst v63  }
0xd3: {  	s29 =	sadd.s32 $0x180, s26;
	s30 =	sadd.s32 $0x2980, s26  }
0xd4: {  	[spmem:s2] =	stream.indirect.scatter.add.f32 [tilespmem:s29], [sflag:$0x1], $0x1, s30, s17, $0xb8;
	[tilespmem:$0x4100] =	vst v63  }
0xd5: {  	s31 =	sadd.s32 $0x1580, s26  }
0xd6: {  	[spmem:s3] =	stream.indirect.scatter.add.f32 [tilespmem:s31], [sflag:$0x1], $0x1, s30, s17, $0xb8;
	[tilespmem:$0x4100] =	vst v63  }
0xd7: {  	s25 =	sadd.s32 $0x200, s26;
	s28 =	sadd.s32 $0x2A00, s26  }
0xd8: {  	[spmem:s2] =	stream.indirect.scatter.add.f32 [tilespmem:s25], [sflag:$0x1], $0x1, s28, s17, $0xb8;
	[tilespmem:$0x4100] =	vst v63  }
0xd9: {  	s29 =	sadd.s32 $0x1600, s26  }
0xda: {  	[spmem:s3] =	stream.indirect.scatter.add.f32 [tilespmem:s29], [sflag:$0x1], $0x1, s28, s17, $0xb8;
	[tilespmem:$0x4100] =	vst v63  }
0xdb: {  	s30 =	sadd.s32 $0x280, s26;
	s31 =	sadd.s32 $0x2A80, s26  }
0xdc: {  	[spmem:s2] =	stream.indirect.scatter.add.f32 [tilespmem:s30], [sflag:$0x1], $0x1, s31, s17, $0xb8;
	[tilespmem:$0x4100] =	vst v63  }
0xdd: {  	s28 =	sadd.s32 $0x1680, s26  }
0xde: {  	[spmem:s3] =	stream.indirect.scatter.add.f32 [tilespmem:s28], [sflag:$0x1], $0x1, s31, s17, $0xb8;
	[tilespmem:$0x4100] =	vst v63  }
0xdf: {  	s29 =	sadd.s32 $0x300, s26;
	s30 =	sadd.s32 $0x2B00, s26  }
0xe0: {  	[spmem:s2] =	stream.indirect.scatter.add.f32 [tilespmem:s29], [sflag:$0x1], $0x1, s30, s17, $0xb8;
	[tilespmem:$0x4100] =	vst v63  }
0xe1: {  	s31 =	sadd.s32 $0x1700, s26  }
0xe2: {  	[spmem:s3] =	stream.indirect.scatter.add.f32 [tilespmem:s31], [sflag:$0x1], $0x1, s30, s17, $0xb8;
	[tilespmem:$0x4100] =	vst v63  }
0xe3: {  	s28 =	sadd.s32 $0x380, s26;
	s29 =	sadd.s32 $0x2B80, s26  }
0xe4: {  	[spmem:s2] =	stream.indirect.scatter.add.f32 [tilespmem:s28], [sflag:$0x1], $0x1, s29, s17, $0xb8;
	[tilespmem:$0x4100] =	vst v63  }
0xe5: {  	s30 =	sadd.s32 $0x1780, s26  }
0xe6: {  	[spmem:s3] =	stream.indirect.scatter.add.f32 [tilespmem:s30], [sflag:$0x1], $0x1, s29, s17, $0xb8;
	[tilespmem:$0x4100] =	vst v63  }
0xe7: {  	_ =	swait.ge [sflag:s16], $0x80  }
0xe8: {  	[sflag:s16] =	ssyncset.done $0x0  }
0xe9: {  	[sflag:s16] =	ssyncadd.s32 $0xFFFFFF80  }
0xea: {  	_ =	swait.ge [sflag:s16], $0x80  }
0xeb: {  	[sflag:s16] =	ssyncset.done $0x0  }
0xec: {  	[sflag:s16] =	ssyncadd.s32 $0xFFFFFF80  }
0xed: {  	_ =	swait.ge [sflag:s16], $0x80  }
0xee: {  	[sflag:s16] =	ssyncset.done $0x0  }
0xef: {  	[sflag:s16] =	ssyncadd.s32 $0xFFFFFF80  }
0xf0: {  	_ =	swait.ge [sflag:s16], $0x80  }
0xf1: {  	[sflag:s16] =	ssyncset.done $0x0  }
0xf2: {  	[sflag:s16] =	ssyncadd.s32 $0xFFFFFF80  }
0xf3: {  	_ =	swait.ge [sflag:s16], $0x80  }
0xf4: {  	[sflag:s16] =	ssyncset.done $0x0  }
0xf5: {  	[sflag:s16] =	ssyncadd.s32 $0xFFFFFF80  }
0xf6: {  	_ =	swait.ge [sflag:s16], $0x80  }
0xf7: {  	[sflag:s16] =	ssyncset.done $0x0  }
0xf8: {  	[sflag:s16] =	ssyncadd.s32 $0xFFFFFF80  }
0xf9: {  	_ =	swait.ge [sflag:s16], $0x80  }
0xfa: {  	[sflag:s16] =	ssyncset.done $0x0  }
0xfb: {  	[sflag:s16] =	ssyncadd.s32 $0xFFFFFF80  }
0xfc: {  	_ =	swait.ge [sflag:s16], $0x80  }
0xfd: {  	[sflag:s16] =	ssyncset.done $0x0  }
0xfe: {  	[sflag:s16] =	ssyncadd.s32 $0xFFFFFF80  }
0xff: {  	_ =	swait.ge [sflag:s16], $0x80  }
0x100: {  	[sflag:s16] =	ssyncset.done $0x0  }
0x101: {  	[sflag:s16] =	ssyncadd.s32 $0xFFFFFF80  }
0x102: {  	_ =	swait.ge [sflag:s16], $0x80  }
0x103: {  	[sflag:s16] =	ssyncset.done $0x0  }
0x104: {  	[sflag:s16] =	ssyncadd.s32 $0xFFFFFF80  }
0x105: {  	_ =	swait.ge [sflag:s16], $0x80  }
0x106: {  	[sflag:s16] =	ssyncset.done $0x0  }
0x107: {  	[sflag:s16] =	ssyncadd.s32 $0xFFFFFF80  }
0x108: {  	_ =	swait.ge [sflag:s16], $0x80  }
0x109: {  	[sflag:s16] =	ssyncset.done $0x0  }
0x10a: {  	[sflag:s16] =	ssyncadd.s32 $0xFFFFFF80  }
0x10b: {  	_ =	swait.ge [sflag:s16], $0x80  }
0x10c: {  	[sflag:s16] =	ssyncset.done $0x0  }
0x10d: {  	[sflag:s16] =	ssyncadd.s32 $0xFFFFFF80  }
0x10e: {  	_ =	swait.ge [sflag:s16], $0x80  }
0x10f: {  	[sflag:s16] =	ssyncset.done $0x0  }
0x110: {  	[sflag:s16] =	ssyncadd.s32 $0xFFFFFF80  }
0x111: {  	_ =	swait.ge [sflag:s16], $0x80  }
0x112: {  	[sflag:s16] =	ssyncset.done $0x0  }
0x113: {  	[sflag:s16] =	ssyncadd.s32 $0xFFFFFF80  }
0x114: {  	_ =	swait.ge [sflag:s16], $0x80  }
0x115: {  	[sflag:s16] =	ssyncset.done $0x0  }
0x116: {  	s31 =	sshll.u32 s0, $0x6;
	[sflag:s16] =	ssyncadd.s32 $0xFFFFFF80  }
0x117: {  	s24 =	sor.u32 $0x1C02, s31;
	[bflag:$0x0] =	sbarrier.arrive $0xFFFF  }
0x118: {  	[hbm:s9@s19], [sflag:s24] =	dma.strided [spmem:s18@s20], $0x50, s16, $0x10   }
0x119: {  	s23 =	sadd.s32 $0x1, s23;
	_ =	swait.ge [sflag:s21], $0x50  }
0x11a: {  	p1 =	sne.s32 s23, s11;
	[sflag:s21] =	ssyncset.done $0x0  }
.Ltmp1:
0x11b: {  	[sflag:s21] =	ssyncadd.s32 $0xFFFFFFB0;
	(pc) =	sbr.rel @p1 .LBB2_1-.Ltmp1, $4  }
0x11c: {  	[hbm:s10@s19], [sflag:s24] =	dma.strided [spmem:s22@s20], $0x50, s16, $0x10   }
0x11d: {  	_ =	swait.ge [sflag:s21], $0x50  }
0x11e: {  	[sflag:s21] =	ssyncset.done $0x0  }
0x11f: {  	[sflag:s21] =	ssyncadd.s32 $0xFFFFFFB0  }
0x120: {  	_ =	sfence.sel $0x180000  }
0x121: {  	[bflag:$0x0] =	sbarrier.arrive $0xFFFF  }
0x122: {  	_ =	strace $0x9000004A  }
0x123: {  	s0 =	sadd.s32 @!p0 $0x100000, s1;
	[bflag:$0x2] =	sbarrier.arrive $0xFFFF  }
0x124: {  	[sflag:s0] =	ssyncadd.tile.s32 @!p0 $0x1;
	_ =	shalt  }
.Lfunc_end2:
_tile_overlayer_lowered:
.L_overlay_start_2:
0x125: {  	(tag) =	ssettag $0x2  }
0x126: {  	s0 =	rddreg [dreg:$0x0];
	s2 =	stileid.u32  }
0x127: {  	s1 =	rddreg [dreg:$0x1];
	p0 =	sne.s32 s2, $0x0  }
0x128: {  	s3 =	rddreg [dreg:$0x2];
	[bflag:$0x3] =	sbarrier.arrive $0xFFFF;
	s2 =	simm.s32 @!p0 $0x1C02  }
0x129: {  	[timem:s3], [sflag:s2] =	dma.local @!p0 [hbm:s0], s1  }
0x12a: {  	s0 =	simm.s32 @!p0 $0x2  }
0x12b: {  	_ =	swait.ge @!p0 [sflag:s0], s1  }
0x12c: {  	s1 =	ssub.s32 @!p0 $0x0, s1;
	[sflag:s0] =	ssyncset.done @!p0 $0x0  }
0x12d: {  	[sflag:s0] =	ssyncadd.s32 @!p0 s1  }
0x12e: {  	[bflag:$0x3] =	sbarrier.arrive $0xFFFF  }
0x12f: {  	_ =	shalt  }

// kernel: kernel.14.cloned.1.call-start
scs
__scs_entry_jumppad:
0x0: {  	(pc) =	sbr.rel $0x88, $3  }
0x1: {  	(tag) =	ssettag $0x0;
	lr =	simm.s32 $0x1  }
0x2: {  	[smem:$0x3F98] =	sst lr;
	_ =	strace $0xD0000000  }
0x3: {  	_ = 	snop  }
0x4: {  	_ = 	snop  }
0x5: {  	_ = 	snop  }
0x6: {  	_ = 	snop  }
0x7: {  	_ = 	snop  }
__scs_overlays_trampoline_lowered:
0x8: {  	[smem:$0x3FA7] =	sst s0  }
0x9: {  	[smem:$0x3FA8] =	sst s1  }
0xa: {  	[smem:$0x3FA9] =	sst s2  }
0xb: {  	[smem:$0x3FAA] =	sst s3  }
0xc: {  	[smem:$0x3FAB] =	sst s4  }
0xd: {  	[smem:$0x3FAC] =	sst s5  }
0xe: {  	[smem:$0x3FAD] =	sst s6  }
0xf: {  	[smem:$0x3FAE] =	sst s7  }
0x10: {  	[smem:$0x3FAF] =	sst s8  }
0x11: {  	[smem:$0x3FB0] =	sst s9;
	s0 =	simm.s32 @!p0 $0x0  }
0x12: {  	s1 =	sld [smem:$0x3F96];
	s0 =	simm.s32 @p0 $0x1  }
0x13: {  	[smem:$0x3FB1] =	sst s0;
	s0 =	simm.s32 @!p1 $0x0  }
0x14: {  	s2 =	sld [smem:$0x3F95];
	s0 =	simm.s32 @p1 $0x1  }
0x15: {  	[smem:$0x3FB2] =	sst s0;
	s0 =	simm.s32 @!p2 $0x0  }
0x16: {  	s3 =	sld [smem:$0x3FDB];
	s0 =	simm.s32 @p2 $0x1  }
0x17: {  	s4 =	simm.s32 $0x1BF5;
	[smem:$0x3FB4] =	sst s0  }
0x18: {  	s0 =	sld [smem:$0x3F97];
	_ =	swait.ge [sflag:s4], $0x0  }
0x19: {  	s7 =	sld [smem:$0x3F98]  }
0x1a: {  	s8 =	sadd.s32 $0xFFFFE003, lr  }
0x1b: {  	s9 =	sadd.s32 $0xFFFFFEF7, lr;
	s5 =	simm.s32 $0xFFFFFFFF;
	p2 =	slt.u32 s8, $0xFFFFF086  }
0x1c: {  	p1 =	slt.u32 s9, $0xF7A;
	s5 =	simm.s32 @!p2 $0x0  }
0x1d: {  	s5 =	simm.s32 @p1 $0x1;
	p0 =	seq.s32 s7, s2  }
0x1e: {  	s7 =	smul.u32 @!p0 $0xF7A, s2;
	p2 =	seq.s32 @!p0 s5, $0x0  }
0x1f: {  	s9 =	smul.u32 $0xF7A, s1;
	s8 =	simm.s32 @!p0 $0x1BF5;
	p2 =	por !p2, p0  }
0x20: {  	[sflag:s8] =	ssyncset.s32 @!p0 $0xFFFFF086;
	s6 =	sadd.s32 @!p0 s3, s7;
	s7 =	simm.s32 @!p0 $0x108  }
0x21: {  	s3 =	sadd.s32 s3, s9;
	s6 =	sadd.s32 @!p0 $0x88, s6;
	s7 =	simm.s32 @p2 $0x1082  }
0x22: {  	[simem:s7], [sflag:s8] =	dma.local @!p0 [hbm:s6], $0xF7A  }
0x23: {  	s9 =	sor.u32 $0xD0000000, s2;
	s6 =	simm.s32 $0x108;
	_ =	swait.ge @!p0 [sflag:s8], $0x0  }
0x24: {  	s3 =	sadd.s32 $0x88, s3;
	s6 =	simm.s32 @!p1 $0x1082;
	[sflag:s4] =	ssyncset.s32 $0xFFFFF086  }
0x25: {  	[simem:s6], [sflag:s4] =	dma.local [hbm:s3], $0xF7A  }
0x26: {  	[smem:$0x3F98] =	sst s1;
	(tag) =	ssettag s2;
	_ =	strace s9  }
0x27: {  	s1 =	sld [smem:$0x3FA8]  }
0x28: {  	s2 =	sld [smem:$0x3FA9]  }
0x29: {  	s4 =	sld [smem:$0x3FAB]  }
0x2a: {  	p0 =	seq.s32 s5, $0x0;
	s5 =	sld [smem:$0x3FAC]  }
0x2b: {  	s6 =	sld [smem:$0x3FAD]  }
0x2c: {  	s7 =	sld [smem:$0x3FAE]  }
0x2d: {  	s3 =	simm.s32 $0x108;
	s8 =	sld [smem:$0x3FAF]  }
0x2e: {  	s3 =	simm.s32 @!p0 $0x1082;
	s9 =	sld [smem:$0x3FB0]  }
0x2f: {  	lr =	sadd.s32 s0, s3;
	s0 =	sld [smem:$0x3FA7]  }
0x30: {  	s3 =	sld [smem:$0x3FAA]  }
0x31: {  	[smem:$0x3FB3] =	sst s10  }
0x32: {  	s10 =	sld [smem:$0x3FB1];
	_ =	sdelay $0x3  }
0x33: {  	p0 =	seq.s32 s10, $0x1;
	s10 =	sld [smem:$0x3FB3];
	_ =	sdelay $0x3  }
0x34: {  	[smem:$0x3FB3] =	sst s10  }
0x35: {  	s10 =	sld [smem:$0x3FB2];
	_ =	sdelay $0x3  }
0x36: {  	p1 =	seq.s32 s10, $0x1;
	s10 =	sld [smem:$0x3FB3];
	_ =	sdelay $0x3  }
0x37: {  	[smem:$0x3FB3] =	sst s10  }
0x38: {  	s10 =	sld [smem:$0x3FB4]  }
0x39: {  	_ = 	snop;
	(pc) =	sbr.ind lr, $3  }
0x3a: {  	_ = 	snop  }
0x3b: {  	_ = 	snop  }
0x3c: {  	p2 =	seq.s32 s10, $0x1;
	s10 =	sld [smem:$0x3FB3]  }
0x3d: {  	_ =	shalt  }
0x3e: {  	_ =	shalt  }
0x3f: {  	_ =	shalt  }
0x40: {  	_ =	shalt  }
0x41: {  	_ =	shalt  }
0x42: {  	_ =	shalt  }
0x43: {  	_ =	shalt  }
0x44: {  	_ =	shalt  }
0x45: {  	_ =	shalt  }
0x46: {  	_ =	shalt  }
0x47: {  	_ =	shalt  }
0x48: {  	_ =	shalt  }
0x49: {  	_ =	shalt  }
0x4a: {  	_ =	shalt  }
0x4b: {  	_ =	shalt  }
0x4c: {  	_ =	shalt  }
0x4d: {  	_ =	shalt  }
0x4e: {  	_ =	shalt  }
0x4f: {  	_ =	shalt  }
0x50: {  	_ =	shalt  }
0x51: {  	_ =	shalt  }
0x52: {  	_ =	shalt  }
0x53: {  	_ =	shalt  }
0x54: {  	_ =	shalt  }
0x55: {  	_ =	shalt  }
0x56: {  	_ =	shalt  }
0x57: {  	_ =	shalt  }
0x58: {  	_ =	shalt  }
0x59: {  	_ =	shalt  }
0x5a: {  	_ =	shalt  }
0x5b: {  	_ =	shalt  }
0x5c: {  	_ =	shalt  }
0x5d: {  	_ =	shalt  }
0x5e: {  	_ =	shalt  }
0x5f: {  	_ =	shalt  }
0x60: {  	_ =	shalt  }
0x61: {  	_ =	shalt  }
0x62: {  	_ =	shalt  }
0x63: {  	_ =	shalt  }
0x64: {  	_ =	shalt  }
0x65: {  	_ =	shalt  }
0x66: {  	_ =	shalt  }
0x67: {  	_ =	shalt  }
0x68: {  	_ =	shalt  }
0x69: {  	_ =	shalt  }
0x6a: {  	_ =	shalt  }
0x6b: {  	_ =	shalt  }
0x6c: {  	_ =	shalt  }
0x6d: {  	_ =	shalt  }
0x6e: {  	_ =	shalt  }
0x6f: {  	_ =	shalt  }
0x70: {  	_ =	shalt  }
0x71: {  	_ =	shalt  }
0x72: {  	_ =	shalt  }
0x73: {  	_ =	shalt  }
0x74: {  	_ =	shalt  }
0x75: {  	_ =	shalt  }
0x76: {  	_ =	shalt  }
0x77: {  	_ =	shalt  }
0x78: {  	_ =	shalt  }
0x79: {  	_ =	shalt  }
0x7a: {  	_ =	shalt  }
0x7b: {  	_ =	shalt  }
0x7c: {  	_ =	shalt  }
0x7d: {  	_ =	shalt  }
0x7e: {  	_ =	shalt  }
0x7f: {  	_ =	shalt  }
0x80: {  	_ =	shalt  }
0x81: {  	_ =	shalt  }
0x82: {  	_ =	shalt  }
0x83: {  	_ =	shalt  }
0x84: {  	_ =	shalt  }
0x85: {  	_ =	shalt  }
0x86: {  	_ =	shalt  }
0x87: {  	_ =	shalt  }
.Lfunc_end0:
.L_simem_size_0:
called_computation.2_lowered:
.L_overlay_start_0:
0x88: {  	s2 =	sld [smem:$0x3FD9]  }
0x89: {  	s3 =	sld [smem:$0x3FFE];
	_ =	sdelay $0x1  }
0x8a: {  	s1 =	srdreg.scid  }
0x8b: {  	s0 =	sand.u32 $0x1, s1  }
0x8c: {  	s17 =	sshll.u32 s0, $0xA;
	s2 =	sadd.s32 s3, s2  }
0x8d: {  	s2 =	sadd.s32 s2, s17  }
0x8e: {  	[smem:$0x3FBF] =	sst s2  }
0x8f: {  	_ = 	snop  }
0x90: {  	(tm) =	ssettm $0x1  }
0x91: {  	s18 =	sld [smem:$0x3FFB];
	_ =	sdelay $0x3  }
0x92: {  	_ =	strace s18  }
0x93: {  	s2 =	sld [smem:$0x3FFC];
	_ =	sdelay $0x3  }
0x94: {  	_ =	strace s2  }
0x95: {  	s2 =	sld [smem:$0x3FFD];
	_ =	sdelay $0x3  }
0x96: {  	_ =	strace s2  }
0x97: {  	_ =	strace $0x8FFFFFFF  }
0x98: {  	s19 =	sld [smem:$0x3FDB];
	_ =	sdelay $0x1  }
0x99: {  	s20 =	simm.s32 $_scs_section_size  }
0x9a: {  	s4 =	simm.s32 $_size__tile_overlayer_lowered;
	s5 =	simm.s32 $_tile_overlayer_lowered  }
0x9b: {  	s6 =	simm.s32 $0x1BFF;
	s21 =	sshll.u32 s5, $0x1;
	s3 =	sadd.s32 s20, s19  }
0x9c: {  	s22 =	simm.s32 $0x0;
	s4 =	sshll.u32 s4, $0x1;
	s5 =	sadd.s32 s21, s3  }
0x9d: {  	[timem:s22], [sflag:s6] =	dma.local [hbm:s5], s4  }
0x9e: {  	_ =	swait.ge [sflag:s6], s4  }
0x9f: {  	s4 =	ssub.s32 $0x0, s4;
	[sflag:s6] =	ssyncset.done $0x0  }
0xa0: {  	[sflag:s6] =	ssyncadd.s32 s4;
	_ =	sdelay $0x1  }
0xa1: {  	s23 =	simm.s32 $0x1B8B  }
0xa2: {  	_ =	swait.ge [sflag:s23], $0x1  }
0xa3: {  	[sflag:s23] =	ssyncset.done $0x0  }
0xa4: {  	[sflag:s23] =	ssyncadd.s32 $0xFFFFFFFF  }
0xa5: {  	s4 =	sld [smem:$0x0]  }
0xa6: {  	s5 =	sand.u32 $0xFFFFFFFE, s1  }
0xa7: {  	p0 =	sne.s32 s1, s5  }
0xa8: {  	s5 =	sshll.u32 @p0 s5, $0xE  }
0xa9: {  	s5 =	sadd.s32 @p0 $0x11B8D, s5;
	s6 =	sshll.u32 @p0 s4, $0x11  }
0xaa: {  	s5 =	sor.u32 @p0 s6, s5  }
0xab: {  	[sflag:s5] =	ssyncadd.remote.s32 @p0 $0x1;
	_ =	sdelay $0x1  }
0xac: {  	s5 =	simm.s32 @p0 $0x1B8D  }
0xad: {  	_ =	swait.eq @p0 [sflag:s5], $0x1  }
0xae: {  	[sflag:s5] =	ssyncadd.s32 @p0 $0xFFFFFFFF  }
0xaf: {  	s6 =	sshll.u32 @!p0 s1, $0xE  }
0xb0: {  	s6 =	sor.u32 @!p0 $0x4000, s6;
	s5 =	simm.s32 @!p0 $0x1B8D  }
0xb1: {  	s4 =	sshll.u32 @!p0 s4, $0x11;
	s6 =	sadd.s32 @!p0 $0x11B8D, s6;
	_ =	swait.eq @!p0 [sflag:s5], $0x1  }
0xb2: {  	s4 =	sor.u32 @!p0 s4, s6;
	[sflag:s5] =	ssyncadd.s32 @!p0 $0xFFFFFFFF  }
0xb3: {  	s25 =	simm.s32 $0x1B8E;
	s24 =	sld [smem:$0x3FFE];
	[sflag:s4] =	ssyncadd.remote.s32 @!p0 $0x1  }
0xb4: {  	s26 =	simm.s32 $execute0_lowered;
	[smem:$0x3FD2] =	sst s25  }
0xb5: {  	s5 =	sshll.u32 s26, $0x1;
	_ =	strace $0x8000004C;
	[dreg:$0x1] =	wrdreg $0xFFFFFFFF  }
0xb6: {  	s28 =	simm.s32 $_size_execute0_lowered;
	s3 =	sadd.s32 s3, s5;
	[dreg:$0x0] =	wrdreg $0x0  }
0xb7: {  	s5 =	sshll.u32 s28, $0x1;
	[dreg:$0x2] =	wrdreg s3  }
0xb8: {  	[dreg:$0x3] =	wrdreg s5  }
0xb9: {  	[dreg:$0x4] =	wrdreg $0xC0  }
0xba: {  	_ =	task [dreg:s22], $0x5FFFF  }
0xbb: {  	[dreg:$0x1] =	wrdreg $0xFFFFFFFF  }
0xbc: {  	[dreg:$0x0] =	wrdreg $0x60  }
0xbd: {  	[dreg:$0x2] =	wrdreg s24  }
0xbe: {  	[dreg:$0x3] =	wrdreg $0x3C000  }
0xbf: {  	[dreg:$0x4] =	wrdreg $0x3E800  }
0xc0: {  	[dreg:$0x5] =	wrdreg $0xA  }
0xc1: {  	_ =	task.clear_ibuf [dreg:s22], $0x6FFFF;
	_ =	strace $0x9000004C  }
0xc2: {  	s29 =	simm.s32 $0xA;
	_ =	strace $0x8000004E  }
0xc3: {  	_ =	swait.ge [sflag:s29], $0x1  }
0xc4: {  	[sflag:s29] =	ssyncadd.s32 $0xFFFFFFFF  }
0xc5: {  	_ =	strace $0x9000004E  }
0xc6: {  	_ =	sfence  }
0xc7: {  	s30 =	sld [smem:$0x0];
	_ =	sdelay $0x2  }
0xc8: {  	s31 =	sshll.u32 s1, $0xD;
	s1 =	sshrl.u32 s1, $0x2  }
0xc9: {  	s4 =	sand.u32 $0x4000, s31;
	s1 =	sadd.s32 s1, s30  }
0xca: {  	s0 =	sor.u32 s4, s0;
	s1 =	sshll.u32 s1, $0x11  }
0xcb: {  	s0 =	sor.u32 s1, s0  }
0xcc: {  	s0 =	sadd.s32 $0x8F2B, s0  }
0xcd: {  	[sflag:s0] =	ssyncadd.remote.s32 $0x1  }
0xce: {  	_ =	sfence.sel $0xFFFF  }
0xcf: {  	[dreg:$0x0] =	wrdreg $0xFFFFFFFF;
	(pc) =	sbr.abs _section_cstart, $3  }
0xd0: {  	[dreg:$0x1] =	wrdreg $0xFFFFFFFF  }
0xd1: {  	_ =	task.clear_ibuf [dreg:s22], $0x2FFFF;
	_ =	strace $0x9FFFFFFF  }
0xd2: {  	(tm) =	ssettm $0x7FFFFFFF  }
0xd3: {  	_ =	shalt  }
tec
execute0_lowered:
.L_overlay_start_1:
0x0: {  	(tag) =	ssettag $0x1  }
0x1: {  	s6 =	rddreg [dreg:$0x0]  }
0x2: {  	s1 =	srdreg.scid;
	s2 =	rddreg [dreg:$0x1]  }
0x3: {  	s0 =	stileid.u32;
	s3 =	rddreg [dreg:$0x2];
	s4 =	simm.s32 $0x0  }
0x4: {  	s14 =	simm.s32 $0x1400;
	s15 =	simm.s32 $0x2800;
	s16 =	simm.s32 $0x1  }
0x5: {  	s17 =	simm.s32 $0x80;
	s19 =	simm.s32 $0x20;
	s20 =	simm.s32 $0x10  }
0x6: {  	s21 =	simm.s32 $0x2;
	s23 =	simm.s32 $0x0;
	s5 =	sand.u32 $0x1, s1  }
0x7: {  	s28 =	sshll.u32 s0, $0x1;
	[smem:$0x7FF] =	sst s4;
	s9 =	smul.u32 $0x500, s0  }
0x8: {  	s13 =	smul.u32 $0x280, s0;
	p0 =	sne.s32 s0, $0x0;
	s1 =	sor.u32 s5, s28  }
0x9: {  	s8 =	smul.u32 $0x5000, s5;
	s30 =	ssub.s32 $0x2, s5;
	s5 =	sadd.s32 $0x7A00, s6  }
0xa: {  	s7 =	smul.u32 $0x280, s1;
	s1 =	rddreg [dreg:$0x3];
	_ =	strace $0x8000004D  }
0xb: {  	s31 =	sshrl.u32 s30, $0x1;
	s18 =	sadd.s32 s13, s2;
	s22 =	sadd.s32 s13, s3  }
0xc: {  	s13 =	sshrl.u32 @!p0 s3, $0x3;
	s29 =	sadd.s32 s9, s8;
	s12 =	ssub.s32 s30, s31  }
0xd: {  	s18 =	sshrl.u32 s18, $0x3;
	s10 =	sadd.s32 s7, s6;
	s7 =	sshrl.u32 s29, $0x3  }
0xe: {  	s22 =	sshrl.u32 s22, $0x3;
	s11 =	sadd.s32 s7, s6;
	s6 =	sadd.s32 $0x1B800, s10  }
0xf: {  	s7 =	sadd.s32 $0x20800, s10;
	s8 =	sadd.s32 $0x16800, s10;
	s9 =	sadd.s32 $0x9400, s11  }
0x10: {  	s10 =	sadd.s32 $0x9410, s11;
	s11 =	smax.u32 s12, $0x1;
	s12 =	sshrl.u32 @!p0 s2, $0x3  }
.LBB2_1:
0x11: {  	s24 =	simm.s32 @!p0 $0x1C02;
	s25 =	simm.s32 @!p0 $0x2  }
0x12: {  	[spmem:s12], [sflag:s24] =	dma.local @!p0 [hbm:s5], $0x500  }
0x13: {  	_ =	swait.ge @!p0 [sflag:s25], $0x500  }
0x14: {  	[sflag:s25] =	ssyncset.done @!p0 $0x0  }
0x15: {  	[sflag:s25] =	ssyncadd.s32 @!p0 $0xFFFFFB00  }
0x16: {  	[spmem:s13], [sflag:s24] =	dma.local @!p0 [hbm:s5], $0x500  }
0x17: {  	_ =	swait.ge @!p0 [sflag:s25], $0x500  }
0x18: {  	[sflag:s25] =	ssyncset.done @!p0 $0x0  }
0x19: {  	[sflag:s25] =	ssyncadd.s32 @!p0 $0xFFFFFB00  }
0x1a: {  	[bflag:$0x0] =	sbarrier.arrive $0xFFFF  }
0x1b: {  	[tilespmem:s4], [sflag:$0x1] =	stream.linear.gather [hbm4b:s6+s4], $0x1400, $0x38;
	[tilespmem:$0x4100] =	vst v63  }
0x1c: {  	_ = 	snop  }
0x1d: {  	[tilespmem:s14], [sflag:$0x1] =	stream.linear.gather [hbm4b:s7+s4], $0x1400, $0x38;
	[tilespmem:$0x4100] =	vst v63  }
0x1e: {  	_ = 	snop  }
0x1f: {  	[tilespmem:s15], [sflag:$0x1] =	stream.linear.gather [hbm4b:s8+s4], $0x1400, $0x38;
	[tilespmem:$0x4100] =	vst v63  }
0x20: {  	_ =	swait.ge [sflag:s16], $0x1400  }
0x21: {  	[sflag:s16] =	ssyncset.done $0x0  }
0x22: {  	[sflag:s16] =	ssyncadd.s32 $0xFFFFEC00  }
0x23: {  	_ =	swait.ge [sflag:s16], $0x1400  }
0x24: {  	[sflag:s16] =	ssyncset.done $0x0  }
0x25: {  	[sflag:s16] =	ssyncadd.s32 $0xFFFFEC00  }
0x26: {  	_ =	swait.ge [sflag:s16], $0x1400  }
0x27: {  	[sflag:s16] =	ssyncset.done $0x0  }
0x28: {  	s30 =	simm.s32 $0x0;
	s31 =	simm.s32 $0x2800;
	[sflag:s16] =	ssyncadd.s32 $0xFFFFEC00  }
0x29: {  	[spmem:s2] =	stream.indirect.scatter.add.f32 [tilespmem:s30], [sflag:$0x1], $0x1, s31, s17, $0xb8;
	[tilespmem:$0x4100] =	vst v63  }
0x2a: {  	s26 =	simm.s32 $0x1400  }
0x2b: {  	[spmem:s3] =	stream.indirect.scatter.add.f32 [tilespmem:s26], [sflag:$0x1], $0x1, s31, s17, $0xb8;
	[tilespmem:$0x4100] =	vst v63  }
0x2c: {  	s29 =	simm.s32 $0x80;
	s30 =	simm.s32 $0x2880  }
0x2d: {  	[spmem:s2] =	stream.indirect.scatter.add.f32 [tilespmem:s29], [sflag:$0x1], $0x1, s30, s17, $0xb8;
	[tilespmem:$0x4100] =	vst v63  }
0x2e: {  	s31 =	simm.s32 $0x1480  }
0x2f: {  	[spmem:s3] =	stream.indirect.scatter.add.f32 [tilespmem:s31], [sflag:$0x1], $0x1, s30, s17, $0xb8;
	[tilespmem:$0x4100] =	vst v63  }
0x30: {  	s25 =	simm.s32 $0x100;
	s26 =	simm.s32 $0x2900  }
0x31: {  	[spmem:s2] =	stream.indirect.scatter.add.f32 [tilespmem:s25], [sflag:$0x1], $0x1, s26, s17, $0xb8;
	[tilespmem:$0x4100] =	vst v63  }
0x32: {  	s29 =	simm.s32 $0x1500  }
0x33: {  	[spmem:s3] =	stream.indirect.scatter.add.f32 [tilespmem:s29], [sflag:$0x1], $0x1, s26, s17, $0xb8;
	[tilespmem:$0x4100] =	vst v63  }
0x34: {  	s30 =	simm.s32 $0x180;
	s31 =	simm.s32 $0x2980  }
0x35: {  	[spmem:s2] =	stream.indirect.scatter.add.f32 [tilespmem:s30], [sflag:$0x1], $0x1, s31, s17, $0xb8;
	[tilespmem:$0x4100] =	vst v63  }
0x36: {  	s26 =	simm.s32 $0x1580  }
0x37: {  	[spmem:s3] =	stream.indirect.scatter.add.f32 [tilespmem:s26], [sflag:$0x1], $0x1, s31, s17, $0xb8;
	[tilespmem:$0x4100] =	vst v63  }
0x38: {  	s29 =	simm.s32 $0x200;
	s30 =	simm.s32 $0x2A00  }
0x39: {  	[spmem:s2] =	stream.indirect.scatter.add.f32 [tilespmem:s29], [sflag:$0x1], $0x1, s30, s17, $0xb8;
	[tilespmem:$0x4100] =	vst v63  }
0x3a: {  	s31 =	simm.s32 $0x1600  }
0x3b: {  	[spmem:s3] =	stream.indirect.scatter.add.f32 [tilespmem:s31], [sflag:$0x1], $0x1, s30, s17, $0xb8;
	[tilespmem:$0x4100] =	vst v63  }
0x3c: {  	s25 =	simm.s32 $0x280;
	s26 =	simm.s32 $0x2A80  }
0x3d: {  	[spmem:s2] =	stream.indirect.scatter.add.f32 [tilespmem:s25], [sflag:$0x1], $0x1, s26, s17, $0xb8;
	[tilespmem:$0x4100] =	vst v63  }
0x3e: {  	s29 =	simm.s32 $0x1680  }
0x3f: {  	[spmem:s3] =	stream.indirect.scatter.add.f32 [tilespmem:s29], [sflag:$0x1], $0x1, s26, s17, $0xb8;
	[tilespmem:$0x4100] =	vst v63  }
0x40: {  	s30 =	simm.s32 $0x300;
	s31 =	simm.s32 $0x2B00  }
0x41: {  	[spmem:s2] =	stream.indirect.scatter.add.f32 [tilespmem:s30], [sflag:$0x1], $0x1, s31, s17, $0xb8;
	[tilespmem:$0x4100] =	vst v63  }
0x42: {  	s26 =	simm.s32 $0x1700  }
0x43: {  	[spmem:s3] =	stream.indirect.scatter.add.f32 [tilespmem:s26], [sflag:$0x1], $0x1, s31, s17, $0xb8;
	[tilespmem:$0x4100] =	vst v63  }
0x44: {  	s29 =	simm.s32 $0x380;
	s30 =	simm.s32 $0x2B80  }
0x45: {  	[spmem:s2] =	stream.indirect.scatter.add.f32 [tilespmem:s29], [sflag:$0x1], $0x1, s30, s17, $0xb8;
	[tilespmem:$0x4100] =	vst v63  }
0x46: {  	s31 =	simm.s32 $0x1780  }
0x47: {  	[spmem:s3] =	stream.indirect.scatter.add.f32 [tilespmem:s31], [sflag:$0x1], $0x1, s30, s17, $0xb8;
	[tilespmem:$0x4100] =	vst v63  }
0x48: {  	_ =	swait.ge [sflag:s16], $0x80  }
0x49: {  	[sflag:s16] =	ssyncset.done $0x0  }
0x4a: {  	[sflag:s16] =	ssyncadd.s32 $0xFFFFFF80  }
0x4b: {  	_ =	swait.ge [sflag:s16], $0x80  }
0x4c: {  	[sflag:s16] =	ssyncset.done $0x0  }
0x4d: {  	[sflag:s16] =	ssyncadd.s32 $0xFFFFFF80  }
0x4e: {  	_ =	swait.ge [sflag:s16], $0x80  }
0x4f: {  	[sflag:s16] =	ssyncset.done $0x0  }
0x50: {  	[sflag:s16] =	ssyncadd.s32 $0xFFFFFF80  }
0x51: {  	_ =	swait.ge [sflag:s16], $0x80  }
0x52: {  	[sflag:s16] =	ssyncset.done $0x0  }
0x53: {  	[sflag:s16] =	ssyncadd.s32 $0xFFFFFF80  }
0x54: {  	_ =	swait.ge [sflag:s16], $0x80  }
0x55: {  	[sflag:s16] =	ssyncset.done $0x0  }
0x56: {  	[sflag:s16] =	ssyncadd.s32 $0xFFFFFF80  }
0x57: {  	_ =	swait.ge [sflag:s16], $0x80  }
0x58: {  	[sflag:s16] =	ssyncset.done $0x0  }
0x59: {  	[sflag:s16] =	ssyncadd.s32 $0xFFFFFF80  }
0x5a: {  	_ =	swait.ge [sflag:s16], $0x80  }
0x5b: {  	[sflag:s16] =	ssyncset.done $0x0  }
0x5c: {  	[sflag:s16] =	ssyncadd.s32 $0xFFFFFF80  }
0x5d: {  	_ =	swait.ge [sflag:s16], $0x80  }
0x5e: {  	[sflag:s16] =	ssyncset.done $0x0  }
0x5f: {  	[sflag:s16] =	ssyncadd.s32 $0xFFFFFF80  }
0x60: {  	_ =	swait.ge [sflag:s16], $0x80  }
0x61: {  	[sflag:s16] =	ssyncset.done $0x0  }
0x62: {  	[sflag:s16] =	ssyncadd.s32 $0xFFFFFF80  }
0x63: {  	_ =	swait.ge [sflag:s16], $0x80  }
0x64: {  	[sflag:s16] =	ssyncset.done $0x0  }
0x65: {  	[sflag:s16] =	ssyncadd.s32 $0xFFFFFF80  }
0x66: {  	_ =	swait.ge [sflag:s16], $0x80  }
0x67: {  	[sflag:s16] =	ssyncset.done $0x0  }
0x68: {  	[sflag:s16] =	ssyncadd.s32 $0xFFFFFF80  }
0x69: {  	_ =	swait.ge [sflag:s16], $0x80  }
0x6a: {  	[sflag:s16] =	ssyncset.done $0x0  }
0x6b: {  	[sflag:s16] =	ssyncadd.s32 $0xFFFFFF80  }
0x6c: {  	_ =	swait.ge [sflag:s16], $0x80  }
0x6d: {  	[sflag:s16] =	ssyncset.done $0x0  }
0x6e: {  	[sflag:s16] =	ssyncadd.s32 $0xFFFFFF80  }
0x6f: {  	_ =	swait.ge [sflag:s16], $0x80  }
0x70: {  	[sflag:s16] =	ssyncset.done $0x0  }
0x71: {  	[sflag:s16] =	ssyncadd.s32 $0xFFFFFF80  }
0x72: {  	_ =	swait.ge [sflag:s16], $0x80  }
0x73: {  	[sflag:s16] =	ssyncset.done $0x0  }
0x74: {  	[sflag:s16] =	ssyncadd.s32 $0xFFFFFF80  }
0x75: {  	_ =	swait.ge [sflag:s16], $0x80  }
0x76: {  	s28 =	simm.s32 $0x2000;
	s26 =	simm.s32 $0x400;
	[sflag:s16] =	ssyncset.done $0x0  }
.LBB2_2:
0x77: {  	s29 =	sadd.s32 $0x2800, s26  }
0x78: {  	[sflag:s16] =	ssyncadd.s32 $0xFFFFFF80;
	s25 =	smov.u32 s28;
	s24 =	sadd.s32 $0x1000, s28  }
0x79: {  	[spmem:s2] =	stream.indirect.scatter.add.f32 [tilespmem:s26], [sflag:$0x1], $0x1, s29, s17, $0xb8;
	[tilespmem:$0x4100] =	vst v63  }
0x7a: {  	p1 =	sne.s32 s28, $0x4000;
	s28 =	sadd.s32 $0x1400, s26  }
0x7b: {  	[spmem:s3] =	stream.indirect.scatter.add.f32 [tilespmem:s28], [sflag:$0x1], $0x1, s29, s17, $0xb8;
	[tilespmem:$0x4100] =	vst v63  }
0x7c: {  	s28 =	sadd.s32 $0x80, s26;
	s29 =	sadd.s32 $0x2880, s26  }
0x7d: {  	[spmem:s2] =	stream.indirect.scatter.add.f32 [tilespmem:s28], [sflag:$0x1], $0x1, s29, s17, $0xb8;
	[tilespmem:$0x4100] =	vst v63  }
0x7e: {  	s28 =	sadd.s32 $0x1480, s26  }
0x7f: {  	[spmem:s3] =	stream.indirect.scatter.add.f32 [tilespmem:s28], [sflag:$0x1], $0x1, s29, s17, $0xb8;
	[tilespmem:$0x4100] =	vst v63  }
0x80: {  	s28 =	sadd.s32 $0x100, s26;
	s29 =	sadd.s32 $0x2900, s26  }
0x81: {  	[spmem:s2] =	stream.indirect.scatter.add.f32 [tilespmem:s28], [sflag:$0x1], $0x1, s29, s17, $0xb8;
	[tilespmem:$0x4100] =	vst v63  }
0x82: {  	s28 =	sadd.s32 $0x1500, s26  }
0x83: {  	[spmem:s3] =	stream.indirect.scatter.add.f32 [tilespmem:s28], [sflag:$0x1], $0x1, s29, s17, $0xb8;
	[tilespmem:$0x4100] =	vst v63  }
0x84: {  	s28 =	sadd.s32 $0x180, s26;
	s29 =	sadd.s32 $0x2980, s26  }
0x85: {  	[spmem:s2] =	stream.indirect.scatter.add.f32 [tilespmem:s28], [sflag:$0x1], $0x1, s29, s17, $0xb8;
	[tilespmem:$0x4100] =	vst v63  }
0x86: {  	s28 =	sadd.s32 $0x1580, s26  }
0x87: {  	[spmem:s3] =	stream.indirect.scatter.add.f32 [tilespmem:s28], [sflag:$0x1], $0x1, s29, s17, $0xb8;
	[tilespmem:$0x4100] =	vst v63  }
0x88: {  	s28 =	sadd.s32 $0x200, s26;
	s29 =	sadd.s32 $0x2A00, s26  }
0x89: {  	[spmem:s2] =	stream.indirect.scatter.add.f32 [tilespmem:s28], [sflag:$0x1], $0x1, s29, s17, $0xb8;
	[tilespmem:$0x4100] =	vst v63  }
0x8a: {  	s28 =	sadd.s32 $0x1600, s26  }
0x8b: {  	[spmem:s3] =	stream.indirect.scatter.add.f32 [tilespmem:s28], [sflag:$0x1], $0x1, s29, s17, $0xb8;
	[tilespmem:$0x4100] =	vst v63  }
0x8c: {  	s28 =	sadd.s32 $0x280, s26;
	s29 =	sadd.s32 $0x2A80, s26  }
0x8d: {  	[spmem:s2] =	stream.indirect.scatter.add.f32 [tilespmem:s28], [sflag:$0x1], $0x1, s29, s17, $0xb8;
	[tilespmem:$0x4100] =	vst v63  }
0x8e: {  	s28 =	sadd.s32 $0x1680, s26  }
0x8f: {  	[spmem:s3] =	stream.indirect.scatter.add.f32 [tilespmem:s28], [sflag:$0x1], $0x1, s29, s17, $0xb8;
	[tilespmem:$0x4100] =	vst v63  }
0x90: {  	s28 =	sadd.s32 $0x300, s26;
	s29 =	sadd.s32 $0x2B00, s26  }
0x91: {  	[spmem:s2] =	stream.indirect.scatter.add.f32 [tilespmem:s28], [sflag:$0x1], $0x1, s29, s17, $0xb8;
	[tilespmem:$0x4100] =	vst v63  }
0x92: {  	s28 =	sadd.s32 $0x1700, s26  }
0x93: {  	[spmem:s3] =	stream.indirect.scatter.add.f32 [tilespmem:s28], [sflag:$0x1], $0x1, s29, s17, $0xb8;
	[tilespmem:$0x4100] =	vst v63  }
0x94: {  	s28 =	sadd.s32 $0x380, s26;
	s29 =	sadd.s32 $0x2B80, s26  }
0x95: {  	[spmem:s2] =	stream.indirect.scatter.add.f32 [tilespmem:s28], [sflag:$0x1], $0x1, s29, s17, $0xb8;
	[tilespmem:$0x4100] =	vst v63  }
0x96: {  	s26 =	sadd.s32 $0x1780, s26  }
0x97: {  	[spmem:s3] =	stream.indirect.scatter.add.f32 [tilespmem:s26], [sflag:$0x1], $0x1, s29, s17, $0xb8;
	[tilespmem:$0x4100] =	vst v63  }
0x98: {  	_ =	swait.ge [sflag:s16], $0x80  }
0x99: {  	[sflag:s16] =	ssyncset.done $0x0  }
0x9a: {  	[sflag:s16] =	ssyncadd.s32 $0xFFFFFF80  }
0x9b: {  	_ =	swait.ge [sflag:s16], $0x80  }
0x9c: {  	[sflag:s16] =	ssyncset.done $0x0  }
0x9d: {  	[sflag:s16] =	ssyncadd.s32 $0xFFFFFF80  }
0x9e: {  	_ =	swait.ge [sflag:s16], $0x80  }
0x9f: {  	[sflag:s16] =	ssyncset.done $0x0  }
0xa0: {  	[sflag:s16] =	ssyncadd.s32 $0xFFFFFF80  }
0xa1: {  	_ =	swait.ge [sflag:s16], $0x80  }
0xa2: {  	[sflag:s16] =	ssyncset.done $0x0  }
0xa3: {  	[sflag:s16] =	ssyncadd.s32 $0xFFFFFF80  }
0xa4: {  	_ =	swait.ge [sflag:s16], $0x80  }
0xa5: {  	[sflag:s16] =	ssyncset.done $0x0  }
0xa6: {  	[sflag:s16] =	ssyncadd.s32 $0xFFFFFF80  }
0xa7: {  	_ =	swait.ge [sflag:s16], $0x80  }
0xa8: {  	[sflag:s16] =	ssyncset.done $0x0  }
0xa9: {  	[sflag:s16] =	ssyncadd.s32 $0xFFFFFF80  }
0xaa: {  	_ =	swait.ge [sflag:s16], $0x80  }
0xab: {  	[sflag:s16] =	ssyncset.done $0x0  }
0xac: {  	[sflag:s16] =	ssyncadd.s32 $0xFFFFFF80  }
0xad: {  	_ =	swait.ge [sflag:s16], $0x80  }
0xae: {  	[sflag:s16] =	ssyncset.done $0x0  }
0xaf: {  	[sflag:s16] =	ssyncadd.s32 $0xFFFFFF80  }
0xb0: {  	_ =	swait.ge [sflag:s16], $0x80  }
0xb1: {  	[sflag:s16] =	ssyncset.done $0x0  }
0xb2: {  	[sflag:s16] =	ssyncadd.s32 $0xFFFFFF80  }
0xb3: {  	_ =	swait.ge [sflag:s16], $0x80  }
0xb4: {  	[sflag:s16] =	ssyncset.done $0x0  }
0xb5: {  	[sflag:s16] =	ssyncadd.s32 $0xFFFFFF80  }
0xb6: {  	_ =	swait.ge [sflag:s16], $0x80  }
0xb7: {  	[sflag:s16] =	ssyncset.done $0x0  }
0xb8: {  	[sflag:s16] =	ssyncadd.s32 $0xFFFFFF80  }
0xb9: {  	_ =	swait.ge [sflag:s16], $0x80  }
0xba: {  	[sflag:s16] =	ssyncset.done $0x0  }
0xbb: {  	[sflag:s16] =	ssyncadd.s32 $0xFFFFFF80  }
0xbc: {  	_ =	swait.ge [sflag:s16], $0x80  }
0xbd: {  	[sflag:s16] =	ssyncset.done $0x0  }
0xbe: {  	[sflag:s16] =	ssyncadd.s32 $0xFFFFFF80  }
0xbf: {  	_ =	swait.ge [sflag:s16], $0x80  }
0xc0: {  	[sflag:s16] =	ssyncset.done $0x0  }
0xc1: {  	[sflag:s16] =	ssyncadd.s32 $0xFFFFFF80  }
.Ltmp0:
0xc2: {  	_ =	swait.ge [sflag:s16], $0x80;
	(pc) =	sbr.rel @p1 .LBB2_2-.Ltmp0, $4  }
0xc3: {  	[sflag:s16] =	ssyncset.done $0x0  }
0xc4: {  	[sflag:s16] =	ssyncadd.s32 $0xFFFFFF80  }
0xc5: {  	_ =	swait.ge [sflag:s16], $0x80  }
0xc6: {  	s28 =	smov.u32 s24;
	s26 =	sshra.s32 s25, $0x2;
	[sflag:s16] =	ssyncset.done $0x0  }
0xc7: {  	s24 =	sadd.s32 $0x2800, s26;
	[sflag:s16] =	ssyncadd.s32 $0xFFFFFF80  }
0xc8: {  	[spmem:s2] =	stream.indirect.scatter.add.f32 [tilespmem:s26], [sflag:$0x1], $0x1, s24, s17, $0xb8;
	[tilespmem:$0x4100] =	vst v63  }
0xc9: {  	s25 =	sadd.s32 $0x1400, s26  }
0xca: {  	[spmem:s3] =	stream.indirect.scatter.add.f32 [tilespmem:s25], [sflag:$0x1], $0x1, s24, s17, $0xb8;
	[tilespmem:$0x4100] =	vst v63  }
0xcb: {  	s28 =	sadd.s32 $0x2880, s26;
	s25 =	sadd.s32 $0x80, s26  }
0xcc: {  	[spmem:s2] =	stream.indirect.scatter.add.f32 [tilespmem:s25], [sflag:$0x1], $0x1, s28, s17, $0xb8;
	[tilespmem:$0x4100] =	vst v63  }
0xcd: {  	s29 =	sadd.s32 $0x1480, s26  }
0xce: {  	[spmem:s3] =	stream.indirect.scatter.add.f32 [tilespmem:s29], [sflag:$0x1], $0x1, s28, s17, $0xb8;
	[tilespmem:$0x4100] =	vst v63  }
0xcf: {  	s30 =	sadd.s32 $0x100, s26;
	s31 =	sadd.s32 $0x2900, s26  }
0xd0: {  	[spmem:s2] =	stream.indirect.scatter.add.f32 [tilespmem:s30], [sflag:$0x1], $0x1, s31, s17, $0xb8;
	[tilespmem:$0x4100] =	vst v63  }
0xd1: {  	s28 =	sadd.s32 $0x1500, s26  }
0xd2: {  	[spmem:s3] =	stream.indirect.scatter.add.f32 [tilespmem:s28], [sflag:$0x1], $0x1, s31, s17, $0xb8;
	[tilespmem:$0x4100] =	vst v63  }
0xd3: {  	s29 =	sadd.s32 $0x180, s26;
	s30 =	sadd.s32 $0x2980, s26  }
0xd4: {  	[spmem:s2] =	stream.indirect.scatter.add.f32 [tilespmem:s29], [sflag:$0x1], $0x1, s30, s17, $0xb8;
	[tilespmem:$0x4100] =	vst v63  }
0xd5: {  	s31 =	sadd.s32 $0x1580, s26  }
0xd6: {  	[spmem:s3] =	stream.indirect.scatter.add.f32 [tilespmem:s31], [sflag:$0x1], $0x1, s30, s17, $0xb8;
	[tilespmem:$0x4100] =	vst v63  }
0xd7: {  	s25 =	sadd.s32 $0x200, s26;
	s28 =	sadd.s32 $0x2A00, s26  }
0xd8: {  	[spmem:s2] =	stream.indirect.scatter.add.f32 [tilespmem:s25], [sflag:$0x1], $0x1, s28, s17, $0xb8;
	[tilespmem:$0x4100] =	vst v63  }
0xd9: {  	s29 =	sadd.s32 $0x1600, s26  }
0xda: {  	[spmem:s3] =	stream.indirect.scatter.add.f32 [tilespmem:s29], [sflag:$0x1], $0x1, s28, s17, $0xb8;
	[tilespmem:$0x4100] =	vst v63  }
0xdb: {  	s30 =	sadd.s32 $0x280, s26;
	s31 =	sadd.s32 $0x2A80, s26  }
0xdc: {  	[spmem:s2] =	stream.indirect.scatter.add.f32 [tilespmem:s30], [sflag:$0x1], $0x1, s31, s17, $0xb8;
	[tilespmem:$0x4100] =	vst v63  }
0xdd: {  	s28 =	sadd.s32 $0x1680, s26  }
0xde: {  	[spmem:s3] =	stream.indirect.scatter.add.f32 [tilespmem:s28], [sflag:$0x1], $0x1, s31, s17, $0xb8;
	[tilespmem:$0x4100] =	vst v63  }
0xdf: {  	s29 =	sadd.s32 $0x300, s26;
	s30 =	sadd.s32 $0x2B00, s26  }
0xe0: {  	[spmem:s2] =	stream.indirect.scatter.add.f32 [tilespmem:s29], [sflag:$0x1], $0x1, s30, s17, $0xb8;
	[tilespmem:$0x4100] =	vst v63  }
0xe1: {  	s31 =	sadd.s32 $0x1700, s26  }
0xe2: {  	[spmem:s3] =	stream.indirect.scatter.add.f32 [tilespmem:s31], [sflag:$0x1], $0x1, s30, s17, $0xb8;
	[tilespmem:$0x4100] =	vst v63  }
0xe3: {  	s28 =	sadd.s32 $0x380, s26;
	s29 =	sadd.s32 $0x2B80, s26  }
0xe4: {  	[spmem:s2] =	stream.indirect.scatter.add.f32 [tilespmem:s28], [sflag:$0x1], $0x1, s29, s17, $0xb8;
	[tilespmem:$0x4100] =	vst v63  }
0xe5: {  	s30 =	sadd.s32 $0x1780, s26  }
0xe6: {  	[spmem:s3] =	stream.indirect.scatter.add.f32 [tilespmem:s30], [sflag:$0x1], $0x1, s29, s17, $0xb8;
	[tilespmem:$0x4100] =	vst v63  }
0xe7: {  	_ =	swait.ge [sflag:s16], $0x80  }
0xe8: {  	[sflag:s16] =	ssyncset.done $0x0  }
0xe9: {  	[sflag:s16] =	ssyncadd.s32 $0xFFFFFF80  }
0xea: {  	_ =	swait.ge [sflag:s16], $0x80  }
0xeb: {  	[sflag:s16] =	ssyncset.done $0x0  }
0xec: {  	[sflag:s16] =	ssyncadd.s32 $0xFFFFFF80  }
0xed: {  	_ =	swait.ge [sflag:s16], $0x80  }
0xee: {  	[sflag:s16] =	ssyncset.done $0x0  }
0xef: {  	[sflag:s16] =	ssyncadd.s32 $0xFFFFFF80  }
0xf0: {  	_ =	swait.ge [sflag:s16], $0x80  }
0xf1: {  	[sflag:s16] =	ssyncset.done $0x0  }
0xf2: {  	[sflag:s16] =	ssyncadd.s32 $0xFFFFFF80  }
0xf3: {  	_ =	swait.ge [sflag:s16], $0x80  }
0xf4: {  	[sflag:s16] =	ssyncset.done $0x0  }
0xf5: {  	[sflag:s16] =	ssyncadd.s32 $0xFFFFFF80  }
0xf6: {  	_ =	swait.ge [sflag:s16], $0x80  }
0xf7: {  	[sflag:s16] =	ssyncset.done $0x0  }
0xf8: {  	[sflag:s16] =	ssyncadd.s32 $0xFFFFFF80  }
0xf9: {  	_ =	swait.ge [sflag:s16], $0x80  }
0xfa: {  	[sflag:s16] =	ssyncset.done $0x0  }
0xfb: {  	[sflag:s16] =	ssyncadd.s32 $0xFFFFFF80  }
0xfc: {  	_ =	swait.ge [sflag:s16], $0x80  }
0xfd: {  	[sflag:s16] =	ssyncset.done $0x0  }
0xfe: {  	[sflag:s16] =	ssyncadd.s32 $0xFFFFFF80  }
0xff: {  	_ =	swait.ge [sflag:s16], $0x80  }
0x100: {  	[sflag:s16] =	ssyncset.done $0x0  }
0x101: {  	[sflag:s16] =	ssyncadd.s32 $0xFFFFFF80  }
0x102: {  	_ =	swait.ge [sflag:s16], $0x80  }
0x103: {  	[sflag:s16] =	ssyncset.done $0x0  }
0x104: {  	[sflag:s16] =	ssyncadd.s32 $0xFFFFFF80  }
0x105: {  	_ =	swait.ge [sflag:s16], $0x80  }
0x106: {  	[sflag:s16] =	ssyncset.done $0x0  }
0x107: {  	[sflag:s16] =	ssyncadd.s32 $0xFFFFFF80  }
0x108: {  	_ =	swait.ge [sflag:s16], $0x80  }
0x109: {  	[sflag:s16] =	ssyncset.done $0x0  }
0x10a: {  	[sflag:s16] =	ssyncadd.s32 $0xFFFFFF80  }
0x10b: {  	_ =	swait.ge [sflag:s16], $0x80  }
0x10c: {  	[sflag:s16] =	ssyncset.done $0x0  }
0x10d: {  	[sflag:s16] =	ssyncadd.s32 $0xFFFFFF80  }
0x10e: {  	_ =	swait.ge [sflag:s16], $0x80  }
0x10f: {  	[sflag:s16] =	ssyncset.done $0x0  }
0x110: {  	[sflag:s16] =	ssyncadd.s32 $0xFFFFFF80  }
0x111: {  	_ =	swait.ge [sflag:s16], $0x80  }
0x112: {  	[sflag:s16] =	ssyncset.done $0x0  }
0x113: {  	[sflag:s16] =	ssyncadd.s32 $0xFFFFFF80  }
0x114: {  	_ =	swait.ge [sflag:s16], $0x80  }
0x115: {  	[sflag:s16] =	ssyncset.done $0x0  }
0x116: {  	s31 =	sshll.u32 s0, $0x6;
	[sflag:s16] =	ssyncadd.s32 $0xFFFFFF80  }
0x117: {  	s24 =	sor.u32 $0x1C02, s31;
	[bflag:$0x0] =	sbarrier.arrive $0xFFFF  }
0x118: {  	[hbm:s9@s19], [sflag:s24] =	dma.strided [spmem:s18@s20], $0x50, s16, $0x10   }
0x119: {  	s23 =	sadd.s32 $0x1, s23;
	_ =	swait.ge [sflag:s21], $0x50  }
0x11a: {  	p1 =	sne.s32 s23, s11;
	[sflag:s21] =	ssyncset.done $0x0  }
.Ltmp1:
0x11b: {  	[sflag:s21] =	ssyncadd.s32 $0xFFFFFFB0;
	(pc) =	sbr.rel @p1 .LBB2_1-.Ltmp1, $4  }
0x11c: {  	[hbm:s10@s19], [sflag:s24] =	dma.strided [spmem:s22@s20], $0x50, s16, $0x10   }
0x11d: {  	_ =	swait.ge [sflag:s21], $0x50  }
0x11e: {  	[sflag:s21] =	ssyncset.done $0x0  }
0x11f: {  	[sflag:s21] =	ssyncadd.s32 $0xFFFFFFB0  }
0x120: {  	_ =	sfence.sel $0x180000  }
0x121: {  	[bflag:$0x0] =	sbarrier.arrive $0xFFFF  }
0x122: {  	_ =	strace $0x9000004D  }
0x123: {  	s0 =	sadd.s32 @!p0 $0x100000, s1;
	[bflag:$0x2] =	sbarrier.arrive $0xFFFF  }
0x124: {  	[sflag:s0] =	ssyncadd.tile.s32 @!p0 $0x1;
	_ =	shalt  }
.Lfunc_end2:
_tile_overlayer_lowered:
.L_overlay_start_2:
0x125: {  	(tag) =	ssettag $0x2  }
0x126: {  	s0 =	rddreg [dreg:$0x0];
	s2 =	stileid.u32  }
0x127: {  	s1 =	rddreg [dreg:$0x1];
	p0 =	sne.s32 s2, $0x0  }
0x128: {  	s3 =	rddreg [dreg:$0x2];
	[bflag:$0x3] =	sbarrier.arrive $0xFFFF;
	s2 =	simm.s32 @!p0 $0x1C02  }
0x129: {  	[timem:s3], [sflag:s2] =	dma.local @!p0 [hbm:s0], s1  }
0x12a: {  	s0 =	simm.s32 @!p0 $0x2  }
0x12b: {  	_ =	swait.ge @!p0 [sflag:s0], s1  }
0x12c: {  	s1 =	ssub.s32 @!p0 $0x0, s1;
	[sflag:s0] =	ssyncset.done @!p0 $0x0  }
0x12d: {  	[sflag:s0] =	ssyncadd.s32 @!p0 s1  }
0x12e: {  	[bflag:$0x3] =	sbarrier.arrive $0xFFFF  }
0x12f: {  	_ =	shalt  }

// kernel: kernel.8.cloned.1.call-start
scs
__scs_entry_jumppad:
0x0: {  	(pc) =	sbr.rel $0x88, $3  }
0x1: {  	(tag) =	ssettag $0x0;
	lr =	simm.s32 $0x1  }
0x2: {  	[smem:$0x3F98] =	sst lr;
	_ =	strace $0xD0000000  }
0x3: {  	_ = 	snop  }
0x4: {  	_ = 	snop  }
0x5: {  	_ = 	snop  }
0x6: {  	_ = 	snop  }
0x7: {  	_ = 	snop  }
__scs_overlays_trampoline_lowered:
0x8: {  	[smem:$0x3FA7] =	sst s0  }
0x9: {  	[smem:$0x3FA8] =	sst s1  }
0xa: {  	[smem:$0x3FA9] =	sst s2  }
0xb: {  	[smem:$0x3FAA] =	sst s3  }
0xc: {  	[smem:$0x3FAB] =	sst s4  }
0xd: {  	[smem:$0x3FAC] =	sst s5  }
0xe: {  	[smem:$0x3FAD] =	sst s6  }
0xf: {  	[smem:$0x3FAE] =	sst s7  }
0x10: {  	[smem:$0x3FAF] =	sst s8  }
0x11: {  	[smem:$0x3FB0] =	sst s9;
	s0 =	simm.s32 @!p0 $0x0  }
0x12: {  	s1 =	sld [smem:$0x3F96];
	s0 =	simm.s32 @p0 $0x1  }
0x13: {  	[smem:$0x3FB1] =	sst s0;
	s0 =	simm.s32 @!p1 $0x0  }
0x14: {  	s2 =	sld [smem:$0x3F95];
	s0 =	simm.s32 @p1 $0x1  }
0x15: {  	[smem:$0x3FB2] =	sst s0;
	s0 =	simm.s32 @!p2 $0x0  }
0x16: {  	s3 =	sld [smem:$0x3FDB];
	s0 =	simm.s32 @p2 $0x1  }
0x17: {  	s4 =	simm.s32 $0x1BF5;
	[smem:$0x3FB4] =	sst s0  }
0x18: {  	s0 =	sld [smem:$0x3F97];
	_ =	swait.ge [sflag:s4], $0x0  }
0x19: {  	s7 =	sld [smem:$0x3F98]  }
0x1a: {  	s8 =	sadd.s32 $0xFFFFE003, lr  }
0x1b: {  	s9 =	sadd.s32 $0xFFFFFEF7, lr;
	s5 =	simm.s32 $0xFFFFFFFF;
	p2 =	slt.u32 s8, $0xFFFFF086  }
0x1c: {  	p1 =	slt.u32 s9, $0xF7A;
	s5 =	simm.s32 @!p2 $0x0  }
0x1d: {  	s5 =	simm.s32 @p1 $0x1;
	p0 =	seq.s32 s7, s2  }
0x1e: {  	s7 =	smul.u32 @!p0 $0xF7A, s2;
	p2 =	seq.s32 @!p0 s5, $0x0  }
0x1f: {  	s9 =	smul.u32 $0xF7A, s1;
	s8 =	simm.s32 @!p0 $0x1BF5;
	p2 =	por !p2, p0  }
0x20: {  	[sflag:s8] =	ssyncset.s32 @!p0 $0xFFFFF086;
	s6 =	sadd.s32 @!p0 s3, s7;
	s7 =	simm.s32 @!p0 $0x108  }
0x21: {  	s3 =	sadd.s32 s3, s9;
	s6 =	sadd.s32 @!p0 $0x88, s6;
	s7 =	simm.s32 @p2 $0x1082  }
0x22: {  	[simem:s7], [sflag:s8] =	dma.local @!p0 [hbm:s6], $0xF7A  }
0x23: {  	s9 =	sor.u32 $0xD0000000, s2;
	s6 =	simm.s32 $0x108;
	_ =	swait.ge @!p0 [sflag:s8], $0x0  }
0x24: {  	s3 =	sadd.s32 $0x88, s3;
	s6 =	simm.s32 @!p1 $0x1082;
	[sflag:s4] =	ssyncset.s32 $0xFFFFF086  }
0x25: {  	[simem:s6], [sflag:s4] =	dma.local [hbm:s3], $0xF7A  }
0x26: {  	[smem:$0x3F98] =	sst s1;
	(tag) =	ssettag s2;
	_ =	strace s9  }
0x27: {  	s1 =	sld [smem:$0x3FA8]  }
0x28: {  	s2 =	sld [smem:$0x3FA9]  }
0x29: {  	s4 =	sld [smem:$0x3FAB]  }
0x2a: {  	p0 =	seq.s32 s5, $0x0;
	s5 =	sld [smem:$0x3FAC]  }
0x2b: {  	s6 =	sld [smem:$0x3FAD]  }
0x2c: {  	s7 =	sld [smem:$0x3FAE]  }
0x2d: {  	s3 =	simm.s32 $0x108;
	s8 =	sld [smem:$0x3FAF]  }
0x2e: {  	s3 =	simm.s32 @!p0 $0x1082;
	s9 =	sld [smem:$0x3FB0]  }
0x2f: {  	lr =	sadd.s32 s0, s3;
	s0 =	sld [smem:$0x3FA7]  }
0x30: {  	s3 =	sld [smem:$0x3FAA]  }
0x31: {  	[smem:$0x3FB3] =	sst s10  }
0x32: {  	s10 =	sld [smem:$0x3FB1];
	_ =	sdelay $0x3  }
0x33: {  	p0 =	seq.s32 s10, $0x1;
	s10 =	sld [smem:$0x3FB3];
	_ =	sdelay $0x3  }
0x34: {  	[smem:$0x3FB3] =	sst s10  }
0x35: {  	s10 =	sld [smem:$0x3FB2];
	_ =	sdelay $0x3  }
0x36: {  	p1 =	seq.s32 s10, $0x1;
	s10 =	sld [smem:$0x3FB3];
	_ =	sdelay $0x3  }
0x37: {  	[smem:$0x3FB3] =	sst s10  }
0x38: {  	s10 =	sld [smem:$0x3FB4]  }
0x39: {  	_ = 	snop;
	(pc) =	sbr.ind lr, $3  }
0x3a: {  	_ = 	snop  }
0x3b: {  	_ = 	snop  }
0x3c: {  	p2 =	seq.s32 s10, $0x1;
	s10 =	sld [smem:$0x3FB3]  }
0x3d: {  	_ =	shalt  }
0x3e: {  	_ =	shalt  }
0x3f: {  	_ =	shalt  }
0x40: {  	_ =	shalt  }
0x41: {  	_ =	shalt  }
0x42: {  	_ =	shalt  }
0x43: {  	_ =	shalt  }
0x44: {  	_ =	shalt  }
0x45: {  	_ =	shalt  }
0x46: {  	_ =	shalt  }
0x47: {  	_ =	shalt  }
0x48: {  	_ =	shalt  }
0x49: {  	_ =	shalt  }
0x4a: {  	_ =	shalt  }
0x4b: {  	_ =	shalt  }
0x4c: {  	_ =	shalt  }
0x4d: {  	_ =	shalt  }
0x4e: {  	_ =	shalt  }
0x4f: {  	_ =	shalt  }
0x50: {  	_ =	shalt  }
0x51: {  	_ =	shalt  }
0x52: {  	_ =	shalt  }
0x53: {  	_ =	shalt  }
0x54: {  	_ =	shalt  }
0x55: {  	_ =	shalt  }
0x56: {  	_ =	shalt  }
0x57: {  	_ =	shalt  }
0x58: {  	_ =	shalt  }
0x59: {  	_ =	shalt  }
0x5a: {  	_ =	shalt  }
0x5b: {  	_ =	shalt  }
0x5c: {  	_ =	shalt  }
0x5d: {  	_ =	shalt  }
0x5e: {  	_ =	shalt  }
0x5f: {  	_ =	shalt  }
0x60: {  	_ =	shalt  }
0x61: {  	_ =	shalt  }
0x62: {  	_ =	shalt  }
0x63: {  	_ =	shalt  }
0x64: {  	_ =	shalt  }
0x65: {  	_ =	shalt  }
0x66: {  	_ =	shalt  }
0x67: {  	_ =	shalt  }
0x68: {  	_ =	shalt  }
0x69: {  	_ =	shalt  }
0x6a: {  	_ =	shalt  }
0x6b: {  	_ =	shalt  }
0x6c: {  	_ =	shalt  }
0x6d: {  	_ =	shalt  }
0x6e: {  	_ =	shalt  }
0x6f: {  	_ =	shalt  }
0x70: {  	_ =	shalt  }
0x71: {  	_ =	shalt  }
0x72: {  	_ =	shalt  }
0x73: {  	_ =	shalt  }
0x74: {  	_ =	shalt  }
0x75: {  	_ =	shalt  }
0x76: {  	_ =	shalt  }
0x77: {  	_ =	shalt  }
0x78: {  	_ =	shalt  }
0x79: {  	_ =	shalt  }
0x7a: {  	_ =	shalt  }
0x7b: {  	_ =	shalt  }
0x7c: {  	_ =	shalt  }
0x7d: {  	_ =	shalt  }
0x7e: {  	_ =	shalt  }
0x7f: {  	_ =	shalt  }
0x80: {  	_ =	shalt  }
0x81: {  	_ =	shalt  }
0x82: {  	_ =	shalt  }
0x83: {  	_ =	shalt  }
0x84: {  	_ =	shalt  }
0x85: {  	_ =	shalt  }
0x86: {  	_ =	shalt  }
0x87: {  	_ =	shalt  }
.Lfunc_end0:
.L_simem_size_0:
called_computation_lowered:
.L_overlay_start_0:
0x88: {  	s2 =	sld [smem:$0x3FD9]  }
0x89: {  	s3 =	sld [smem:$0x3FFE];
	_ =	sdelay $0x1  }
0x8a: {  	s1 =	srdreg.scid  }
0x8b: {  	s0 =	sand.u32 $0x1, s1  }
0x8c: {  	s17 =	sshll.u32 s0, $0xA;
	s2 =	sadd.s32 s3, s2  }
0x8d: {  	s2 =	sadd.s32 s2, s17  }
0x8e: {  	[smem:$0x3FBF] =	sst s2  }
0x8f: {  	_ = 	snop  }
0x90: {  	s2 =	sld [smem:$0x3FC7];
	(tm) =	ssettm $0x1  }
0x91: {  	s18 =	sld [smem:$0x3FFB];
	_ =	sdelay $0x3  }
0x92: {  	_ =	strace s18  }
0x93: {  	s3 =	sld [smem:$0x3FFC];
	_ =	sdelay $0x3  }
0x94: {  	_ =	strace s3  }
0x95: {  	s3 =	sld [smem:$0x3FFD];
	_ =	sdelay $0x3  }
0x96: {  	_ =	strace s3  }
0x97: {  	_ =	strace $0x8FFFFFFF  }
0x98: {  	s19 =	sld [smem:$0x3FDB];
	_ =	sdelay $0x1  }
0x99: {  	s4 =	simm.s32 $_scs_section_size  }
0x9a: {  	s5 =	simm.s32 $_size__tile_overlayer_lowered;
	s6 =	simm.s32 $_tile_overlayer_lowered  }
0x9b: {  	s22 =	simm.s32 $0x1BFF;
	s21 =	sshll.u32 s6, $0x1;
	s3 =	sadd.s32 s4, s19  }
0x9c: {  	s7 =	simm.s32 $0x0;
	s20 =	sshll.u32 s5, $0x1;
	s5 =	sadd.s32 s21, s3  }
0x9d: {  	[timem:s7], [sflag:s22] =	dma.local [hbm:s5], s20  }
0x9e: {  	_ =	swait.ge [sflag:s22], s20  }
0x9f: {  	s4 =	ssub.s32 $0x0, s20;
	[sflag:s22] =	ssyncset.done $0x0  }
0xa0: {  	[sflag:s22] =	ssyncadd.s32 s4;
	_ =	sdelay $0x1  }
0xa1: {  	s23 =	simm.s32 $0x1B8B  }
0xa2: {  	_ =	swait.ge [sflag:s23], $0x1  }
0xa3: {  	[sflag:s23] =	ssyncset.done $0x0  }
0xa4: {  	s25 =	simm.s32 $0x1B8E;
	s24 =	sld [smem:$0x3FFE];
	[sflag:s23] =	ssyncadd.s32 $0xFFFFFFFF  }
0xa5: {  	s26 =	simm.s32 $execute0_lowered;
	[smem:$0x3FD2] =	sst s25  }
0xa6: {  	s5 =	sshll.u32 s26, $0x1;
	_ =	strace $0x80000046;
	[dreg:$0x1] =	wrdreg $0xFFFFFFFF  }
0xa7: {  	s28 =	simm.s32 $_size_execute0_lowered;
	s3 =	sadd.s32 s3, s5;
	[dreg:$0x0] =	wrdreg $0x0  }
0xa8: {  	s5 =	sshll.u32 s28, $0x1;
	[dreg:$0x2] =	wrdreg s3  }
0xa9: {  	[dreg:$0x3] =	wrdreg s5  }
0xaa: {  	[dreg:$0x4] =	wrdreg $0xC0  }
0xab: {  	_ =	task [dreg:s7], $0x5FFFF  }
0xac: {  	[dreg:$0x1] =	wrdreg $0xFFFFFFFF  }
0xad: {  	[dreg:$0x0] =	wrdreg $0x60  }
0xae: {  	[dreg:$0x2] =	wrdreg s24  }
0xaf: {  	[dreg:$0x3] =	wrdreg s2  }
0xb0: {  	[dreg:$0x4] =	wrdreg $0x9  }
0xb1: {  	_ =	task.clear_ibuf [dreg:s7], $0x5FFFF;
	_ =	strace $0x90000046  }
0xb2: {  	s29 =	simm.s32 $0x9;
	_ =	strace $0x80000048  }
0xb3: {  	_ =	swait.ge [sflag:s29], $0x1  }
0xb4: {  	[sflag:s29] =	ssyncadd.s32 $0xFFFFFFFF  }
0xb5: {  	_ =	strace $0x90000048  }
0xb6: {  	_ =	sfence  }
0xb7: {  	s30 =	sld [smem:$0x0];
	_ =	sdelay $0x2  }
0xb8: {  	s31 =	sshll.u32 s1, $0xD;
	s1 =	sshrl.u32 s1, $0x2  }
0xb9: {  	s3 =	sand.u32 $0x4000, s31;
	s1 =	sadd.s32 s1, s30  }
0xba: {  	s0 =	sor.u32 s3, s0;
	s1 =	sshll.u32 s1, $0x11  }
0xbb: {  	s0 =	sor.u32 s1, s0  }
0xbc: {  	s0 =	sadd.s32 $0x8F2B, s0  }
0xbd: {  	[sflag:s0] =	ssyncadd.remote.s32 $0x1  }
0xbe: {  	_ =	sfence.sel $0xFFFF  }
0xbf: {  	[dreg:$0x0] =	wrdreg $0xFFFFFFFF;
	(pc) =	sbr.abs _section_cstart, $3  }
0xc0: {  	[dreg:$0x1] =	wrdreg $0xFFFFFFFF  }
0xc1: {  	_ =	task.clear_ibuf [dreg:s7], $0x2FFFF;
	_ =	strace $0x9FFFFFFF  }
0xc2: {  	(tm) =	ssettm $0x7FFFFFFF  }
0xc3: {  	_ =	shalt  }
tec
execute0_lowered:
.L_overlay_start_1:
0x0: {  	(tag) =	ssettag $0x1  }
0x1: {  	s4 =	rddreg [dreg:$0x0]  }
0x2: {  	s1 =	srdreg.scid;
	s0 =	stileid.u32  }
0x3: {  	s5 =	rddreg [dreg:$0x1];
	s2 =	simm.s32 $0x0;
	s10 =	simm.s32 $0x0  }
0x4: {  	s3 =	sand.u32 $0x1, s1;
	s6 =	sshll.u32 s0, $0x1;
	s1 =	rddreg [dreg:$0x2]  }
0x5: {  	[smem:$0x7FF] =	sst s2;
	s6 =	sor.u32 s3, s6;
	s7 =	ssub.s32 $0x2, s3  }
0x6: {  	_ =	strace $0x80000047;
	s6 =	smul.u32 $0x4E2, s6;
	s8 =	sshrl.u32 s7, $0x1  }
0x7: {  	s3 =	sadd.s32 $0x2400, s4;
	s7 =	ssub.s32 s7, s8;
	s8 =	simm.s32 $0x2780  }
0x8: {  	s9 =	sadd.s32 s6, s4;
	s4 =	sadd.s32 s5, s6;
	s6 =	smax.u32 s7, $0x1  }
0x9: {  	s7 =	simm.s32 $0x1;
	s5 =	sadd.s32 $0x2A00, s9;
	s9 =	simm.s32 $0x4F00  }
.LBB2_1:
0xa: {  	[tilespmem:s2], [sflag:$0x1] =	stream.linear.gather [hbm4b:s3+s2], $0x2780, $0x38;
	[tilespmem:$0x7680] =	vst v63  }
0xb: {  	_ =	swait.ge [sflag:s7], $0x2780  }
0xc: {  	[sflag:s7] =	ssyncset.done $0x0  }
0xd: {  	[sflag:s7] =	ssyncadd.s32 $0xFFFFD880  }
0xe: {  	[tilespmem:s8], [sflag:$0x1] =	stream.linear.gather [hbm4b:s4+s2], $0x2710, $0x38;
	[tilespmem:$0x7680] =	vst v63  }
0xf: {  	_ =	swait.ge [sflag:s7], $0x2710  }
0x10: {  	[sflag:s7] =	ssyncset.done $0x0  }
0x11: {  	s11 =	simm.s32 $0x0;
	[sflag:s7] =	ssyncadd.s32 $0xFFFFD8F0  }
0x12: {  	v0 =	vld [tilespmem:s11+$0x2780];
	_ =	sdelay $0x5  }
0x13: {  	v1 =	vld [tilespmem:s11+$0x2790];
	_ =	sdelay $0x1  }
0x14: {  	v0 =	vld.idx.msk [tilespmem:v0+s2+$0x0], $0xffff;
	_ =	sdelay $0x4  }
0x15: {  	v2 =	vld [tilespmem:s11+$0x27A0];
	[tilespmem:s11+$0x4F00] =	vst v0  }
0x16: {  	v0 =	vld.idx.msk [tilespmem:v1+s2+$0x0], $0xffff;
	_ =	sdelay $0x4  }
0x17: {  	[tilespmem:s11+$0x4F10] =	vst v0;
	v0 =	vld [tilespmem:s11+$0x27B0];
	_ =	sdelay $0x1  }
0x18: {  	v1 =	vld.idx.msk [tilespmem:v2+s2+$0x0], $0xffff;
	_ =	sdelay $0x3  }
0x19: {  	s13 =	simm.s32 $0x40;
	s12 =	simm.s32 $0x200  }
.LBB2_2:
0x1a: {  	p0 =	sne.s32 s12, $0x9B00;
	v2 =	vld [tilespmem:s13+$0x2780];
	[tilespmem:s11+$0x4F20] =	vst v1  }
0x1b: {  	v0 =	vld.idx.msk [tilespmem:v0+s2+$0x0], $0xffff;
	_ =	sdelay $0x5  }
0x1c: {  	v1 =	vld [tilespmem:s13+$0x2790];
	[tilespmem:s11+$0x4F30] =	vst v0;
	s11 =	smov.u32 s13  }
0x1d: {  	v0 =	vld.idx.msk [tilespmem:v2+s2+$0x0], $0xffff;
	_ =	sdelay $0x5  }
0x1e: {  	[tilespmem:s11+$0x4F00] =	vst v0;
	v2 =	vld [tilespmem:s11+$0x27A0]  }
0x1f: {  	v0 =	vld.idx.msk [tilespmem:v1+s2+$0x0], $0xffff;
	_ =	sdelay $0x5  }
0x20: {  	[tilespmem:s11+$0x4F10] =	vst v0;
	v0 =	vld [tilespmem:s11+$0x27B0]  }
0x21: {  	v1 =	vld.idx.msk [tilespmem:v2+s2+$0x0], $0xffff  }
.Ltmp0:
0x22: {  	(pc) =	sbr.rel @p0 .LBB2_2-.Ltmp0, $2  }
0x23: {  	_ =	sdelay $0x2  }
0x24: {  	s13 =	sshra.s32 s12, $0x2;
	s12 =	sadd.s32 $0x100, s12  }
0x25: {  	_ =	sdelay $0x1  }
0x26: {  	v2 =	vld [tilespmem:s13+$0x2780]  }
0x27: {  	[tilespmem:s11+$0x4F20] =	vst v1  }
0x28: {  	v0 =	vld.idx.msk [tilespmem:v0+s2+$0x0], $0xffff;
	_ =	sdelay $0x3  }
0x29: {  	v1 =	vld [tilespmem:s13+$0x2790]  }
0x2a: {  	[tilespmem:s11+$0x4F30] =	vst v0  }
0x2b: {  	v0 =	vld.idx.msk [tilespmem:v2+s2+$0x0], $0xffff;
	_ =	sdelay $0x3  }
0x2c: {  	v62 =	vld [tilespmem:s13+$0x27A0]  }
0x2d: {  	[tilespmem:s13+$0x4F00] =	vst v0  }
0x2e: {  	v1 =	vld.idx.msk [tilespmem:v1+s2+$0x0], $0xffff;
	_ =	sdelay $0x3  }
0x2f: {  	v63 =	vld [tilespmem:s13+$0x27B0]  }
0x30: {  	[tilespmem:s13+$0x4F10] =	vst v1  }
0x31: {  	v0 =	vld.idx.msk [tilespmem:v62+s2+$0x0], $0xffff;
	_ =	sdelay $0x4  }
0x32: {  	[tilespmem:s13+$0x4F20] =	vst v0  }
0x33: {  	v0 =	vld.idx.msk [tilespmem:v63+s2+$0x0], $0xffff;
	_ =	sdelay $0x2  }
0x34: {  	s10 =	sadd.s32 $0x1, s10  }
0x35: {  	p0 =	sne.s32 s10, s6  }
.Ltmp1:
0x36: {  	[tilespmem:s13+$0x4F30] =	vst v0;
	(pc) =	sbr.rel @p0 .LBB2_1-.Ltmp1, $4  }
0x37: {  	[hbm4b:s5+s2] =	stream.linear.scatter [tilespmem:s9], [sflag:$0x1], $0x2710, $0x38;
	[tilespmem:$0x7680] =	vst v63  }
0x38: {  	_ =	swait.ge [sflag:s7], $0x2710  }
0x39: {  	[sflag:s7] =	ssyncset.done $0x0  }
0x3a: {  	[sflag:s7] =	ssyncadd.s32 $0xFFFFD8F0  }
0x3b: {  	_ =	sfence.sel $0x180000  }
0x3c: {  	[bflag:$0x0] =	sbarrier.arrive $0xFFFF  }
0x3d: {  	p0 =	sne.s32 s0, $0x0;
	_ =	strace $0x90000047  }
0x3e: {  	s0 =	sadd.s32 @!p0 $0x100000, s1;
	[bflag:$0x2] =	sbarrier.arrive $0xFFFF  }
0x3f: {  	[sflag:s0] =	ssyncadd.tile.s32 @!p0 $0x1;
	_ =	shalt  }
.Lfunc_end2:
_tile_overlayer_lowered:
.L_overlay_start_2:
0x40: {  	(tag) =	ssettag $0x2  }
0x41: {  	s0 =	rddreg [dreg:$0x0];
	s2 =	stileid.u32  }
0x42: {  	s1 =	rddreg [dreg:$0x1];
	p0 =	sne.s32 s2, $0x0  }
0x43: {  	s3 =	rddreg [dreg:$0x2];
	[bflag:$0x3] =	sbarrier.arrive $0xFFFF;
	s2 =	simm.s32 @!p0 $0x1C01  }
0x44: {  	[timem:s3], [sflag:s2] =	dma.local @!p0 [hbm:s0], s1  }
0x45: {  	s0 =	simm.s32 @!p0 $0x1  }
0x46: {  	_ =	swait.ge @!p0 [sflag:s0], s1  }
0x47: {  	s1 =	ssub.s32 @!p0 $0x0, s1;
	[sflag:s0] =	ssyncset.done @!p0 $0x0  }
0x48: {  	[sflag:s0] =	ssyncadd.s32 @!p0 s1  }
0x49: {  	[bflag:$0x3] =	sbarrier.arrive $0xFFFF  }
0x4a: {  	_ =	shalt  }

</sc_bundles>
